<compile_context>
chip_gen: v7x
topology: tpu7x:2x2x1
jax: 0.10.2.dev20260603
libtpu: 0.0.44.dev20260713+nightly
codegen_flags: <defaults>
</compile_context>

<pallas_src>
import functools

import jax
import jax.numpy as jnp
from jax import lax
from jax.experimental import pallas as pl
from jax.experimental.pallas import tpu as pltpu
from jax.experimental.pallas import tpu_sc as plsc

_B = 16384
_F = 26
_D = 16
_N = _B * _F
_IN = _F * _D
_H1 = 128
_H2 = 64
_EPS = 1e-5

_NW = 32
_RPW = _N // _NW
_CH = 128
_NCH = _RPW // _CH
_NB = 16
_NGRP = _NCH // _NB

_BC = 512
_NC = _B // _BC


_SPW = _B // _NW


def _sc_gather_body(idx_hbm, emb_hbm, fc_hbm, out_e, out_lin,
                    idx_v, ebuf, fbuf, lin_v, gsem, fsem, wsem):
    wid = lax.axis_index("s") * 2 + lax.axis_index("c")
    pltpu.sync_copy(idx_hbm.at[wid], idx_v)
    base = wid * _RPW

    half = _NB // 2
    ngrp2 = _NCH // half

    def fire_gathers(j0, ring):
        ds_ = []
        for b in range(half):
            row_idx = idx_v.at[j0 + b]
            ds_.append(pltpu.async_copy(emb_hbm.at[row_idx],
                                        ebuf.at[ring * half + b], gsem))
            ds_.append(pltpu.async_copy(fc_hbm.at[0].at[row_idx], fbuf.at[j0 + b], fsem))
        return ds_

    def fire_writes(j0, ring):
        ds_ = []
        for b in range(half):
            row0 = base + (j0 + b) * _CH
            ds_.append(pltpu.async_copy(ebuf.at[ring * half + b],
                                        out_e.at[pl.ds(row0, _CH)], wsem))
        return ds_

    for d in fire_gathers(0, 0):
        d.wait()
    fire_writes(0, 0)

    def group(g, carry):
        ring = g % 2
        j0 = g * half
        gds = fire_gathers(j0, ring)
        for d in gds:
            d.wait()
        wds = fire_writes(j0, ring)
        for d in wds:
            d.wait()
        return carry

    lax.fori_loop(1, ngrp2, group, 0)
    for b in range(half):
        row0 = base + (_NCH - half + b) * _CH
        pltpu.make_async_copy(ebuf.at[b], out_e.at[pl.ds(row0, _CH)], wsem).wait()

    lane = lax.iota(jnp.int32, 16)

    def lin_step(g, carry):
        flat0 = (g * 16 + lane) * _F
        acc = jnp.zeros((16,), jnp.float32)
        for o in range(_F):
            fp = flat0 + o
            acc = acc + plsc.load_gather(fbuf, [fp >> 7, fp & 127])
        lin_v[pl.ds(g * 16, 16)] = acc
        return carry

    lax.fori_loop(0, _SPW // 16, lin_step, 0)
    pltpu.sync_copy(lin_v, out_lin.at[pl.ds(wid * _SPW, _SPW)])


_sc_gather = functools.partial(
    pl.kernel,
    out_type=(jax.ShapeDtypeStruct((_N, _D), jnp.float32),
              jax.ShapeDtypeStruct((_B,), jnp.float32)),
    mesh=plsc.VectorSubcoreMesh(core_axis_name="c", subcore_axis_name="s"),
    scratch_types=[
        pltpu.VMEM((_NCH, _CH), jnp.int32),
        pltpu.VMEM((_NB, _CH, _D), jnp.float32),
        pltpu.VMEM((_NCH, _CH), jnp.float32),
        pltpu.VMEM((_SPW,), jnp.float32),
        pltpu.SemaphoreType.DMA,
        pltpu.SemaphoreType.DMA,
        pltpu.SemaphoreType.DMA,
    ],
    compiler_params=pltpu.CompilerParams(use_tc_tiling_on_sc=False,
                                         needs_layout_passes=False),
)(_sc_gather_body)


def _tc_body(emb_ref, lin_ref, w1_ref, b1_ref, g1_ref, be1_ref,
             w2_ref, b2_ref, g2_ref, be2_ref, w3_ref, cst_ref, m_ref,
             out_ref, h1_s, h2_s, s1_s, q1_s, s2_s, q2_s, base_s):
    p = pl.program_id(0)
    i = pl.program_id(1)
    row0 = i * _BC

    @pl.when(p == 0)
    def _phase0():
        e = emb_ref[...]
        eb = e.astype(jnp.bfloat16)
        h1 = lax.dot_general(eb, w1_ref[...], (((1,), (1,)), ((), ())),
                             preferred_element_type=jnp.float32)
        h1 = h1 + b1_ref[...]
        h1_s[pl.ds(row0, _BC), :] = h1

        @pl.when(i == 0)
        def _():
            s1_s[...] = jnp.zeros_like(s1_s)
            q1_s[...] = jnp.zeros_like(q1_s)

        s1_s[...] += jnp.sum(h1, axis=0, keepdims=True)
        q1_s[...] += jnp.sum(h1 * h1, axis=0, keepdims=True)

        t = lax.dot_general(eb, m_ref[...], (((1,), (0,)), ((), ())),
                            preferred_element_type=jnp.float32)
        fm = 0.5 * (jnp.sum(t * t, axis=1, keepdims=True)
                    - jnp.sum(e * e, axis=1, keepdims=True))
        base_s[pl.ds(row0, _BC), :] = fm

    @pl.when(p == 1)
    def _phase1():
        mean = s1_s[...] * (1.0 / _B)
        var = q1_s[...] * (1.0 / _B) - mean * mean
        scale = lax.rsqrt(var + _EPS) * g1_ref[...]
        h1 = h1_s[pl.ds(row0, _BC), :]
        a = jnp.maximum((h1 - mean) * scale + be1_ref[...], 0.0)
        h2 = lax.dot_general(a, w2_ref[...], (((1,), (1,)), ((), ())),
                             preferred_element_type=jnp.float32)
        h2 = h2 + b2_ref[...]
        h2_s[pl.ds(row0, _BC), :] = h2

        @pl.when(i == 0)
        def _():
            s2_s[...] = jnp.zeros_like(s2_s)
            q2_s[...] = jnp.zeros_like(q2_s)

        s2_s[...] += jnp.sum(h2, axis=0, keepdims=True)
        q2_s[...] += jnp.sum(h2 * h2, axis=0, keepdims=True)

    @pl.when(p == 2)
    def _phase2():
        mean = s2_s[...] * (1.0 / _B)
        var = q2_s[...] * (1.0 / _B) - mean * mean
        scale = lax.rsqrt(var + _EPS) * g2_ref[...]
        h2 = h2_s[pl.ds(row0, _BC), :]
        a = jnp.maximum((h2 - mean) * scale + be2_ref[...], 0.0)
        mlp = jnp.sum(a * w3_ref[...], axis=1, keepdims=True)
        z = base_s[pl.ds(row0, _BC), :] + lin_ref[...] + mlp + cst_ref[0]
        out_ref[...] = jax.nn.sigmoid(z)


def _tc_forward(e2, lin2, w1, b1, g1, be1, w2, b2, g2, be2, w3, cst, m):
    whole = lambda shape: pl.BlockSpec(shape, lambda p, i: (0,) * len(shape))
    return pl.pallas_call(
        _tc_body,
        grid=(3, _NC),
        in_specs=[
            pl.BlockSpec((_BC, _IN), lambda p, i: (jnp.where(p == 0, i, 0), 0)),
            pl.BlockSpec((_BC, 1), lambda p, i: (jnp.where(p == 2, i, 0), 0)),
            whole((_H1, _IN)),
            whole((1, _H1)),
            whole((1, _H1)),
            whole((1, _H1)),
            whole((_H2, _H1)),
            whole((1, _H2)),
            whole((1, _H2)),
            whole((1, _H2)),
            whole((1, _H2)),
            pl.BlockSpec(memory_space=pltpu.SMEM),
            whole((_IN, _D)),
        ],
        out_specs=pl.BlockSpec((_BC, 1), lambda p, i: (i, 0)),
        out_shape=jax.ShapeDtypeStruct((_B, 1), jnp.float32),
        scratch_shapes=[
            pltpu.VMEM((_B, _H1), jnp.float32),
            pltpu.VMEM((_B, _H2), jnp.float32),
            pltpu.VMEM((1, _H1), jnp.float32),
            pltpu.VMEM((1, _H1), jnp.float32),
            pltpu.VMEM((1, _H2), jnp.float32),
            pltpu.VMEM((1, _H2), jnp.float32),
            pltpu.VMEM((_B, 1), jnp.float32),
        ],
    )(e2, lin2, w1, b1, g1, be1, w2, b2, g2, be2, w3, cst, m)


def kernel(x, offsets, emb, fc_w, fc_b, W1, b1, g1, be1, W2, b2, g2, be2, W3, b3):
    idx = (x + offsets[None, :]).reshape(_NW, _NCH, _CH)
    emb_rows, lin = _sc_gather(idx, emb, fc_w.T)
    e2 = emb_rows.reshape(_B, _IN)
    lin2 = lin.reshape(_B, 1)
    cst = (fc_b + b3).reshape(1)
    m = jnp.tile(jnp.eye(_D, dtype=jnp.bfloat16), (_F, 1))
    out = _tc_forward(e2, lin2, W1.astype(jnp.bfloat16),
                      b1.reshape(1, _H1), g1.reshape(1, _H1), be1.reshape(1, _H1),
                      W2, b2.reshape(1, _H2), g2.reshape(1, _H2), be2.reshape(1, _H2),
                      W3, cst, m)
    return out.reshape(_B)

# --- scband reference (transcript-rebuilt; emitter-appended) ---
"""Pipeline reference for scband-deep-factorization-machine-model-17368847745100 (READ-ONLY COPY).

The authoritative reference and input builder live on the scoring server;
editing this copy changes nothing except your own understanding.
"""

import jax, jax.numpy as jnp
import numpy as np

FIELD_SIZE = 38461
N_FIELDS = 26
TOTAL = FIELD_SIZE * N_FIELDS  # 999986
EMBED_DIM = 16
BATCH = 16384
H1, H2 = 128, 64
IN_DIM = N_FIELDS * EMBED_DIM  # 416
EPS = 1e-5


def setup_inputs(seed: int = 0) -> dict:
    key = jax.random.key(seed)
    ks = jax.random.split(key, 12)
    x = jax.random.randint(ks[0], (BATCH, N_FIELDS), 0, FIELD_SIZE, dtype=jnp.int32)
    offsets = (jnp.arange(N_FIELDS, dtype=jnp.int32) * FIELD_SIZE)
    # xavier-uniform-ish embedding init
    bound = float(np.sqrt(6.0 / (TOTAL + EMBED_DIM)))
    emb = jax.random.uniform(ks[1], (TOTAL, EMBED_DIM), minval=-bound, maxval=bound, dtype=jnp.float32)
    fc_w = jax.random.normal(ks[2], (TOTAL, 1), dtype=jnp.float32) * 0.01
    fc_b = jnp.zeros((1,), dtype=jnp.float32)
    W1 = jax.random.normal(ks[3], (H1, IN_DIM), dtype=jnp.float32) * (1.0 / np.sqrt(IN_DIM))
    b1 = jnp.zeros((H1,), dtype=jnp.float32)
    g1 = jnp.ones((H1,), dtype=jnp.float32)
    be1 = jnp.zeros((H1,), dtype=jnp.float32)
    W2 = jax.random.normal(ks[4], (H2, H1), dtype=jnp.float32) * (1.0 / np.sqrt(H1))
    b2 = jnp.zeros((H2,), dtype=jnp.float32)
    g2 = jnp.ones((H2,), dtype=jnp.float32)
    be2 = jnp.zeros((H2,), dtype=jnp.float32)
    W3 = jax.random.normal(ks[5], (1, H2), dtype=jnp.float32) * (1.0 / np.sqrt(H2))
    b3 = jnp.zeros((1,), dtype=jnp.float32)
    return {"x": x, "offsets": offsets, "emb": emb, "fc_w": fc_w, "fc_b": fc_b,
            "W1": W1, "b1": b1, "g1": g1, "be1": be1,
            "W2": W2, "b2": b2, "g2": g2, "be2": be2,
            "W3": W3, "b3": b3}


def _batchnorm(h, g, b):
    mean = jnp.mean(h, axis=0, keepdims=True)
    var = jnp.var(h, axis=0, keepdims=True)
    return (h - mean) / jnp.sqrt(var + EPS) * g + b


def reference(x, offsets, emb, fc_w, fc_b, W1, b1, g1, be1, W2, b2, g2, be2, W3, b3):
    idx = x + offsets[None, :]                       # [B, F]
    embed_x = jnp.take(emb, idx, axis=0)             # [B, F, D] gather
    # FeaturesLinear: per-feature scalar weights + bias
    lin = jnp.sum(jnp.take(fc_w, idx, axis=0), axis=1) + fc_b   # [B, 1]
    # FactorizationMachine (reduce_sum=True)
    square_of_sum = jnp.sum(embed_x, axis=1) ** 2    # [B, D]
    sum_of_square = jnp.sum(embed_x ** 2, axis=1)    # [B, D]
    fm = 0.5 * jnp.sum(square_of_sum - sum_of_square, axis=1, keepdims=True)  # [B, 1]
    # MLP (dropout = identity in eval; BatchNorm uses batch statistics)
    h = embed_x.reshape(-1, IN_DIM)
    h = h @ W1.T + b1
    h = jax.nn.relu(_batchnorm(h, g1, be1))
    h = h @ W2.T + b2
    h = jax.nn.relu(_batchnorm(h, g2, be2))
    mlp_out = h @ W3.T + b3                          # [B, 1]
    out = lin + fm + mlp_out
    return jax.nn.sigmoid(jnp.squeeze(out, axis=1))  # [B]

if __name__ == "__main__":
    import jax
    _d = setup_inputs()
    print(jax.jit(kernel)(*tuple(_d.values())))

</pallas_src>

<mosaic_0001>
#map = affine_map<(d0, d1) -> (0, 0, 0)>
#map1 = affine_map<(d0, d1) -> (0, 0)>
#map2 = affine_map<(d0, d1) -> (0)>
module attributes {stable_mosaic.version = 14 : i64} {
  func.func @_sc_gather_body(%arg0: i32, %arg1: i32, %arg2: memref<32x104x128xi32, #tpu.memory_space<hbm>>, %arg3: memref<999986x16xf32, #tpu.memory_space<hbm>>, %arg4: memref<1x999986xf32, #tpu.memory_space<hbm>>, %arg5: memref<425984x16xf32, #tpu.memory_space<hbm>>, %arg6: memref<16384xf32, #tpu.memory_space<hbm>>, %arg7: memref<104x128xi32, #tpu.memory_space<vmem>>, %arg8: memref<16x128x16xf32, #tpu.memory_space<vmem>>, %arg9: memref<104x128xf32, #tpu.memory_space<vmem>>, %arg10: memref<512xf32, #tpu.memory_space<vmem>>, %arg11: memref<!tpu.dma_semaphore, #tpu.memory_space<semaphore_mem>>, %arg12: memref<!tpu.dma_semaphore, #tpu.memory_space<semaphore_mem>>, %arg13: memref<!tpu.dma_semaphore, #tpu.memory_space<semaphore_mem>>) attributes {dimension_semantics = [#tpu.dimension_semantics<core_parallel>, #tpu.dimension_semantics<subcore_parallel>], iteration_bounds = array<i64: 2, 16>, scalar_prefetch = 0 : i64, scratch_operands = 7 : i64, tpu.core_type = #tpu.core_type<sc_vector_subcore>, window_params = [{transform_indices = #map}, {transform_indices = #map1}, {transform_indices = #map1}, {transform_indices = #map1}, {transform_indices = #map2}]} {
    %mul3A = arith.constant 2 : i32
    %mul3A_0 = arith.muli %arg1, %mul3A : i32
    %add3A = arith.addi %mul3A_0, %arg0 : i32
    "tpu.region"() ({
      %run_scoped3A = tpu.sem_alloc : memref<!tpu.dma_semaphore, #tpu.memory_space<semaphore_mem>>
      %dma_start3A_670 = arith.constant 0 : i32
      %dma_start3A_671 = arith.constant 0 : i32
      %dma_start3A_672 = tpu.memref_slice %arg2[%add3A, %dma_start3A_670, %dma_start3A_671] : memref<32x104x128xi32, #tpu.memory_space<hbm>> -> memref<1x104x128xi32, #tpu.memory_space<hbm>>
      %dma_start3A_673 = tpu.memref_squeeze %dma_start3A_672 : memref<1x104x128xi32, #tpu.memory_space<hbm>> -> memref<104x128xi32, #tpu.memory_space<hbm>>
      %dma_start3A_674 = arith.constant 0 : i32
      %dma_start3A_675 = arith.constant 0 : i32
      %dma_start3A_676 = tpu.memref_slice %arg2[%add3A, %dma_start3A_674, %dma_start3A_675] : memref<32x104x128xi32, #tpu.memory_space<hbm>> -> memref<1x104x128xi32, #tpu.memory_space<hbm>>
      %dma_start3A_677 = tpu.memref_squeeze %dma_start3A_676 : memref<1x104x128xi32, #tpu.memory_space<hbm>> -> memref<104x128xi32, #tpu.memory_space<hbm>>
      tpu.enqueue_dma source(%dma_start3A_677 : memref<104x128xi32, #tpu.memory_space<hbm>>) target(%arg7 : memref<104x128xi32, #tpu.memory_space<vmem>>) target_semaphore(%run_scoped3A : memref<!tpu.dma_semaphore, #tpu.memory_space<semaphore_mem>>)
      %dma_wait3A_678 = arith.constant 0 : i32
      %dma_wait3A_679 = arith.constant 0 : i32
      %dma_wait3A_680 = tpu.memref_slice %arg2[%add3A, %dma_wait3A_678, %dma_wait3A_679] : memref<32x104x128xi32, #tpu.memory_space<hbm>> -> memref<1x104x128xi32, #tpu.memory_space<hbm>>
      %dma_wait3A_681 = tpu.memref_squeeze %dma_wait3A_680 : memref<1x104x128xi32, #tpu.memory_space<hbm>> -> memref<104x128xi32, #tpu.memory_space<hbm>>
      %dma_wait3A_682 = arith.constant 0 : i32
      %dma_wait3A_683 = arith.constant 0 : i32
      %dma_wait3A_684 = tpu.memref_slice %arg2[%add3A, %dma_wait3A_682, %dma_wait3A_683] : memref<32x104x128xi32, #tpu.memory_space<hbm>> -> memref<1x104x128xi32, #tpu.memory_space<hbm>>
      %dma_wait3A_685 = tpu.memref_squeeze %dma_wait3A_684 : memref<1x104x128xi32, #tpu.memory_space<hbm>> -> memref<104x128xi32, #tpu.memory_space<hbm>>
      tpu.wait_dma2 semaphore(%run_scoped3A : memref<!tpu.dma_semaphore, #tpu.memory_space<semaphore_mem>>) src(%dma_wait3A_685 : memref<104x128xi32, #tpu.memory_space<hbm>>) dst(%arg7 : memref<104x128xi32, #tpu.memory_space<vmem>>)
      tpu.yield
    }) : () -> ()
    %mul3A_1 = arith.constant 13312 : i32
    %mul3A_2 = arith.muli %add3A, %mul3A_1 : i32
    %dma_start3A = arith.constant 0 : i32
    %dma_start3A_3 = arith.constant 0 : i32
    %dma_start3A_4 = arith.constant 0 : i32
    %dma_start3A_5 = arith.constant 0 : i32
    %dma_start3A_6 = tpu.memref_slice %arg8[%dma_start3A_3, %dma_start3A_4, %dma_start3A_5] : memref<16x128x16xf32, #tpu.memory_space<vmem>> -> memref<1x128x16xf32, #tpu.memory_space<vmem>>
    %dma_start3A_7 = tpu.memref_squeeze %dma_start3A_6 : memref<1x128x16xf32, #tpu.memory_space<vmem>> -> memref<128x16xf32, #tpu.memory_space<vmem>>
    %dma_start3A_8 = arith.constant 0 : i32
    %dma_start3A_9 = tpu.memref_slice %arg7[%dma_start3A, %dma_start3A_8] : memref<104x128xi32, #tpu.memory_space<vmem>> -> memref<1x128xi32, #tpu.memory_space<vmem>>
    %dma_start3A_10 = tpu.memref_squeeze %dma_start3A_9 : memref<1x128xi32, #tpu.memory_space<vmem>> -> memref<128xi32, #tpu.memory_space<vmem>>
    %dma_start3A_11 = arith.constant 0 : i32
    %dma_start3A_12 = arith.constant 0 : i32
    %dma_start3A_13 = tpu.memref_slice %arg3[%dma_start3A_11, %dma_start3A_12] : memref<999986x16xf32, #tpu.memory_space<hbm>> -> memref<999986x16xf32, #tpu.memory_space<hbm>>
    tpu.enqueue_indirect_dma source(%dma_start3A_13 : memref<999986x16xf32, #tpu.memory_space<hbm>>) target(%dma_start3A_7 : memref<128x16xf32, #tpu.memory_space<vmem>>) offsets(%dma_start3A_10 : memref<128xi32, #tpu.memory_space<vmem>>) semaphore(%arg11 : memref<!tpu.dma_semaphore, #tpu.memory_space<semaphore_mem>>)
    %dma_start3A_14 = arith.constant 0 : i32
    %dma_start3A_15 = arith.constant 0 : i32
    %dma_start3A_16 = arith.constant 0 : i32
    %dma_start3A_17 = arith.constant 0 : i32
    %dma_start3A_18 = tpu.memref_slice %arg9[%dma_start3A_16, %dma_start3A_17] : memref<104x128xf32, #tpu.memory_space<vmem>> -> memref<1x128xf32, #tpu.memory_space<vmem>>
    %dma_start3A_19 = tpu.memref_squeeze %dma_start3A_18 : memref<1x128xf32, #tpu.memory_space<vmem>> -> memref<128xf32, #tpu.memory_space<vmem>>
    %dma_start3A_20 = arith.constant 0 : i32
    %dma_start3A_21 = tpu.memref_slice %arg7[%dma_start3A_15, %dma_start3A_20] : memref<104x128xi32, #tpu.memory_space<vmem>> -> memref<1x128xi32, #tpu.memory_space<vmem>>
    %dma_start3A_22 = tpu.memref_squeeze %dma_start3A_21 : memref<1x128xi32, #tpu.memory_space<vmem>> -> memref<128xi32, #tpu.memory_space<vmem>>
    %dma_start3A_23 = arith.constant 0 : i32
    %dma_start3A_24 = tpu.memref_slice %arg4[%dma_start3A_14, %dma_start3A_23] : memref<1x999986xf32, #tpu.memory_space<hbm>> -> memref<1x999986xf32, #tpu.memory_space<hbm>>
    %dma_start3A_25 = tpu.memref_squeeze %dma_start3A_24 : memref<1x999986xf32, #tpu.memory_space<hbm>> -> memref<999986xf32, #tpu.memory_space<hbm>>
    %dma_start3A_26 = arith.constant 0 : i32
    %dma_start3A_27 = tpu.memref_slice %dma_start3A_25[%dma_start3A_26] : memref<999986xf32, #tpu.memory_space<hbm>> -> memref<999986xf32, #tpu.memory_space<hbm>>
    tpu.enqueue_indirect_dma source(%dma_start3A_27 : memref<999986xf32, #tpu.memory_space<hbm>>) target(%dma_start3A_19 : memref<128xf32, #tpu.memory_space<vmem>>) offsets(%dma_start3A_22 : memref<128xi32, #tpu.memory_space<vmem>>) semaphore(%arg12 : memref<!tpu.dma_semaphore, #tpu.memory_space<semaphore_mem>>)
    %dma_start3A_28 = arith.constant 1 : i32
    %dma_start3A_29 = arith.constant 1 : i32
    %dma_start3A_30 = arith.constant 0 : i32
    %dma_start3A_31 = arith.constant 0 : i32
    %dma_start3A_32 = tpu.memref_slice %arg8[%dma_start3A_29, %dma_start3A_30, %dma_start3A_31] : memref<16x128x16xf32, #tpu.memory_space<vmem>> -> memref<1x128x16xf32, #tpu.memory_space<vmem>>
    %dma_start3A_33 = tpu.memref_squeeze %dma_start3A_32 : memref<1x128x16xf32, #tpu.memory_space<vmem>> -> memref<128x16xf32, #tpu.memory_space<vmem>>
    %dma_start3A_34 = arith.constant 0 : i32
    %dma_start3A_35 = tpu.memref_slice %arg7[%dma_start3A_28, %dma_start3A_34] : memref<104x128xi32, #tpu.memory_space<vmem>> -> memref<1x128xi32, #tpu.memory_space<vmem>>
    %dma_start3A_36 = tpu.memref_squeeze %dma_start3A_35 : memref<1x128xi32, #tpu.memory_space<vmem>> -> memref<128xi32, #tpu.memory_space<vmem>>
    %dma_start3A_37 = arith.constant 0 : i32
    %dma_start3A_38 = arith.constant 0 : i32
    %dma_start3A_39 = tpu.memref_slice %arg3[%dma_start3A_37, %dma_start3A_38] : memref<999986x16xf32, #tpu.memory_space<hbm>> -> memref<999986x16xf32, #tpu.memory_space<hbm>>
    tpu.enqueue_indirect_dma source(%dma_start3A_39 : memref<999986x16xf32, #tpu.memory_space<hbm>>) target(%dma_start3A_33 : memref<128x16xf32, #tpu.memory_space<vmem>>) offsets(%dma_start3A_36 : memref<128xi32, #tpu.memory_space<vmem>>) semaphore(%arg11 : memref<!tpu.dma_semaphore, #tpu.memory_space<semaphore_mem>>)
    %dma_start3A_40 = arith.constant 0 : i32
    %dma_start3A_41 = arith.constant 1 : i32
    %dma_start3A_42 = arith.constant 1 : i32
    %dma_start3A_43 = arith.constant 0 : i32
    %dma_start3A_44 = tpu.memref_slice %arg9[%dma_start3A_42, %dma_start3A_43] : memref<104x128xf32, #tpu.memory_space<vmem>> -> memref<1x128xf32, #tpu.memory_space<vmem>>
    %dma_start3A_45 = tpu.memref_squeeze %dma_start3A_44 : memref<1x128xf32, #tpu.memory_space<vmem>> -> memref<128xf32, #tpu.memory_space<vmem>>
    %dma_start3A_46 = arith.constant 0 : i32
    %dma_start3A_47 = tpu.memref_slice %arg7[%dma_start3A_41, %dma_start3A_46] : memref<104x128xi32, #tpu.memory_space<vmem>> -> memref<1x128xi32, #tpu.memory_space<vmem>>
    %dma_start3A_48 = tpu.memref_squeeze %dma_start3A_47 : memref<1x128xi32, #tpu.memory_space<vmem>> -> memref<128xi32, #tpu.memory_space<vmem>>
    %dma_start3A_49 = arith.constant 0 : i32
    %dma_start3A_50 = tpu.memref_slice %arg4[%dma_start3A_40, %dma_start3A_49] : memref<1x999986xf32, #tpu.memory_space<hbm>> -> memref<1x999986xf32, #tpu.memory_space<hbm>>
    %dma_start3A_51 = tpu.memref_squeeze %dma_start3A_50 : memref<1x999986xf32, #tpu.memory_space<hbm>> -> memref<999986xf32, #tpu.memory_space<hbm>>
    %dma_start3A_52 = arith.constant 0 : i32
    %dma_start3A_53 = tpu.memref_slice %dma_start3A_51[%dma_start3A_52] : memref<999986xf32, #tpu.memory_space<hbm>> -> memref<999986xf32, #tpu.memory_space<hbm>>
    tpu.enqueue_indirect_dma source(%dma_start3A_53 : memref<999986xf32, #tpu.memory_space<hbm>>) target(%dma_start3A_45 : memref<128xf32, #tpu.memory_space<vmem>>) offsets(%dma_start3A_48 : memref<128xi32, #tpu.memory_space<vmem>>) semaphore(%arg12 : memref<!tpu.dma_semaphore, #tpu.memory_space<semaphore_mem>>)
    %dma_start3A_54 = arith.constant 2 : i32
    %dma_start3A_55 = arith.constant 2 : i32
    %dma_start3A_56 = arith.constant 0 : i32
    %dma_start3A_57 = arith.constant 0 : i32
    %dma_start3A_58 = tpu.memref_slice %arg8[%dma_start3A_55, %dma_start3A_56, %dma_start3A_57] : memref<16x128x16xf32, #tpu.memory_space<vmem>> -> memref<1x128x16xf32, #tpu.memory_space<vmem>>
    %dma_start3A_59 = tpu.memref_squeeze %dma_start3A_58 : memref<1x128x16xf32, #tpu.memory_space<vmem>> -> memref<128x16xf32, #tpu.memory_space<vmem>>
    %dma_start3A_60 = arith.constant 0 : i32
    %dma_start3A_61 = tpu.memref_slice %arg7[%dma_start3A_54, %dma_start3A_60] : memref<104x128xi32, #tpu.memory_space<vmem>> -> memref<1x128xi32, #tpu.memory_space<vmem>>
    %dma_start3A_62 = tpu.memref_squeeze %dma_start3A_61 : memref<1x128xi32, #tpu.memory_space<vmem>> -> memref<128xi32, #tpu.memory_space<vmem>>
    %dma_start3A_63 = arith.constant 0 : i32
    %dma_start3A_64 = arith.constant 0 : i32
    %dma_start3A_65 = tpu.memref_slice %arg3[%dma_start3A_63, %dma_start3A_64] : memref<999986x16xf32, #tpu.memory_space<hbm>> -> memref<999986x16xf32, #tpu.memory_space<hbm>>
    tpu.enqueue_indirect_dma source(%dma_start3A_65 : memref<999986x16xf32, #tpu.memory_space<hbm>>) target(%dma_start3A_59 : memref<128x16xf32, #tpu.memory_space<vmem>>) offsets(%dma_start3A_62 : memref<128xi32, #tpu.memory_space<vmem>>) semaphore(%arg11 : memref<!tpu.dma_semaphore, #tpu.memory_space<semaphore_mem>>)
    %dma_start3A_66 = arith.constant 0 : i32
    %dma_start3A_67 = arith.constant 2 : i32
    %dma_start3A_68 = arith.constant 2 : i32
    %dma_start3A_69 = arith.constant 0 : i32
    %dma_start3A_70 = tpu.memref_slice %arg9[%dma_start3A_68, %dma_start3A_69] : memref<104x128xf32, #tpu.memory_space<vmem>> -> memref<1x128xf32, #tpu.memory_space<vmem>>
    %dma_start3A_71 = tpu.memref_squeeze %dma_start3A_70 : memref<1x128xf32, #tpu.memory_space<vmem>> -> memref<128xf32, #tpu.memory_space<vmem>>
    %dma_start3A_72 = arith.constant 0 : i32
    %dma_start3A_73 = tpu.memref_slice %arg7[%dma_start3A_67, %dma_start3A_72] : memref<104x128xi32, #tpu.memory_space<vmem>> -> memref<1x128xi32, #tpu.memory_space<vmem>>
    %dma_start3A_74 = tpu.memref_squeeze %dma_start3A_73 : memref<1x128xi32, #tpu.memory_space<vmem>> -> memref<128xi32, #tpu.memory_space<vmem>>
    %dma_start3A_75 = arith.constant 0 : i32
    %dma_start3A_76 = tpu.memref_slice %arg4[%dma_start3A_66, %dma_start3A_75] : memref<1x999986xf32, #tpu.memory_space<hbm>> -> memref<1x999986xf32, #tpu.memory_space<hbm>>
    %dma_start3A_77 = tpu.memref_squeeze %dma_start3A_76 : memref<1x999986xf32, #tpu.memory_space<hbm>> -> memref<999986xf32, #tpu.memory_space<hbm>>
    %dma_start3A_78 = arith.constant 0 : i32
    %dma_start3A_79 = tpu.memref_slice %dma_start3A_77[%dma_start3A_78] : memref<999986xf32, #tpu.memory_space<hbm>> -> memref<999986xf32, #tpu.memory_space<hbm>>
    tpu.enqueue_indirect_dma source(%dma_start3A_79 : memref<999986xf32, #tpu.memory_space<hbm>>) target(%dma_start3A_71 : memref<128xf32, #tpu.memory_space<vmem>>) offsets(%dma_start3A_74 : memref<128xi32, #tpu.memory_space<vmem>>) semaphore(%arg12 : memref<!tpu.dma_semaphore, #tpu.memory_space<semaphore_mem>>)
    %dma_start3A_80 = arith.constant 3 : i32
    %dma_start3A_81 = arith.constant 3 : i32
    %dma_start3A_82 = arith.constant 0 : i32
    %dma_start3A_83 = arith.constant 0 : i32
    %dma_start3A_84 = tpu.memref_slice %arg8[%dma_start3A_81, %dma_start3A_82, %dma_start3A_83] : memref<16x128x16xf32, #tpu.memory_space<vmem>> -> memref<1x128x16xf32, #tpu.memory_space<vmem>>
    %dma_start3A_85 = tpu.memref_squeeze %dma_start3A_84 : memref<1x128x16xf32, #tpu.memory_space<vmem>> -> memref<128x16xf32, #tpu.memory_space<vmem>>
    %dma_start3A_86 = arith.constant 0 : i32
    %dma_start3A_87 = tpu.memref_slice %arg7[%dma_start3A_80, %dma_start3A_86] : memref<104x128xi32, #tpu.memory_space<vmem>> -> memref<1x128xi32, #tpu.memory_space<vmem>>
    %dma_start3A_88 = tpu.memref_squeeze %dma_start3A_87 : memref<1x128xi32, #tpu.memory_space<vmem>> -> memref<128xi32, #tpu.memory_space<vmem>>
    %dma_start3A_89 = arith.constant 0 : i32
    %dma_start3A_90 = arith.constant 0 : i32
    %dma_start3A_91 = tpu.memref_slice %arg3[%dma_start3A_89, %dma_start3A_90] : memref<999986x16xf32, #tpu.memory_space<hbm>> -> memref<999986x16xf32, #tpu.memory_space<hbm>>
    tpu.enqueue_indirect_dma source(%dma_start3A_91 : memref<999986x16xf32, #tpu.memory_space<hbm>>) target(%dma_start3A_85 : memref<128x16xf32, #tpu.memory_space<vmem>>) offsets(%dma_start3A_88 : memref<128xi32, #tpu.memory_space<vmem>>) semaphore(%arg11 : memref<!tpu.dma_semaphore, #tpu.memory_space<semaphore_mem>>)
    %dma_start3A_92 = arith.constant 0 : i32
    %dma_start3A_93 = arith.constant 3 : i32
    %dma_start3A_94 = arith.constant 3 : i32
    %dma_start3A_95 = arith.constant 0 : i32
    %dma_start3A_96 = tpu.memref_slice %arg9[%dma_start3A_94, %dma_start3A_95] : memref<104x128xf32, #tpu.memory_space<vmem>> -> memref<1x128xf32, #tpu.memory_space<vmem>>
    %dma_start3A_97 = tpu.memref_squeeze %dma_start3A_96 : memref<1x128xf32, #tpu.memory_space<vmem>> -> memref<128xf32, #tpu.memory_space<vmem>>
    %dma_start3A_98 = arith.constant 0 : i32
    %dma_start3A_99 = tpu.memref_slice %arg7[%dma_start3A_93, %dma_start3A_98] : memref<104x128xi32, #tpu.memory_space<vmem>> -> memref<1x128xi32, #tpu.memory_space<vmem>>
    %dma_start3A_100 = tpu.memref_squeeze %dma_start3A_99 : memref<1x128xi32, #tpu.memory_space<vmem>> -> memref<128xi32, #tpu.memory_space<vmem>>
    %dma_start3A_101 = arith.constant 0 : i32
    %dma_start3A_102 = tpu.memref_slice %arg4[%dma_start3A_92, %dma_start3A_101] : memref<1x999986xf32, #tpu.memory_space<hbm>> -> memref<1x999986xf32, #tpu.memory_space<hbm>>
    %dma_start3A_103 = tpu.memref_squeeze %dma_start3A_102 : memref<1x999986xf32, #tpu.memory_space<hbm>> -> memref<999986xf32, #tpu.memory_space<hbm>>
    %dma_start3A_104 = arith.constant 0 : i32
    %dma_start3A_105 = tpu.memref_slice %dma_start3A_103[%dma_start3A_104] : memref<999986xf32, #tpu.memory_space<hbm>> -> memref<999986xf32, #tpu.memory_space<hbm>>
    tpu.enqueue_indirect_dma source(%dma_start3A_105 : memref<999986xf32, #tpu.memory_space<hbm>>) target(%dma_start3A_97 : memref<128xf32, #tpu.memory_space<vmem>>) offsets(%dma_start3A_100 : memref<128xi32, #tpu.memory_space<vmem>>) semaphore(%arg12 : memref<!tpu.dma_semaphore, #tpu.memory_space<semaphore_mem>>)
    %dma_start3A_106 = arith.constant 4 : i32
    %dma_start3A_107 = arith.constant 4 : i32
    %dma_start3A_108 = arith.constant 0 : i32
    %dma_start3A_109 = arith.constant 0 : i32
    %dma_start3A_110 = tpu.memref_slice %arg8[%dma_start3A_107, %dma_start3A_108, %dma_start3A_109] : memref<16x128x16xf32, #tpu.memory_space<vmem>> -> memref<1x128x16xf32, #tpu.memory_space<vmem>>
    %dma_start3A_111 = tpu.memref_squeeze %dma_start3A_110 : memref<1x128x16xf32, #tpu.memory_space<vmem>> -> memref<128x16xf32, #tpu.memory_space<vmem>>
    %dma_start3A_112 = arith.constant 0 : i32
    %dma_start3A_113 = tpu.memref_slice %arg7[%dma_start3A_106, %dma_start3A_112] : memref<104x128xi32, #tpu.memory_space<vmem>> -> memref<1x128xi32, #tpu.memory_space<vmem>>
    %dma_start3A_114 = tpu.memref_squeeze %dma_start3A_113 : memref<1x128xi32, #tpu.memory_space<vmem>> -> memref<128xi32, #tpu.memory_space<vmem>>
    %dma_start3A_115 = arith.constant 0 : i32
    %dma_start3A_116 = arith.constant 0 : i32
    %dma_start3A_117 = tpu.memref_slice %arg3[%dma_start3A_115, %dma_start3A_116] : memref<999986x16xf32, #tpu.memory_space<hbm>> -> memref<999986x16xf32, #tpu.memory_space<hbm>>
    tpu.enqueue_indirect_dma source(%dma_start3A_117 : memref<999986x16xf32, #tpu.memory_space<hbm>>) target(%dma_start3A_111 : memref<128x16xf32, #tpu.memory_space<vmem>>) offsets(%dma_start3A_114 : memref<128xi32, #tpu.memory_space<vmem>>) semaphore(%arg11 : memref<!tpu.dma_semaphore, #tpu.memory_space<semaphore_mem>>)
    %dma_start3A_118 = arith.constant 0 : i32
    %dma_start3A_119 = arith.constant 4 : i32
    %dma_start3A_120 = arith.constant 4 : i32
    %dma_start3A_121 = arith.constant 0 : i32
    %dma_start3A_122 = tpu.memref_slice %arg9[%dma_start3A_120, %dma_start3A_121] : memref<104x128xf32, #tpu.memory_space<vmem>> -> memref<1x128xf32, #tpu.memory_space<vmem>>
    %dma_start3A_123 = tpu.memref_squeeze %dma_start3A_122 : memref<1x128xf32, #tpu.memory_space<vmem>> -> memref<128xf32, #tpu.memory_space<vmem>>
    %dma_start3A_124 = arith.constant 0 : i32
    %dma_start3A_125 = tpu.memref_slice %arg7[%dma_start3A_119, %dma_start3A_124] : memref<104x128xi32, #tpu.memory_space<vmem>> -> memref<1x128xi32, #tpu.memory_space<vmem>>
    %dma_start3A_126 = tpu.memref_squeeze %dma_start3A_125 : memref<1x128xi32, #tpu.memory_space<vmem>> -> memref<128xi32, #tpu.memory_space<vmem>>
    %dma_start3A_127 = arith.constant 0 : i32
    %dma_start3A_128 = tpu.memref_slice %arg4[%dma_start3A_118, %dma_start3A_127] : memref<1x999986xf32, #tpu.memory_space<hbm>> -> memref<1x999986xf32, #tpu.memory_space<hbm>>
    %dma_start3A_129 = tpu.memref_squeeze %dma_start3A_128 : memref<1x999986xf32, #tpu.memory_space<hbm>> -> memref<999986xf32, #tpu.memory_space<hbm>>
    %dma_start3A_130 = arith.constant 0 : i32
    %dma_start3A_131 = tpu.memref_slice %dma_start3A_129[%dma_start3A_130] : memref<999986xf32, #tpu.memory_space<hbm>> -> memref<999986xf32, #tpu.memory_space<hbm>>
    tpu.enqueue_indirect_dma source(%dma_start3A_131 : memref<999986xf32, #tpu.memory_space<hbm>>) target(%dma_start3A_123 : memref<128xf32, #tpu.memory_space<vmem>>) offsets(%dma_start3A_126 : memref<128xi32, #tpu.memory_space<vmem>>) semaphore(%arg12 : memref<!tpu.dma_semaphore, #tpu.memory_space<semaphore_mem>>)
    %dma_start3A_132 = arith.constant 5 : i32
    %dma_start3A_133 = arith.constant 5 : i32
    %dma_start3A_134 = arith.constant 0 : i32
    %dma_start3A_135 = arith.constant 0 : i32
    %dma_start3A_136 = tpu.memref_slice %arg8[%dma_start3A_133, %dma_start3A_134, %dma_start3A_135] : memref<16x128x16xf32, #tpu.memory_space<vmem>> -> memref<1x128x16xf32, #tpu.memory_space<vmem>>
    %dma_start3A_137 = tpu.memref_squeeze %dma_start3A_136 : memref<1x128x16xf32, #tpu.memory_space<vmem>> -> memref<128x16xf32, #tpu.memory_space<vmem>>
    %dma_start3A_138 = arith.constant 0 : i32
    %dma_start3A_139 = tpu.memref_slice %arg7[%dma_start3A_132, %dma_start3A_138] : memref<104x128xi32, #tpu.memory_space<vmem>> -> memref<1x128xi32, #tpu.memory_space<vmem>>
    %dma_start3A_140 = tpu.memref_squeeze %dma_start3A_139 : memref<1x128xi32, #tpu.memory_space<vmem>> -> memref<128xi32, #tpu.memory_space<vmem>>
    %dma_start3A_141 = arith.constant 0 : i32
    %dma_start3A_142 = arith.constant 0 : i32
    %dma_start3A_143 = tpu.memref_slice %arg3[%dma_start3A_141, %dma_start3A_142] : memref<999986x16xf32, #tpu.memory_space<hbm>> -> memref<999986x16xf32, #tpu.memory_space<hbm>>
    tpu.enqueue_indirect_dma source(%dma_start3A_143 : memref<999986x16xf32, #tpu.memory_space<hbm>>) target(%dma_start3A_137 : memref<128x16xf32, #tpu.memory_space<vmem>>) offsets(%dma_start3A_140 : memref<128xi32, #tpu.memory_space<vmem>>) semaphore(%arg11 : memref<!tpu.dma_semaphore, #tpu.memory_space<semaphore_mem>>)
    %dma_start3A_144 = arith.constant 0 : i32
    %dma_start3A_145 = arith.constant 5 : i32
    %dma_start3A_146 = arith.constant 5 : i32
    %dma_start3A_147 = arith.constant 0 : i32
    %dma_start3A_148 = tpu.memref_slice %arg9[%dma_start3A_146, %dma_start3A_147] : memref<104x128xf32, #tpu.memory_space<vmem>> -> memref<1x128xf32, #tpu.memory_space<vmem>>
    %dma_start3A_149 = tpu.memref_squeeze %dma_start3A_148 : memref<1x128xf32, #tpu.memory_space<vmem>> -> memref<128xf32, #tpu.memory_space<vmem>>
    %dma_start3A_150 = arith.constant 0 : i32
    %dma_start3A_151 = tpu.memref_slice %arg7[%dma_start3A_145, %dma_start3A_150] : memref<104x128xi32, #tpu.memory_space<vmem>> -> memref<1x128xi32, #tpu.memory_space<vmem>>
    %dma_start3A_152 = tpu.memref_squeeze %dma_start3A_151 : memref<1x128xi32, #tpu.memory_space<vmem>> -> memref<128xi32, #tpu.memory_space<vmem>>
    %dma_start3A_153 = arith.constant 0 : i32
    %dma_start3A_154 = tpu.memref_slice %arg4[%dma_start3A_144, %dma_start3A_153] : memref<1x999986xf32, #tpu.memory_space<hbm>> -> memref<1x999986xf32, #tpu.memory_space<hbm>>
    %dma_start3A_155 = tpu.memref_squeeze %dma_start3A_154 : memref<1x999986xf32, #tpu.memory_space<hbm>> -> memref<999986xf32, #tpu.memory_space<hbm>>
    %dma_start3A_156 = arith.constant 0 : i32
    %dma_start3A_157 = tpu.memref_slice %dma_start3A_155[%dma_start3A_156] : memref<999986xf32, #tpu.memory_space<hbm>> -> memref<999986xf32, #tpu.memory_space<hbm>>
    tpu.enqueue_indirect_dma source(%dma_start3A_157 : memref<999986xf32, #tpu.memory_space<hbm>>) target(%dma_start3A_149 : memref<128xf32, #tpu.memory_space<vmem>>) offsets(%dma_start3A_152 : memref<128xi32, #tpu.memory_space<vmem>>) semaphore(%arg12 : memref<!tpu.dma_semaphore, #tpu.memory_space<semaphore_mem>>)
    %dma_start3A_158 = arith.constant 6 : i32
    %dma_start3A_159 = arith.constant 6 : i32
    %dma_start3A_160 = arith.constant 0 : i32
    %dma_start3A_161 = arith.constant 0 : i32
    %dma_start3A_162 = tpu.memref_slice %arg8[%dma_start3A_159, %dma_start3A_160, %dma_start3A_161] : memref<16x128x16xf32, #tpu.memory_space<vmem>> -> memref<1x128x16xf32, #tpu.memory_space<vmem>>
    %dma_start3A_163 = tpu.memref_squeeze %dma_start3A_162 : memref<1x128x16xf32, #tpu.memory_space<vmem>> -> memref<128x16xf32, #tpu.memory_space<vmem>>
    %dma_start3A_164 = arith.constant 0 : i32
    %dma_start3A_165 = tpu.memref_slice %arg7[%dma_start3A_158, %dma_start3A_164] : memref<104x128xi32, #tpu.memory_space<vmem>> -> memref<1x128xi32, #tpu.memory_space<vmem>>
    %dma_start3A_166 = tpu.memref_squeeze %dma_start3A_165 : memref<1x128xi32, #tpu.memory_space<vmem>> -> memref<128xi32, #tpu.memory_space<vmem>>
    %dma_start3A_167 = arith.constant 0 : i32
    %dma_start3A_168 = arith.constant 0 : i32
    %dma_start3A_169 = tpu.memref_slice %arg3[%dma_start3A_167, %dma_start3A_168] : memref<999986x16xf32, #tpu.memory_space<hbm>> -> memref<999986x16xf32, #tpu.memory_space<hbm>>
    tpu.enqueue_indirect_dma source(%dma_start3A_169 : memref<999986x16xf32, #tpu.memory_space<hbm>>) target(%dma_start3A_163 : memref<128x16xf32, #tpu.memory_space<vmem>>) offsets(%dma_start3A_166 : memref<128xi32, #tpu.memory_space<vmem>>) semaphore(%arg11 : memref<!tpu.dma_semaphore, #tpu.memory_space<semaphore_mem>>)
    %dma_start3A_170 = arith.constant 0 : i32
    %dma_start3A_171 = arith.constant 6 : i32
    %dma_start3A_172 = arith.constant 6 : i32
    %dma_start3A_173 = arith.constant 0 : i32
    %dma_start3A_174 = tpu.memref_slice %arg9[%dma_start3A_172, %dma_start3A_173] : memref<104x128xf32, #tpu.memory_space<vmem>> -> memref<1x128xf32, #tpu.memory_space<vmem>>
    %dma_start3A_175 = tpu.memref_squeeze %dma_start3A_174 : memref<1x128xf32, #tpu.memory_space<vmem>> -> memref<128xf32, #tpu.memory_space<vmem>>
    %dma_start3A_176 = arith.constant 0 : i32
    %dma_start3A_177 = tpu.memref_slice %arg7[%dma_start3A_171, %dma_start3A_176] : memref<104x128xi32, #tpu.memory_space<vmem>> -> memref<1x128xi32, #tpu.memory_space<vmem>>
    %dma_start3A_178 = tpu.memref_squeeze %dma_start3A_177 : memref<1x128xi32, #tpu.memory_space<vmem>> -> memref<128xi32, #tpu.memory_space<vmem>>
    %dma_start3A_179 = arith.constant 0 : i32
    %dma_start3A_180 = tpu.memref_slice %arg4[%dma_start3A_170, %dma_start3A_179] : memref<1x999986xf32, #tpu.memory_space<hbm>> -> memref<1x999986xf32, #tpu.memory_space<hbm>>
    %dma_start3A_181 = tpu.memref_squeeze %dma_start3A_180 : memref<1x999986xf32, #tpu.memory_space<hbm>> -> memref<999986xf32, #tpu.memory_space<hbm>>
    %dma_start3A_182 = arith.constant 0 : i32
    %dma_start3A_183 = tpu.memref_slice %dma_start3A_181[%dma_start3A_182] : memref<999986xf32, #tpu.memory_space<hbm>> -> memref<999986xf32, #tpu.memory_space<hbm>>
    tpu.enqueue_indirect_dma source(%dma_start3A_183 : memref<999986xf32, #tpu.memory_space<hbm>>) target(%dma_start3A_175 : memref<128xf32, #tpu.memory_space<vmem>>) offsets(%dma_start3A_178 : memref<128xi32, #tpu.memory_space<vmem>>) semaphore(%arg12 : memref<!tpu.dma_semaphore, #tpu.memory_space<semaphore_mem>>)
    %dma_start3A_184 = arith.constant 7 : i32
    %dma_start3A_185 = arith.constant 7 : i32
    %dma_start3A_186 = arith.constant 0 : i32
    %dma_start3A_187 = arith.constant 0 : i32
    %dma_start3A_188 = tpu.memref_slice %arg8[%dma_start3A_185, %dma_start3A_186, %dma_start3A_187] : memref<16x128x16xf32, #tpu.memory_space<vmem>> -> memref<1x128x16xf32, #tpu.memory_space<vmem>>
    %dma_start3A_189 = tpu.memref_squeeze %dma_start3A_188 : memref<1x128x16xf32, #tpu.memory_space<vmem>> -> memref<128x16xf32, #tpu.memory_space<vmem>>
    %dma_start3A_190 = arith.constant 0 : i32
    %dma_start3A_191 = tpu.memref_slice %arg7[%dma_start3A_184, %dma_start3A_190] : memref<104x128xi32, #tpu.memory_space<vmem>> -> memref<1x128xi32, #tpu.memory_space<vmem>>
    %dma_start3A_192 = tpu.memref_squeeze %dma_start3A_191 : memref<1x128xi32, #tpu.memory_space<vmem>> -> memref<128xi32, #tpu.memory_space<vmem>>
    %dma_start3A_193 = arith.constant 0 : i32
    %dma_start3A_194 = arith.constant 0 : i32
    %dma_start3A_195 = tpu.memref_slice %arg3[%dma_start3A_193, %dma_start3A_194] : memref<999986x16xf32, #tpu.memory_space<hbm>> -> memref<999986x16xf32, #tpu.memory_space<hbm>>
    tpu.enqueue_indirect_dma source(%dma_start3A_195 : memref<999986x16xf32, #tpu.memory_space<hbm>>) target(%dma_start3A_189 : memref<128x16xf32, #tpu.memory_space<vmem>>) offsets(%dma_start3A_192 : memref<128xi32, #tpu.memory_space<vmem>>) semaphore(%arg11 : memref<!tpu.dma_semaphore, #tpu.memory_space<semaphore_mem>>)
    %dma_start3A_196 = arith.constant 0 : i32
    %dma_start3A_197 = arith.constant 7 : i32
    %dma_start3A_198 = arith.constant 7 : i32
    %dma_start3A_199 = arith.constant 0 : i32
    %dma_start3A_200 = tpu.memref_slice %arg9[%dma_start3A_198, %dma_start3A_199] : memref<104x128xf32, #tpu.memory_space<vmem>> -> memref<1x128xf32, #tpu.memory_space<vmem>>
    %dma_start3A_201 = tpu.memref_squeeze %dma_start3A_200 : memref<1x128xf32, #tpu.memory_space<vmem>> -> memref<128xf32, #tpu.memory_space<vmem>>
    %dma_start3A_202 = arith.constant 0 : i32
    %dma_start3A_203 = tpu.memref_slice %arg7[%dma_start3A_197, %dma_start3A_202] : memref<104x128xi32, #tpu.memory_space<vmem>> -> memref<1x128xi32, #tpu.memory_space<vmem>>
    %dma_start3A_204 = tpu.memref_squeeze %dma_start3A_203 : memref<1x128xi32, #tpu.memory_space<vmem>> -> memref<128xi32, #tpu.memory_space<vmem>>
    %dma_start3A_205 = arith.constant 0 : i32
    %dma_start3A_206 = tpu.memref_slice %arg4[%dma_start3A_196, %dma_start3A_205] : memref<1x999986xf32, #tpu.memory_space<hbm>> -> memref<1x999986xf32, #tpu.memory_space<hbm>>
    %dma_start3A_207 = tpu.memref_squeeze %dma_start3A_206 : memref<1x999986xf32, #tpu.memory_space<hbm>> -> memref<999986xf32, #tpu.memory_space<hbm>>
    %dma_start3A_208 = arith.constant 0 : i32
    %dma_start3A_209 = tpu.memref_slice %dma_start3A_207[%dma_start3A_208] : memref<999986xf32, #tpu.memory_space<hbm>> -> memref<999986xf32, #tpu.memory_space<hbm>>
    tpu.enqueue_indirect_dma source(%dma_start3A_209 : memref<999986xf32, #tpu.memory_space<hbm>>) target(%dma_start3A_201 : memref<128xf32, #tpu.memory_space<vmem>>) offsets(%dma_start3A_204 : memref<128xi32, #tpu.memory_space<vmem>>) semaphore(%arg12 : memref<!tpu.dma_semaphore, #tpu.memory_space<semaphore_mem>>)
    %dma_wait3A = arith.constant 0 : i32
    %dma_wait3A_210 = arith.constant 0 : i32
    %dma_wait3A_211 = arith.constant 0 : i32
    %dma_wait3A_212 = arith.constant 0 : i32
    %dma_wait3A_213 = tpu.memref_slice %arg8[%dma_wait3A_210, %dma_wait3A_211, %dma_wait3A_212] : memref<16x128x16xf32, #tpu.memory_space<vmem>> -> memref<1x128x16xf32, #tpu.memory_space<vmem>>
    %dma_wait3A_214 = tpu.memref_squeeze %dma_wait3A_213 : memref<1x128x16xf32, #tpu.memory_space<vmem>> -> memref<128x16xf32, #tpu.memory_space<vmem>>
    %dma_wait3A_215 = arith.constant 0 : i32
    %dma_wait3A_216 = tpu.memref_slice %arg7[%dma_wait3A, %dma_wait3A_215] : memref<104x128xi32, #tpu.memory_space<vmem>> -> memref<1x128xi32, #tpu.memory_space<vmem>>
    %dma_wait3A_217 = tpu.memref_squeeze %dma_wait3A_216 : memref<1x128xi32, #tpu.memory_space<vmem>> -> memref<128xi32, #tpu.memory_space<vmem>>
    %dma_wait3A_218 = arith.constant 0 : i32
    %dma_wait3A_219 = arith.constant 0 : i32
    %dma_wait3A_220 = tpu.memref_slice %arg3[%dma_wait3A_218, %dma_wait3A_219] : memref<999986x16xf32, #tpu.memory_space<hbm>> -> memref<999986x16xf32, #tpu.memory_space<hbm>>
    tpu.wait_indirect_dma semaphore(%arg11 : memref<!tpu.dma_semaphore, #tpu.memory_space<semaphore_mem>>) src(%dma_wait3A_220 : memref<999986x16xf32, #tpu.memory_space<hbm>>) dst(%dma_wait3A_214 : memref<128x16xf32, #tpu.memory_space<vmem>>)
    %dma_wait3A_221 = arith.constant 0 : i32
    %dma_wait3A_222 = arith.constant 0 : i32
    %dma_wait3A_223 = arith.constant 0 : i32
    %dma_wait3A_224 = arith.constant 0 : i32
    %dma_wait3A_225 = tpu.memref_slice %arg9[%dma_wait3A_223, %dma_wait3A_224] : memref<104x128xf32, #tpu.memory_space<vmem>> -> memref<1x128xf32, #tpu.memory_space<vmem>>
    %dma_wait3A_226 = tpu.memref_squeeze %dma_wait3A_225 : memref<1x128xf32, #tpu.memory_space<vmem>> -> memref<128xf32, #tpu.memory_space<vmem>>
    %dma_wait3A_227 = arith.constant 0 : i32
    %dma_wait3A_228 = tpu.memref_slice %arg7[%dma_wait3A_222, %dma_wait3A_227] : memref<104x128xi32, #tpu.memory_space<vmem>> -> memref<1x128xi32, #tpu.memory_space<vmem>>
    %dma_wait3A_229 = tpu.memref_squeeze %dma_wait3A_228 : memref<1x128xi32, #tpu.memory_space<vmem>> -> memref<128xi32, #tpu.memory_space<vmem>>
    %dma_wait3A_230 = arith.constant 0 : i32
    %dma_wait3A_231 = tpu.memref_slice %arg4[%dma_wait3A_221, %dma_wait3A_230] : memref<1x999986xf32, #tpu.memory_space<hbm>> -> memref<1x999986xf32, #tpu.memory_space<hbm>>
    %dma_wait3A_232 = tpu.memref_squeeze %dma_wait3A_231 : memref<1x999986xf32, #tpu.memory_space<hbm>> -> memref<999986xf32, #tpu.memory_space<hbm>>
    %dma_wait3A_233 = arith.constant 0 : i32
    %dma_wait3A_234 = tpu.memref_slice %dma_wait3A_232[%dma_wait3A_233] : memref<999986xf32, #tpu.memory_space<hbm>> -> memref<999986xf32, #tpu.memory_space<hbm>>
    tpu.wait_indirect_dma semaphore(%arg12 : memref<!tpu.dma_semaphore, #tpu.memory_space<semaphore_mem>>) src(%dma_wait3A_234 : memref<999986xf32, #tpu.memory_space<hbm>>) dst(%dma_wait3A_226 : memref<128xf32, #tpu.memory_space<vmem>>)
    %dma_wait3A_235 = arith.constant 1 : i32
    %dma_wait3A_236 = arith.constant 1 : i32
    %dma_wait3A_237 = arith.constant 0 : i32
    %dma_wait3A_238 = arith.constant 0 : i32
    %dma_wait3A_239 = tpu.memref_slice %arg8[%dma_wait3A_236, %dma_wait3A_237, %dma_wait3A_238] : memref<16x128x16xf32, #tpu.memory_space<vmem>> -> memref<1x128x16xf32, #tpu.memory_space<vmem>>
    %dma_wait3A_240 = tpu.memref_squeeze %dma_wait3A_239 : memref<1x128x16xf32, #tpu.memory_space<vmem>> -> memref<128x16xf32, #tpu.memory_space<vmem>>
    %dma_wait3A_241 = arith.constant 0 : i32
    %dma_wait3A_242 = tpu.memref_slice %arg7[%dma_wait3A_235, %dma_wait3A_241] : memref<104x128xi32, #tpu.memory_space<vmem>> -> memref<1x128xi32, #tpu.memory_space<vmem>>
    %dma_wait3A_243 = tpu.memref_squeeze %dma_wait3A_242 : memref<1x128xi32, #tpu.memory_space<vmem>> -> memref<128xi32, #tpu.memory_space<vmem>>
    %dma_wait3A_244 = arith.constant 0 : i32
    %dma_wait3A_245 = arith.constant 0 : i32
    %dma_wait3A_246 = tpu.memref_slice %arg3[%dma_wait3A_244, %dma_wait3A_245] : memref<999986x16xf32, #tpu.memory_space<hbm>> -> memref<999986x16xf32, #tpu.memory_space<hbm>>
    tpu.wait_indirect_dma semaphore(%arg11 : memref<!tpu.dma_semaphore, #tpu.memory_space<semaphore_mem>>) src(%dma_wait3A_246 : memref<999986x16xf32, #tpu.memory_space<hbm>>) dst(%dma_wait3A_240 : memref<128x16xf32, #tpu.memory_space<vmem>>)
    %dma_wait3A_247 = arith.constant 0 : i32
    %dma_wait3A_248 = arith.constant 1 : i32
    %dma_wait3A_249 = arith.constant 1 : i32
    %dma_wait3A_250 = arith.constant 0 : i32
    %dma_wait3A_251 = tpu.memref_slice %arg9[%dma_wait3A_249, %dma_wait3A_250] : memref<104x128xf32, #tpu.memory_space<vmem>> -> memref<1x128xf32, #tpu.memory_space<vmem>>
    %dma_wait3A_252 = tpu.memref_squeeze %dma_wait3A_251 : memref<1x128xf32, #tpu.memory_space<vmem>> -> memref<128xf32, #tpu.memory_space<vmem>>
    %dma_wait3A_253 = arith.constant 0 : i32
    %dma_wait3A_254 = tpu.memref_slice %arg7[%dma_wait3A_248, %dma_wait3A_253] : memref<104x128xi32, #tpu.memory_space<vmem>> -> memref<1x128xi32, #tpu.memory_space<vmem>>
    %dma_wait3A_255 = tpu.memref_squeeze %dma_wait3A_254 : memref<1x128xi32, #tpu.memory_space<vmem>> -> memref<128xi32, #tpu.memory_space<vmem>>
    %dma_wait3A_256 = arith.constant 0 : i32
    %dma_wait3A_257 = tpu.memref_slice %arg4[%dma_wait3A_247, %dma_wait3A_256] : memref<1x999986xf32, #tpu.memory_space<hbm>> -> memref<1x999986xf32, #tpu.memory_space<hbm>>
    %dma_wait3A_258 = tpu.memref_squeeze %dma_wait3A_257 : memref<1x999986xf32, #tpu.memory_space<hbm>> -> memref<999986xf32, #tpu.memory_space<hbm>>
    %dma_wait3A_259 = arith.constant 0 : i32
    %dma_wait3A_260 = tpu.memref_slice %dma_wait3A_258[%dma_wait3A_259] : memref<999986xf32, #tpu.memory_space<hbm>> -> memref<999986xf32, #tpu.memory_space<hbm>>
    tpu.wait_indirect_dma semaphore(%arg12 : memref<!tpu.dma_semaphore, #tpu.memory_space<semaphore_mem>>) src(%dma_wait3A_260 : memref<999986xf32, #tpu.memory_space<hbm>>) dst(%dma_wait3A_252 : memref<128xf32, #tpu.memory_space<vmem>>)
    %dma_wait3A_261 = arith.constant 2 : i32
    %dma_wait3A_262 = arith.constant 2 : i32
    %dma_wait3A_263 = arith.constant 0 : i32
    %dma_wait3A_264 = arith.constant 0 : i32
    %dma_wait3A_265 = tpu.memref_slice %arg8[%dma_wait3A_262, %dma_wait3A_263, %dma_wait3A_264] : memref<16x128x16xf32, #tpu.memory_space<vmem>> -> memref<1x128x16xf32, #tpu.memory_space<vmem>>
    %dma_wait3A_266 = tpu.memref_squeeze %dma_wait3A_265 : memref<1x128x16xf32, #tpu.memory_space<vmem>> -> memref<128x16xf32, #tpu.memory_space<vmem>>
    %dma_wait3A_267 = arith.constant 0 : i32
    %dma_wait3A_268 = tpu.memref_slice %arg7[%dma_wait3A_261, %dma_wait3A_267] : memref<104x128xi32, #tpu.memory_space<vmem>> -> memref<1x128xi32, #tpu.memory_space<vmem>>
    %dma_wait3A_269 = tpu.memref_squeeze %dma_wait3A_268 : memref<1x128xi32, #tpu.memory_space<vmem>> -> memref<128xi32, #tpu.memory_space<vmem>>
    %dma_wait3A_270 = arith.constant 0 : i32
    %dma_wait3A_271 = arith.constant 0 : i32
    %dma_wait3A_272 = tpu.memref_slice %arg3[%dma_wait3A_270, %dma_wait3A_271] : memref<999986x16xf32, #tpu.memory_space<hbm>> -> memref<999986x16xf32, #tpu.memory_space<hbm>>
    tpu.wait_indirect_dma semaphore(%arg11 : memref<!tpu.dma_semaphore, #tpu.memory_space<semaphore_mem>>) src(%dma_wait3A_272 : memref<999986x16xf32, #tpu.memory_space<hbm>>) dst(%dma_wait3A_266 : memref<128x16xf32, #tpu.memory_space<vmem>>)
    %dma_wait3A_273 = arith.constant 0 : i32
    %dma_wait3A_274 = arith.constant 2 : i32
    %dma_wait3A_275 = arith.constant 2 : i32
    %dma_wait3A_276 = arith.constant 0 : i32
    %dma_wait3A_277 = tpu.memref_slice %arg9[%dma_wait3A_275, %dma_wait3A_276] : memref<104x128xf32, #tpu.memory_space<vmem>> -> memref<1x128xf32, #tpu.memory_space<vmem>>
    %dma_wait3A_278 = tpu.memref_squeeze %dma_wait3A_277 : memref<1x128xf32, #tpu.memory_space<vmem>> -> memref<128xf32, #tpu.memory_space<vmem>>
    %dma_wait3A_279 = arith.constant 0 : i32
    %dma_wait3A_280 = tpu.memref_slice %arg7[%dma_wait3A_274, %dma_wait3A_279] : memref<104x128xi32, #tpu.memory_space<vmem>> -> memref<1x128xi32, #tpu.memory_space<vmem>>
    %dma_wait3A_281 = tpu.memref_squeeze %dma_wait3A_280 : memref<1x128xi32, #tpu.memory_space<vmem>> -> memref<128xi32, #tpu.memory_space<vmem>>
    %dma_wait3A_282 = arith.constant 0 : i32
    %dma_wait3A_283 = tpu.memref_slice %arg4[%dma_wait3A_273, %dma_wait3A_282] : memref<1x999986xf32, #tpu.memory_space<hbm>> -> memref<1x999986xf32, #tpu.memory_space<hbm>>
    %dma_wait3A_284 = tpu.memref_squeeze %dma_wait3A_283 : memref<1x999986xf32, #tpu.memory_space<hbm>> -> memref<999986xf32, #tpu.memory_space<hbm>>
    %dma_wait3A_285 = arith.constant 0 : i32
    %dma_wait3A_286 = tpu.memref_slice %dma_wait3A_284[%dma_wait3A_285] : memref<999986xf32, #tpu.memory_space<hbm>> -> memref<999986xf32, #tpu.memory_space<hbm>>
    tpu.wait_indirect_dma semaphore(%arg12 : memref<!tpu.dma_semaphore, #tpu.memory_space<semaphore_mem>>) src(%dma_wait3A_286 : memref<999986xf32, #tpu.memory_space<hbm>>) dst(%dma_wait3A_278 : memref<128xf32, #tpu.memory_space<vmem>>)
    %dma_wait3A_287 = arith.constant 3 : i32
    %dma_wait3A_288 = arith.constant 3 : i32
    %dma_wait3A_289 = arith.constant 0 : i32
    %dma_wait3A_290 = arith.constant 0 : i32
    %dma_wait3A_291 = tpu.memref_slice %arg8[%dma_wait3A_288, %dma_wait3A_289, %dma_wait3A_290] : memref<16x128x16xf32, #tpu.memory_space<vmem>> -> memref<1x128x16xf32, #tpu.memory_space<vmem>>
    %dma_wait3A_292 = tpu.memref_squeeze %dma_wait3A_291 : memref<1x128x16xf32, #tpu.memory_space<vmem>> -> memref<128x16xf32, #tpu.memory_space<vmem>>
    %dma_wait3A_293 = arith.constant 0 : i32
    %dma_wait3A_294 = tpu.memref_slice %arg7[%dma_wait3A_287, %dma_wait3A_293] : memref<104x128xi32, #tpu.memory_space<vmem>> -> memref<1x128xi32, #tpu.memory_space<vmem>>
    %dma_wait3A_295 = tpu.memref_squeeze %dma_wait3A_294 : memref<1x128xi32, #tpu.memory_space<vmem>> -> memref<128xi32, #tpu.memory_space<vmem>>
    %dma_wait3A_296 = arith.constant 0 : i32
    %dma_wait3A_297 = arith.constant 0 : i32
    %dma_wait3A_298 = tpu.memref_slice %arg3[%dma_wait3A_296, %dma_wait3A_297] : memref<999986x16xf32, #tpu.memory_space<hbm>> -> memref<999986x16xf32, #tpu.memory_space<hbm>>
    tpu.wait_indirect_dma semaphore(%arg11 : memref<!tpu.dma_semaphore, #tpu.memory_space<semaphore_mem>>) src(%dma_wait3A_298 : memref<999986x16xf32, #tpu.memory_space<hbm>>) dst(%dma_wait3A_292 : memref<128x16xf32, #tpu.memory_space<vmem>>)
    %dma_wait3A_299 = arith.constant 0 : i32
    %dma_wait3A_300 = arith.constant 3 : i32
    %dma_wait3A_301 = arith.constant 3 : i32
    %dma_wait3A_302 = arith.constant 0 : i32
    %dma_wait3A_303 = tpu.memref_slice %arg9[%dma_wait3A_301, %dma_wait3A_302] : memref<104x128xf32, #tpu.memory_space<vmem>> -> memref<1x128xf32, #tpu.memory_space<vmem>>
    %dma_wait3A_304 = tpu.memref_squeeze %dma_wait3A_303 : memref<1x128xf32, #tpu.memory_space<vmem>> -> memref<128xf32, #tpu.memory_space<vmem>>
    %dma_wait3A_305 = arith.constant 0 : i32
    %dma_wait3A_306 = tpu.memref_slice %arg7[%dma_wait3A_300, %dma_wait3A_305] : memref<104x128xi32, #tpu.memory_space<vmem>> -> memref<1x128xi32, #tpu.memory_space<vmem>>
    %dma_wait3A_307 = tpu.memref_squeeze %dma_wait3A_306 : memref<1x128xi32, #tpu.memory_space<vmem>> -> memref<128xi32, #tpu.memory_space<vmem>>
    %dma_wait3A_308 = arith.constant 0 : i32
    %dma_wait3A_309 = tpu.memref_slice %arg4[%dma_wait3A_299, %dma_wait3A_308] : memref<1x999986xf32, #tpu.memory_space<hbm>> -> memref<1x999986xf32, #tpu.memory_space<hbm>>
    %dma_wait3A_310 = tpu.memref_squeeze %dma_wait3A_309 : memref<1x999986xf32, #tpu.memory_space<hbm>> -> memref<999986xf32, #tpu.memory_space<hbm>>
    %dma_wait3A_311 = arith.constant 0 : i32
    %dma_wait3A_312 = tpu.memref_slice %dma_wait3A_310[%dma_wait3A_311] : memref<999986xf32, #tpu.memory_space<hbm>> -> memref<999986xf32, #tpu.memory_space<hbm>>
    tpu.wait_indirect_dma semaphore(%arg12 : memref<!tpu.dma_semaphore, #tpu.memory_space<semaphore_mem>>) src(%dma_wait3A_312 : memref<999986xf32, #tpu.memory_space<hbm>>) dst(%dma_wait3A_304 : memref<128xf32, #tpu.memory_space<vmem>>)
    %dma_wait3A_313 = arith.constant 4 : i32
    %dma_wait3A_314 = arith.constant 4 : i32
    %dma_wait3A_315 = arith.constant 0 : i32
    %dma_wait3A_316 = arith.constant 0 : i32
    %dma_wait3A_317 = tpu.memref_slice %arg8[%dma_wait3A_314, %dma_wait3A_315, %dma_wait3A_316] : memref<16x128x16xf32, #tpu.memory_space<vmem>> -> memref<1x128x16xf32, #tpu.memory_space<vmem>>
    %dma_wait3A_318 = tpu.memref_squeeze %dma_wait3A_317 : memref<1x128x16xf32, #tpu.memory_space<vmem>> -> memref<128x16xf32, #tpu.memory_space<vmem>>
    %dma_wait3A_319 = arith.constant 0 : i32
    %dma_wait3A_320 = tpu.memref_slice %arg7[%dma_wait3A_313, %dma_wait3A_319] : memref<104x128xi32, #tpu.memory_space<vmem>> -> memref<1x128xi32, #tpu.memory_space<vmem>>
    %dma_wait3A_321 = tpu.memref_squeeze %dma_wait3A_320 : memref<1x128xi32, #tpu.memory_space<vmem>> -> memref<128xi32, #tpu.memory_space<vmem>>
    %dma_wait3A_322 = arith.constant 0 : i32
    %dma_wait3A_323 = arith.constant 0 : i32
    %dma_wait3A_324 = tpu.memref_slice %arg3[%dma_wait3A_322, %dma_wait3A_323] : memref<999986x16xf32, #tpu.memory_space<hbm>> -> memref<999986x16xf32, #tpu.memory_space<hbm>>
    tpu.wait_indirect_dma semaphore(%arg11 : memref<!tpu.dma_semaphore, #tpu.memory_space<semaphore_mem>>) src(%dma_wait3A_324 : memref<999986x16xf32, #tpu.memory_space<hbm>>) dst(%dma_wait3A_318 : memref<128x16xf32, #tpu.memory_space<vmem>>)
    %dma_wait3A_325 = arith.constant 0 : i32
    %dma_wait3A_326 = arith.constant 4 : i32
    %dma_wait3A_327 = arith.constant 4 : i32
    %dma_wait3A_328 = arith.constant 0 : i32
    %dma_wait3A_329 = tpu.memref_slice %arg9[%dma_wait3A_327, %dma_wait3A_328] : memref<104x128xf32, #tpu.memory_space<vmem>> -> memref<1x128xf32, #tpu.memory_space<vmem>>
    %dma_wait3A_330 = tpu.memref_squeeze %dma_wait3A_329 : memref<1x128xf32, #tpu.memory_space<vmem>> -> memref<128xf32, #tpu.memory_space<vmem>>
    %dma_wait3A_331 = arith.constant 0 : i32
    %dma_wait3A_332 = tpu.memref_slice %arg7[%dma_wait3A_326, %dma_wait3A_331] : memref<104x128xi32, #tpu.memory_space<vmem>> -> memref<1x128xi32, #tpu.memory_space<vmem>>
    %dma_wait3A_333 = tpu.memref_squeeze %dma_wait3A_332 : memref<1x128xi32, #tpu.memory_space<vmem>> -> memref<128xi32, #tpu.memory_space<vmem>>
    %dma_wait3A_334 = arith.constant 0 : i32
    %dma_wait3A_335 = tpu.memref_slice %arg4[%dma_wait3A_325, %dma_wait3A_334] : memref<1x999986xf32, #tpu.memory_space<hbm>> -> memref<1x999986xf32, #tpu.memory_space<hbm>>
    %dma_wait3A_336 = tpu.memref_squeeze %dma_wait3A_335 : memref<1x999986xf32, #tpu.memory_space<hbm>> -> memref<999986xf32, #tpu.memory_space<hbm>>
    %dma_wait3A_337 = arith.constant 0 : i32
    %dma_wait3A_338 = tpu.memref_slice %dma_wait3A_336[%dma_wait3A_337] : memref<999986xf32, #tpu.memory_space<hbm>> -> memref<999986xf32, #tpu.memory_space<hbm>>
    tpu.wait_indirect_dma semaphore(%arg12 : memref<!tpu.dma_semaphore, #tpu.memory_space<semaphore_mem>>) src(%dma_wait3A_338 : memref<999986xf32, #tpu.memory_space<hbm>>) dst(%dma_wait3A_330 : memref<128xf32, #tpu.memory_space<vmem>>)
    %dma_wait3A_339 = arith.constant 5 : i32
    %dma_wait3A_340 = arith.constant 5 : i32
    %dma_wait3A_341 = arith.constant 0 : i32
    %dma_wait3A_342 = arith.constant 0 : i32
    %dma_wait3A_343 = tpu.memref_slice %arg8[%dma_wait3A_340, %dma_wait3A_341, %dma_wait3A_342] : memref<16x128x16xf32, #tpu.memory_space<vmem>> -> memref<1x128x16xf32, #tpu.memory_space<vmem>>
    %dma_wait3A_344 = tpu.memref_squeeze %dma_wait3A_343 : memref<1x128x16xf32, #tpu.memory_space<vmem>> -> memref<128x16xf32, #tpu.memory_space<vmem>>
    %dma_wait3A_345 = arith.constant 0 : i32
    %dma_wait3A_346 = tpu.memref_slice %arg7[%dma_wait3A_339, %dma_wait3A_345] : memref<104x128xi32, #tpu.memory_space<vmem>> -> memref<1x128xi32, #tpu.memory_space<vmem>>
    %dma_wait3A_347 = tpu.memref_squeeze %dma_wait3A_346 : memref<1x128xi32, #tpu.memory_space<vmem>> -> memref<128xi32, #tpu.memory_space<vmem>>
    %dma_wait3A_348 = arith.constant 0 : i32
    %dma_wait3A_349 = arith.constant 0 : i32
    %dma_wait3A_350 = tpu.memref_slice %arg3[%dma_wait3A_348, %dma_wait3A_349] : memref<999986x16xf32, #tpu.memory_space<hbm>> -> memref<999986x16xf32, #tpu.memory_space<hbm>>
    tpu.wait_indirect_dma semaphore(%arg11 : memref<!tpu.dma_semaphore, #tpu.memory_space<semaphore_mem>>) src(%dma_wait3A_350 : memref<999986x16xf32, #tpu.memory_space<hbm>>) dst(%dma_wait3A_344 : memref<128x16xf32, #tpu.memory_space<vmem>>)
    %dma_wait3A_351 = arith.constant 0 : i32
    %dma_wait3A_352 = arith.constant 5 : i32
    %dma_wait3A_353 = arith.constant 5 : i32
    %dma_wait3A_354 = arith.constant 0 : i32
    %dma_wait3A_355 = tpu.memref_slice %arg9[%dma_wait3A_353, %dma_wait3A_354] : memref<104x128xf32, #tpu.memory_space<vmem>> -> memref<1x128xf32, #tpu.memory_space<vmem>>
    %dma_wait3A_356 = tpu.memref_squeeze %dma_wait3A_355 : memref<1x128xf32, #tpu.memory_space<vmem>> -> memref<128xf32, #tpu.memory_space<vmem>>
    %dma_wait3A_357 = arith.constant 0 : i32
    %dma_wait3A_358 = tpu.memref_slice %arg7[%dma_wait3A_352, %dma_wait3A_357] : memref<104x128xi32, #tpu.memory_space<vmem>> -> memref<1x128xi32, #tpu.memory_space<vmem>>
    %dma_wait3A_359 = tpu.memref_squeeze %dma_wait3A_358 : memref<1x128xi32, #tpu.memory_space<vmem>> -> memref<128xi32, #tpu.memory_space<vmem>>
    %dma_wait3A_360 = arith.constant 0 : i32
    %dma_wait3A_361 = tpu.memref_slice %arg4[%dma_wait3A_351, %dma_wait3A_360] : memref<1x999986xf32, #tpu.memory_space<hbm>> -> memref<1x999986xf32, #tpu.memory_space<hbm>>
    %dma_wait3A_362 = tpu.memref_squeeze %dma_wait3A_361 : memref<1x999986xf32, #tpu.memory_space<hbm>> -> memref<999986xf32, #tpu.memory_space<hbm>>
    %dma_wait3A_363 = arith.constant 0 : i32
    %dma_wait3A_364 = tpu.memref_slice %dma_wait3A_362[%dma_wait3A_363] : memref<999986xf32, #tpu.memory_space<hbm>> -> memref<999986xf32, #tpu.memory_space<hbm>>
    tpu.wait_indirect_dma semaphore(%arg12 : memref<!tpu.dma_semaphore, #tpu.memory_space<semaphore_mem>>) src(%dma_wait3A_364 : memref<999986xf32, #tpu.memory_space<hbm>>) dst(%dma_wait3A_356 : memref<128xf32, #tpu.memory_space<vmem>>)
    %dma_wait3A_365 = arith.constant 6 : i32
    %dma_wait3A_366 = arith.constant 6 : i32
    %dma_wait3A_367 = arith.constant 0 : i32
    %dma_wait3A_368 = arith.constant 0 : i32
    %dma_wait3A_369 = tpu.memref_slice %arg8[%dma_wait3A_366, %dma_wait3A_367, %dma_wait3A_368] : memref<16x128x16xf32, #tpu.memory_space<vmem>> -> memref<1x128x16xf32, #tpu.memory_space<vmem>>
    %dma_wait3A_370 = tpu.memref_squeeze %dma_wait3A_369 : memref<1x128x16xf32, #tpu.memory_space<vmem>> -> memref<128x16xf32, #tpu.memory_space<vmem>>
    %dma_wait3A_371 = arith.constant 0 : i32
    %dma_wait3A_372 = tpu.memref_slice %arg7[%dma_wait3A_365, %dma_wait3A_371] : memref<104x128xi32, #tpu.memory_space<vmem>> -> memref<1x128xi32, #tpu.memory_space<vmem>>
    %dma_wait3A_373 = tpu.memref_squeeze %dma_wait3A_372 : memref<1x128xi32, #tpu.memory_space<vmem>> -> memref<128xi32, #tpu.memory_space<vmem>>
    %dma_wait3A_374 = arith.constant 0 : i32
    %dma_wait3A_375 = arith.constant 0 : i32
    %dma_wait3A_376 = tpu.memref_slice %arg3[%dma_wait3A_374, %dma_wait3A_375] : memref<999986x16xf32, #tpu.memory_space<hbm>> -> memref<999986x16xf32, #tpu.memory_space<hbm>>
    tpu.wait_indirect_dma semaphore(%arg11 : memref<!tpu.dma_semaphore, #tpu.memory_space<semaphore_mem>>) src(%dma_wait3A_376 : memref<999986x16xf32, #tpu.memory_space<hbm>>) dst(%dma_wait3A_370 : memref<128x16xf32, #tpu.memory_space<vmem>>)
    %dma_wait3A_377 = arith.constant 0 : i32
    %dma_wait3A_378 = arith.constant 6 : i32
    %dma_wait3A_379 = arith.constant 6 : i32
    %dma_wait3A_380 = arith.constant 0 : i32
    %dma_wait3A_381 = tpu.memref_slice %arg9[%dma_wait3A_379, %dma_wait3A_380] : memref<104x128xf32, #tpu.memory_space<vmem>> -> memref<1x128xf32, #tpu.memory_space<vmem>>
    %dma_wait3A_382 = tpu.memref_squeeze %dma_wait3A_381 : memref<1x128xf32, #tpu.memory_space<vmem>> -> memref<128xf32, #tpu.memory_space<vmem>>
    %dma_wait3A_383 = arith.constant 0 : i32
    %dma_wait3A_384 = tpu.memref_slice %arg7[%dma_wait3A_378, %dma_wait3A_383] : memref<104x128xi32, #tpu.memory_space<vmem>> -> memref<1x128xi32, #tpu.memory_space<vmem>>
    %dma_wait3A_385 = tpu.memref_squeeze %dma_wait3A_384 : memref<1x128xi32, #tpu.memory_space<vmem>> -> memref<128xi32, #tpu.memory_space<vmem>>
    %dma_wait3A_386 = arith.constant 0 : i32
    %dma_wait3A_387 = tpu.memref_slice %arg4[%dma_wait3A_377, %dma_wait3A_386] : memref<1x999986xf32, #tpu.memory_space<hbm>> -> memref<1x999986xf32, #tpu.memory_space<hbm>>
    %dma_wait3A_388 = tpu.memref_squeeze %dma_wait3A_387 : memref<1x999986xf32, #tpu.memory_space<hbm>> -> memref<999986xf32, #tpu.memory_space<hbm>>
    %dma_wait3A_389 = arith.constant 0 : i32
    %dma_wait3A_390 = tpu.memref_slice %dma_wait3A_388[%dma_wait3A_389] : memref<999986xf32, #tpu.memory_space<hbm>> -> memref<999986xf32, #tpu.memory_space<hbm>>
    tpu.wait_indirect_dma semaphore(%arg12 : memref<!tpu.dma_semaphore, #tpu.memory_space<semaphore_mem>>) src(%dma_wait3A_390 : memref<999986xf32, #tpu.memory_space<hbm>>) dst(%dma_wait3A_382 : memref<128xf32, #tpu.memory_space<vmem>>)
    %dma_wait3A_391 = arith.constant 7 : i32
    %dma_wait3A_392 = arith.constant 7 : i32
    %dma_wait3A_393 = arith.constant 0 : i32
    %dma_wait3A_394 = arith.constant 0 : i32
    %dma_wait3A_395 = tpu.memref_slice %arg8[%dma_wait3A_392, %dma_wait3A_393, %dma_wait3A_394] : memref<16x128x16xf32, #tpu.memory_space<vmem>> -> memref<1x128x16xf32, #tpu.memory_space<vmem>>
    %dma_wait3A_396 = tpu.memref_squeeze %dma_wait3A_395 : memref<1x128x16xf32, #tpu.memory_space<vmem>> -> memref<128x16xf32, #tpu.memory_space<vmem>>
    %dma_wait3A_397 = arith.constant 0 : i32
    %dma_wait3A_398 = tpu.memref_slice %arg7[%dma_wait3A_391, %dma_wait3A_397] : memref<104x128xi32, #tpu.memory_space<vmem>> -> memref<1x128xi32, #tpu.memory_space<vmem>>
    %dma_wait3A_399 = tpu.memref_squeeze %dma_wait3A_398 : memref<1x128xi32, #tpu.memory_space<vmem>> -> memref<128xi32, #tpu.memory_space<vmem>>
    %dma_wait3A_400 = arith.constant 0 : i32
    %dma_wait3A_401 = arith.constant 0 : i32
    %dma_wait3A_402 = tpu.memref_slice %arg3[%dma_wait3A_400, %dma_wait3A_401] : memref<999986x16xf32, #tpu.memory_space<hbm>> -> memref<999986x16xf32, #tpu.memory_space<hbm>>
    tpu.wait_indirect_dma semaphore(%arg11 : memref<!tpu.dma_semaphore, #tpu.memory_space<semaphore_mem>>) src(%dma_wait3A_402 : memref<999986x16xf32, #tpu.memory_space<hbm>>) dst(%dma_wait3A_396 : memref<128x16xf32, #tpu.memory_space<vmem>>)
    %dma_wait3A_403 = arith.constant 0 : i32
    %dma_wait3A_404 = arith.constant 7 : i32
    %dma_wait3A_405 = arith.constant 7 : i32
    %dma_wait3A_406 = arith.constant 0 : i32
    %dma_wait3A_407 = tpu.memref_slice %arg9[%dma_wait3A_405, %dma_wait3A_406] : memref<104x128xf32, #tpu.memory_space<vmem>> -> memref<1x128xf32, #tpu.memory_space<vmem>>
    %dma_wait3A_408 = tpu.memref_squeeze %dma_wait3A_407 : memref<1x128xf32, #tpu.memory_space<vmem>> -> memref<128xf32, #tpu.memory_space<vmem>>
    %dma_wait3A_409 = arith.constant 0 : i32
    %dma_wait3A_410 = tpu.memref_slice %arg7[%dma_wait3A_404, %dma_wait3A_409] : memref<104x128xi32, #tpu.memory_space<vmem>> -> memref<1x128xi32, #tpu.memory_space<vmem>>
    %dma_wait3A_411 = tpu.memref_squeeze %dma_wait3A_410 : memref<1x128xi32, #tpu.memory_space<vmem>> -> memref<128xi32, #tpu.memory_space<vmem>>
    %dma_wait3A_412 = arith.constant 0 : i32
    %dma_wait3A_413 = tpu.memref_slice %arg4[%dma_wait3A_403, %dma_wait3A_412] : memref<1x999986xf32, #tpu.memory_space<hbm>> -> memref<1x999986xf32, #tpu.memory_space<hbm>>
    %dma_wait3A_414 = tpu.memref_squeeze %dma_wait3A_413 : memref<1x999986xf32, #tpu.memory_space<hbm>> -> memref<999986xf32, #tpu.memory_space<hbm>>
    %dma_wait3A_415 = arith.constant 0 : i32
    %dma_wait3A_416 = tpu.memref_slice %dma_wait3A_414[%dma_wait3A_415] : memref<999986xf32, #tpu.memory_space<hbm>> -> memref<999986xf32, #tpu.memory_space<hbm>>
    tpu.wait_indirect_dma semaphore(%arg12 : memref<!tpu.dma_semaphore, #tpu.memory_space<semaphore_mem>>) src(%dma_wait3A_416 : memref<999986xf32, #tpu.memory_space<hbm>>) dst(%dma_wait3A_408 : memref<128xf32, #tpu.memory_space<vmem>>)
    %add3A_417 = arith.constant 0 : i32
    %add3A_418 = arith.addi %mul3A_2, %add3A_417 : i32
    %dma_start3A_419 = arith.constant 0 : i32
    %dma_start3A_420 = arith.constant 0 : i32
    %dma_start3A_421 = arith.constant 0 : i32
    %dma_start3A_422 = tpu.memref_slice %arg8[%dma_start3A_419, %dma_start3A_420, %dma_start3A_421] : memref<16x128x16xf32, #tpu.memory_space<vmem>> -> memref<1x128x16xf32, #tpu.memory_space<vmem>>
    %dma_start3A_423 = tpu.memref_squeeze %dma_start3A_422 : memref<1x128x16xf32, #tpu.memory_space<vmem>> -> memref<128x16xf32, #tpu.memory_space<vmem>>
    %dma_start3A_424 = arith.constant 0 : i32
    %dma_start3A_425 = tpu.memref_slice %arg5[%add3A_418, %dma_start3A_424] : memref<425984x16xf32, #tpu.memory_space<hbm>> -> memref<128x16xf32, #tpu.memory_space<hbm>>
    %dma_start3A_426 = arith.constant 0 : i32
    %dma_start3A_427 = tpu.memref_slice %arg5[%add3A_418, %dma_start3A_426] : memref<425984x16xf32, #tpu.memory_space<hbm>> -> memref<128x16xf32, #tpu.memory_space<hbm>>
    %dma_start3A_428 = arith.constant 0 : i32
    %dma_start3A_429 = arith.constant 0 : i32
    %dma_start3A_430 = tpu.memref_slice %arg8[%dma_start3A_419, %dma_start3A_428, %dma_start3A_429] : memref<16x128x16xf32, #tpu.memory_space<vmem>> -> memref<1x128x16xf32, #tpu.memory_space<vmem>>
    %dma_start3A_431 = tpu.memref_squeeze %dma_start3A_430 : memref<1x128x16xf32, #tpu.memory_space<vmem>> -> memref<128x16xf32, #tpu.memory_space<vmem>>
    tpu.enqueue_dma source(%dma_start3A_431 : memref<128x16xf32, #tpu.memory_space<vmem>>) target(%dma_start3A_427 : memref<128x16xf32, #tpu.memory_space<hbm>>) target_semaphore(%arg13 : memref<!tpu.dma_semaphore, #tpu.memory_space<semaphore_mem>>)
    %add3A_432 = arith.constant 128 : i32
    %add3A_433 = arith.addi %mul3A_2, %add3A_432 : i32
    %dma_start3A_434 = arith.constant 1 : i32
    %dma_start3A_435 = arith.constant 0 : i32
    %dma_start3A_436 = arith.constant 0 : i32
    %dma_start3A_437 = tpu.memref_slice %arg8[%dma_start3A_434, %dma_start3A_435, %dma_start3A_436] : memref<16x128x16xf32, #tpu.memory_space<vmem>> -> memref<1x128x16xf32, #tpu.memory_space<vmem>>
    %dma_start3A_438 = tpu.memref_squeeze %dma_start3A_437 : memref<1x128x16xf32, #tpu.memory_space<vmem>> -> memref<128x16xf32, #tpu.memory_space<vmem>>
    %dma_start3A_439 = arith.constant 0 : i32
    %dma_start3A_440 = tpu.memref_slice %arg5[%add3A_433, %dma_start3A_439] : memref<425984x16xf32, #tpu.memory_space<hbm>> -> memref<128x16xf32, #tpu.memory_space<hbm>>
    %dma_start3A_441 = arith.constant 0 : i32
    %dma_start3A_442 = tpu.memref_slice %arg5[%add3A_433, %dma_start3A_441] : memref<425984x16xf32, #tpu.memory_space<hbm>> -> memref<128x16xf32, #tpu.memory_space<hbm>>
    %dma_start3A_443 = arith.constant 0 : i32
    %dma_start3A_444 = arith.constant 0 : i32
    %dma_start3A_445 = tpu.memref_slice %arg8[%dma_start3A_434, %dma_start3A_443, %dma_start3A_444] : memref<16x128x16xf32, #tpu.memory_space<vmem>> -> memref<1x128x16xf32, #tpu.memory_space<vmem>>
    %dma_start3A_446 = tpu.memref_squeeze %dma_start3A_445 : memref<1x128x16xf32, #tpu.memory_space<vmem>> -> memref<128x16xf32, #tpu.memory_space<vmem>>
    tpu.enqueue_dma source(%dma_start3A_446 : memref<128x16xf32, #tpu.memory_space<vmem>>) target(%dma_start3A_442 : memref<128x16xf32, #tpu.memory_space<hbm>>) target_semaphore(%arg13 : memref<!tpu.dma_semaphore, #tpu.memory_space<semaphore_mem>>)
    %add3A_447 = arith.constant 256 : i32
    %add3A_448 = arith.addi %mul3A_2, %add3A_447 : i32
    %dma_start3A_449 = arith.constant 2 : i32
    %dma_start3A_450 = arith.constant 0 : i32
    %dma_start3A_451 = arith.constant 0 : i32
    %dma_start3A_452 = tpu.memref_slice %arg8[%dma_start3A_449, %dma_start3A_450, %dma_start3A_451] : memref<16x128x16xf32, #tpu.memory_space<vmem>> -> memref<1x128x16xf32, #tpu.memory_space<vmem>>
    %dma_start3A_453 = tpu.memref_squeeze %dma_start3A_452 : memref<1x128x16xf32, #tpu.memory_space<vmem>> -> memref<128x16xf32, #tpu.memory_space<vmem>>
    %dma_start3A_454 = arith.constant 0 : i32
    %dma_start3A_455 = tpu.memref_slice %arg5[%add3A_448, %dma_start3A_454] : memref<425984x16xf32, #tpu.memory_space<hbm>> -> memref<128x16xf32, #tpu.memory_space<hbm>>
    %dma_start3A_456 = arith.constant 0 : i32
    %dma_start3A_457 = tpu.memref_slice %arg5[%add3A_448, %dma_start3A_456] : memref<425984x16xf32, #tpu.memory_space<hbm>> -> memref<128x16xf32, #tpu.memory_space<hbm>>
    %dma_start3A_458 = arith.constant 0 : i32
    %dma_start3A_459 = arith.constant 0 : i32
    %dma_start3A_460 = tpu.memref_slice %arg8[%dma_start3A_449, %dma_start3A_458, %dma_start3A_459] : memref<16x128x16xf32, #tpu.memory_space<vmem>> -> memref<1x128x16xf32, #tpu.memory_space<vmem>>
    %dma_start3A_461 = tpu.memref_squeeze %dma_start3A_460 : memref<1x128x16xf32, #tpu.memory_space<vmem>> -> memref<128x16xf32, #tpu.memory_space<vmem>>
    tpu.enqueue_dma source(%dma_start3A_461 : memref<128x16xf32, #tpu.memory_space<vmem>>) target(%dma_start3A_457 : memref<128x16xf32, #tpu.memory_space<hbm>>) target_semaphore(%arg13 : memref<!tpu.dma_semaphore, #tpu.memory_space<semaphore_mem>>)
    %add3A_462 = arith.constant 384 : i32
    %add3A_463 = arith.addi %mul3A_2, %add3A_462 : i32
    %dma_start3A_464 = arith.constant 3 : i32
    %dma_start3A_465 = arith.constant 0 : i32
    %dma_start3A_466 = arith.constant 0 : i32
    %dma_start3A_467 = tpu.memref_slice %arg8[%dma_start3A_464, %dma_start3A_465, %dma_start3A_466] : memref<16x128x16xf32, #tpu.memory_space<vmem>> -> memref<1x128x16xf32, #tpu.memory_space<vmem>>
    %dma_start3A_468 = tpu.memref_squeeze %dma_start3A_467 : memref<1x128x16xf32, #tpu.memory_space<vmem>> -> memref<128x16xf32, #tpu.memory_space<vmem>>
    %dma_start3A_469 = arith.constant 0 : i32
    %dma_start3A_470 = tpu.memref_slice %arg5[%add3A_463, %dma_start3A_469] : memref<425984x16xf32, #tpu.memory_space<hbm>> -> memref<128x16xf32, #tpu.memory_space<hbm>>
    %dma_start3A_471 = arith.constant 0 : i32
    %dma_start3A_472 = tpu.memref_slice %arg5[%add3A_463, %dma_start3A_471] : memref<425984x16xf32, #tpu.memory_space<hbm>> -> memref<128x16xf32, #tpu.memory_space<hbm>>
    %dma_start3A_473 = arith.constant 0 : i32
    %dma_start3A_474 = arith.constant 0 : i32
    %dma_start3A_475 = tpu.memref_slice %arg8[%dma_start3A_464, %dma_start3A_473, %dma_start3A_474] : memref<16x128x16xf32, #tpu.memory_space<vmem>> -> memref<1x128x16xf32, #tpu.memory_space<vmem>>
    %dma_start3A_476 = tpu.memref_squeeze %dma_start3A_475 : memref<1x128x16xf32, #tpu.memory_space<vmem>> -> memref<128x16xf32, #tpu.memory_space<vmem>>
    tpu.enqueue_dma source(%dma_start3A_476 : memref<128x16xf32, #tpu.memory_space<vmem>>) target(%dma_start3A_472 : memref<128x16xf32, #tpu.memory_space<hbm>>) target_semaphore(%arg13 : memref<!tpu.dma_semaphore, #tpu.memory_space<semaphore_mem>>)
    %add3A_477 = arith.constant 512 : i32
    %add3A_478 = arith.addi %mul3A_2, %add3A_477 : i32
    %dma_start3A_479 = arith.constant 4 : i32
    %dma_start3A_480 = arith.constant 0 : i32
    %dma_start3A_481 = arith.constant 0 : i32
    %dma_start3A_482 = tpu.memref_slice %arg8[%dma_start3A_479, %dma_start3A_480, %dma_start3A_481] : memref<16x128x16xf32, #tpu.memory_space<vmem>> -> memref<1x128x16xf32, #tpu.memory_space<vmem>>
    %dma_start3A_483 = tpu.memref_squeeze %dma_start3A_482 : memref<1x128x16xf32, #tpu.memory_space<vmem>> -> memref<128x16xf32, #tpu.memory_space<vmem>>
    %dma_start3A_484 = arith.constant 0 : i32
    %dma_start3A_485 = tpu.memref_slice %arg5[%add3A_478, %dma_start3A_484] : memref<425984x16xf32, #tpu.memory_space<hbm>> -> memref<128x16xf32, #tpu.memory_space<hbm>>
    %dma_start3A_486 = arith.constant 0 : i32
    %dma_start3A_487 = tpu.memref_slice %arg5[%add3A_478, %dma_start3A_486] : memref<425984x16xf32, #tpu.memory_space<hbm>> -> memref<128x16xf32, #tpu.memory_space<hbm>>
    %dma_start3A_488 = arith.constant 0 : i32
    %dma_start3A_489 = arith.constant 0 : i32
    %dma_start3A_490 = tpu.memref_slice %arg8[%dma_start3A_479, %dma_start3A_488, %dma_start3A_489] : memref<16x128x16xf32, #tpu.memory_space<vmem>> -> memref<1x128x16xf32, #tpu.memory_space<vmem>>
    %dma_start3A_491 = tpu.memref_squeeze %dma_start3A_490 : memref<1x128x16xf32, #tpu.memory_space<vmem>> -> memref<128x16xf32, #tpu.memory_space<vmem>>
    tpu.enqueue_dma source(%dma_start3A_491 : memref<128x16xf32, #tpu.memory_space<vmem>>) target(%dma_start3A_487 : memref<128x16xf32, #tpu.memory_space<hbm>>) target_semaphore(%arg13 : memref<!tpu.dma_semaphore, #tpu.memory_space<semaphore_mem>>)
    %add3A_492 = arith.constant 640 : i32
    %add3A_493 = arith.addi %mul3A_2, %add3A_492 : i32
    %dma_start3A_494 = arith.constant 5 : i32
    %dma_start3A_495 = arith.constant 0 : i32
    %dma_start3A_496 = arith.constant 0 : i32
    %dma_start3A_497 = tpu.memref_slice %arg8[%dma_start3A_494, %dma_start3A_495, %dma_start3A_496] : memref<16x128x16xf32, #tpu.memory_space<vmem>> -> memref<1x128x16xf32, #tpu.memory_space<vmem>>
    %dma_start3A_498 = tpu.memref_squeeze %dma_start3A_497 : memref<1x128x16xf32, #tpu.memory_space<vmem>> -> memref<128x16xf32, #tpu.memory_space<vmem>>
    %dma_start3A_499 = arith.constant 0 : i32
    %dma_start3A_500 = tpu.memref_slice %arg5[%add3A_493, %dma_start3A_499] : memref<425984x16xf32, #tpu.memory_space<hbm>> -> memref<128x16xf32, #tpu.memory_space<hbm>>
    %dma_start3A_501 = arith.constant 0 : i32
    %dma_start3A_502 = tpu.memref_slice %arg5[%add3A_493, %dma_start3A_501] : memref<425984x16xf32, #tpu.memory_space<hbm>> -> memref<128x16xf32, #tpu.memory_space<hbm>>
    %dma_start3A_503 = arith.constant 0 : i32
    %dma_start3A_504 = arith.constant 0 : i32
    %dma_start3A_505 = tpu.memref_slice %arg8[%dma_start3A_494, %dma_start3A_503, %dma_start3A_504] : memref<16x128x16xf32, #tpu.memory_space<vmem>> -> memref<1x128x16xf32, #tpu.memory_space<vmem>>
    %dma_start3A_506 = tpu.memref_squeeze %dma_start3A_505 : memref<1x128x16xf32, #tpu.memory_space<vmem>> -> memref<128x16xf32, #tpu.memory_space<vmem>>
    tpu.enqueue_dma source(%dma_start3A_506 : memref<128x16xf32, #tpu.memory_space<vmem>>) target(%dma_start3A_502 : memref<128x16xf32, #tpu.memory_space<hbm>>) target_semaphore(%arg13 : memref<!tpu.dma_semaphore, #tpu.memory_space<semaphore_mem>>)
    %add3A_507 = arith.constant 768 : i32
    %add3A_508 = arith.addi %mul3A_2, %add3A_507 : i32
    %dma_start3A_509 = arith.constant 6 : i32
    %dma_start3A_510 = arith.constant 0 : i32
    %dma_start3A_511 = arith.constant 0 : i32
    %dma_start3A_512 = tpu.memref_slice %arg8[%dma_start3A_509, %dma_start3A_510, %dma_start3A_511] : memref<16x128x16xf32, #tpu.memory_space<vmem>> -> memref<1x128x16xf32, #tpu.memory_space<vmem>>
    %dma_start3A_513 = tpu.memref_squeeze %dma_start3A_512 : memref<1x128x16xf32, #tpu.memory_space<vmem>> -> memref<128x16xf32, #tpu.memory_space<vmem>>
    %dma_start3A_514 = arith.constant 0 : i32
    %dma_start3A_515 = tpu.memref_slice %arg5[%add3A_508, %dma_start3A_514] : memref<425984x16xf32, #tpu.memory_space<hbm>> -> memref<128x16xf32, #tpu.memory_space<hbm>>
    %dma_start3A_516 = arith.constant 0 : i32
    %dma_start3A_517 = tpu.memref_slice %arg5[%add3A_508, %dma_start3A_516] : memref<425984x16xf32, #tpu.memory_space<hbm>> -> memref<128x16xf32, #tpu.memory_space<hbm>>
    %dma_start3A_518 = arith.constant 0 : i32
    %dma_start3A_519 = arith.constant 0 : i32
    %dma_start3A_520 = tpu.memref_slice %arg8[%dma_start3A_509, %dma_start3A_518, %dma_start3A_519] : memref<16x128x16xf32, #tpu.memory_space<vmem>> -> memref<1x128x16xf32, #tpu.memory_space<vmem>>
    %dma_start3A_521 = tpu.memref_squeeze %dma_start3A_520 : memref<1x128x16xf32, #tpu.memory_space<vmem>> -> memref<128x16xf32, #tpu.memory_space<vmem>>
    tpu.enqueue_dma source(%dma_start3A_521 : memref<128x16xf32, #tpu.memory_space<vmem>>) target(%dma_start3A_517 : memref<128x16xf32, #tpu.memory_space<hbm>>) target_semaphore(%arg13 : memref<!tpu.dma_semaphore, #tpu.memory_space<semaphore_mem>>)
    %add3A_522 = arith.constant 896 : i32
    %add3A_523 = arith.addi %mul3A_2, %add3A_522 : i32
    %dma_start3A_524 = arith.constant 7 : i32
    %dma_start3A_525 = arith.constant 0 : i32
    %dma_start3A_526 = arith.constant 0 : i32
    %dma_start3A_527 = tpu.memref_slice %arg8[%dma_start3A_524, %dma_start3A_525, %dma_start3A_526] : memref<16x128x16xf32, #tpu.memory_space<vmem>> -> memref<1x128x16xf32, #tpu.memory_space<vmem>>
    %dma_start3A_528 = tpu.memref_squeeze %dma_start3A_527 : memref<1x128x16xf32, #tpu.memory_space<vmem>> -> memref<128x16xf32, #tpu.memory_space<vmem>>
    %dma_start3A_529 = arith.constant 0 : i32
    %dma_start3A_530 = tpu.memref_slice %arg5[%add3A_523, %dma_start3A_529] : memref<425984x16xf32, #tpu.memory_space<hbm>> -> memref<128x16xf32, #tpu.memory_space<hbm>>
    %dma_start3A_531 = arith.constant 0 : i32
    %dma_start3A_532 = tpu.memref_slice %arg5[%add3A_523, %dma_start3A_531] : memref<425984x16xf32, #tpu.memory_space<hbm>> -> memref<128x16xf32, #tpu.memory_space<hbm>>
    %dma_start3A_533 = arith.constant 0 : i32
    %dma_start3A_534 = arith.constant 0 : i32
    %dma_start3A_535 = tpu.memref_slice %arg8[%dma_start3A_524, %dma_start3A_533, %dma_start3A_534] : memref<16x128x16xf32, #tpu.memory_space<vmem>> -> memref<1x128x16xf32, #tpu.memory_space<vmem>>
    %dma_start3A_536 = tpu.memref_squeeze %dma_start3A_535 : memref<1x128x16xf32, #tpu.memory_space<vmem>> -> memref<128x16xf32, #tpu.memory_space<vmem>>
    tpu.enqueue_dma source(%dma_start3A_536 : memref<128x16xf32, #tpu.memory_space<vmem>>) target(%dma_start3A_532 : memref<128x16xf32, #tpu.memory_space<hbm>>) target_semaphore(%arg13 : memref<!tpu.dma_semaphore, #tpu.memory_space<semaphore_mem>>)
    %scan3A = arith.constant 0 : i32
    %scan3A_537 = arith.constant 1 : i32
    %scan3A_538 = arith.constant 12 : i32
    %scan3A_539 = arith.addi %scan3A_537, %scan3A_538 : i32
    %scan3A_540 = arith.constant 1 : i32
    scf.for %scan3A_670 = %scan3A_537 to %scan3A_539 step %scan3A_540  : i32 {
      %jit3A = arith.constant 2 : i32
      %eq3A = arith.constant 0 : i32
      %eq3A_671 = arith.cmpi eq, %jit3A, %eq3A : i32
      %jit3A_672 = arith.constant 1 : i32
      %select_n3A = arith.select %eq3A_671, %jit3A_672, %jit3A : i32
      %rem3A = arith.remsi %scan3A_670, %select_n3A : i32
      %ne3A = arith.constant 0 : i32
      %ne3A_673 = arith.cmpi ne, %rem3A, %ne3A : i32
      %lt3A = arith.constant 0 : i32
      %lt3A_674 = arith.cmpi slt, %rem3A, %lt3A : i32
      %lt3A_675 = arith.constant 0 : i32
      %lt3A_676 = arith.cmpi slt, %select_n3A, %lt3A_675 : i32
      %ne3A_677 = arith.xori %lt3A_674, %lt3A_676 : i1
      %and3A = arith.andi %ne3A_677, %ne3A_673 : i1
      %add3A_678 = arith.addi %rem3A, %select_n3A : i32
      %select_n3A_679 = arith.select %and3A, %add3A_678, %rem3A : i32
      %mul3A_680 = arith.constant 8 : i32
      %mul3A_681 = arith.muli %scan3A_670, %mul3A_680 : i32
      %add3A_682 = arith.constant 0 : i32
      %add3A_683 = arith.addi %mul3A_681, %add3A_682 : i32
      %mul3A_684 = arith.constant 8 : i32
      %mul3A_685 = arith.muli %select_n3A_679, %mul3A_684 : i32
      %add3A_686 = arith.constant 0 : i32
      %add3A_687 = arith.addi %mul3A_685, %add3A_686 : i32
      %dma_start3A_688 = arith.constant 0 : i32
      %dma_start3A_689 = arith.constant 0 : i32
      %dma_start3A_690 = tpu.memref_slice %arg8[%add3A_687, %dma_start3A_688, %dma_start3A_689] : memref<16x128x16xf32, #tpu.memory_space<vmem>> -> memref<1x128x16xf32, #tpu.memory_space<vmem>>
      %dma_start3A_691 = tpu.memref_squeeze %dma_start3A_690 : memref<1x128x16xf32, #tpu.memory_space<vmem>> -> memref<128x16xf32, #tpu.memory_space<vmem>>
      %dma_start3A_692 = arith.constant 0 : i32
      %dma_start3A_693 = tpu.memref_slice %arg7[%add3A_683, %dma_start3A_692] : memref<104x128xi32, #tpu.memory_space<vmem>> -> memref<1x128xi32, #tpu.memory_space<vmem>>
      %dma_start3A_694 = tpu.memref_squeeze %dma_start3A_693 : memref<1x128xi32, #tpu.memory_space<vmem>> -> memref<128xi32, #tpu.memory_space<vmem>>
      %dma_start3A_695 = arith.constant 0 : i32
      %dma_start3A_696 = arith.constant 0 : i32
      %dma_start3A_697 = tpu.memref_slice %arg3[%dma_start3A_695, %dma_start3A_696] : memref<999986x16xf32, #tpu.memory_space<hbm>> -> memref<999986x16xf32, #tpu.memory_space<hbm>>
      tpu.enqueue_indirect_dma source(%dma_start3A_697 : memref<999986x16xf32, #tpu.memory_space<hbm>>) target(%dma_start3A_691 : memref<128x16xf32, #tpu.memory_space<vmem>>) offsets(%dma_start3A_694 : memref<128xi32, #tpu.memory_space<vmem>>) semaphore(%arg11 : memref<!tpu.dma_semaphore, #tpu.memory_space<semaphore_mem>>)
      %add3A_698 = arith.constant 0 : i32
      %add3A_699 = arith.addi %mul3A_681, %add3A_698 : i32
      %dma_start3A_700 = arith.constant 0 : i32
      %dma_start3A_701 = arith.constant 0 : i32
      %dma_start3A_702 = tpu.memref_slice %arg9[%add3A_699, %dma_start3A_701] : memref<104x128xf32, #tpu.memory_space<vmem>> -> memref<1x128xf32, #tpu.memory_space<vmem>>
      %dma_start3A_703 = tpu.memref_squeeze %dma_start3A_702 : memref<1x128xf32, #tpu.memory_space<vmem>> -> memref<128xf32, #tpu.memory_space<vmem>>
      %dma_start3A_704 = arith.constant 0 : i32
      %dma_start3A_705 = tpu.memref_slice %arg7[%add3A_683, %dma_start3A_704] : memref<104x128xi32, #tpu.memory_space<vmem>> -> memref<1x128xi32, #tpu.memory_space<vmem>>
      %dma_start3A_706 = tpu.memref_squeeze %dma_start3A_705 : memref<1x128xi32, #tpu.memory_space<vmem>> -> memref<128xi32, #tpu.memory_space<vmem>>
      %dma_start3A_707 = arith.constant 0 : i32
      %dma_start3A_708 = tpu.memref_slice %arg4[%dma_start3A_700, %dma_start3A_707] : memref<1x999986xf32, #tpu.memory_space<hbm>> -> memref<1x999986xf32, #tpu.memory_space<hbm>>
      %dma_start3A_709 = tpu.memref_squeeze %dma_start3A_708 : memref<1x999986xf32, #tpu.memory_space<hbm>> -> memref<999986xf32, #tpu.memory_space<hbm>>
      %dma_start3A_710 = arith.constant 0 : i32
      %dma_start3A_711 = tpu.memref_slice %dma_start3A_709[%dma_start3A_710] : memref<999986xf32, #tpu.memory_space<hbm>> -> memref<999986xf32, #tpu.memory_space<hbm>>
      tpu.enqueue_indirect_dma source(%dma_start3A_711 : memref<999986xf32, #tpu.memory_space<hbm>>) target(%dma_start3A_703 : memref<128xf32, #tpu.memory_space<vmem>>) offsets(%dma_start3A_706 : memref<128xi32, #tpu.memory_space<vmem>>) semaphore(%arg12 : memref<!tpu.dma_semaphore, #tpu.memory_space<semaphore_mem>>)
      %add3A_712 = arith.constant 1 : i32
      %add3A_713 = arith.addi %mul3A_681, %add3A_712 : i32
      %mul3A_714 = arith.constant 8 : i32
      %mul3A_715 = arith.muli %select_n3A_679, %mul3A_714 : i32
      %add3A_716 = arith.constant 1 : i32
      %add3A_717 = arith.addi %mul3A_715, %add3A_716 : i32
      %dma_start3A_718 = arith.constant 0 : i32
      %dma_start3A_719 = arith.constant 0 : i32
      %dma_start3A_720 = tpu.memref_slice %arg8[%add3A_717, %dma_start3A_718, %dma_start3A_719] : memref<16x128x16xf32, #tpu.memory_space<vmem>> -> memref<1x128x16xf32, #tpu.memory_space<vmem>>
      %dma_start3A_721 = tpu.memref_squeeze %dma_start3A_720 : memref<1x128x16xf32, #tpu.memory_space<vmem>> -> memref<128x16xf32, #tpu.memory_space<vmem>>
      %dma_start3A_722 = arith.constant 0 : i32
      %dma_start3A_723 = tpu.memref_slice %arg7[%add3A_713, %dma_start3A_722] : memref<104x128xi32, #tpu.memory_space<vmem>> -> memref<1x128xi32, #tpu.memory_space<vmem>>
      %dma_start3A_724 = tpu.memref_squeeze %dma_start3A_723 : memref<1x128xi32, #tpu.memory_space<vmem>> -> memref<128xi32, #tpu.memory_space<vmem>>
      %dma_start3A_725 = arith.constant 0 : i32
      %dma_start3A_726 = arith.constant 0 : i32
      %dma_start3A_727 = tpu.memref_slice %arg3[%dma_start3A_725, %dma_start3A_726] : memref<999986x16xf32, #tpu.memory_space<hbm>> -> memref<999986x16xf32, #tpu.memory_space<hbm>>
      tpu.enqueue_indirect_dma source(%dma_start3A_727 : memref<999986x16xf32, #tpu.memory_space<hbm>>) target(%dma_start3A_721 : memref<128x16xf32, #tpu.memory_space<vmem>>) offsets(%dma_start3A_724 : memref<128xi32, #tpu.memory_space<vmem>>) semaphore(%arg11 : memref<!tpu.dma_semaphore, #tpu.memory_space<semaphore_mem>>)
      %add3A_728 = arith.constant 1 : i32
      %add3A_729 = arith.addi %mul3A_681, %add3A_728 : i32
      %dma_start3A_730 = arith.constant 0 : i32
      %dma_start3A_731 = arith.constant 0 : i32
      %dma_start3A_732 = tpu.memref_slice %arg9[%add3A_729, %dma_start3A_731] : memref<104x128xf32, #tpu.memory_space<vmem>> -> memref<1x128xf32, #tpu.memory_space<vmem>>
      %dma_start3A_733 = tpu.memref_squeeze %dma_start3A_732 : memref<1x128xf32, #tpu.memory_space<vmem>> -> memref<128xf32, #tpu.memory_space<vmem>>
      %dma_start3A_734 = arith.constant 0 : i32
      %dma_start3A_735 = tpu.memref_slice %arg7[%add3A_713, %dma_start3A_734] : memref<104x128xi32, #tpu.memory_space<vmem>> -> memref<1x128xi32, #tpu.memory_space<vmem>>
      %dma_start3A_736 = tpu.memref_squeeze %dma_start3A_735 : memref<1x128xi32, #tpu.memory_space<vmem>> -> memref<128xi32, #tpu.memory_space<vmem>>
      %dma_start3A_737 = arith.constant 0 : i32
      %dma_start3A_738 = tpu.memref_slice %arg4[%dma_start3A_730, %dma_start3A_737] : memref<1x999986xf32, #tpu.memory_space<hbm>> -> memref<1x999986xf32, #tpu.memory_space<hbm>>
      %dma_start3A_739 = tpu.memref_squeeze %dma_start3A_738 : memref<1x999986xf32, #tpu.memory_space<hbm>> -> memref<999986xf32, #tpu.memory_space<hbm>>
      %dma_start3A_740 = arith.constant 0 : i32
      %dma_start3A_741 = tpu.memref_slice %dma_start3A_739[%dma_start3A_740] : memref<999986xf32, #tpu.memory_space<hbm>> -> memref<999986xf32, #tpu.memory_space<hbm>>
      tpu.enqueue_indirect_dma source(%dma_start3A_741 : memref<999986xf32, #tpu.memory_space<hbm>>) target(%dma_start3A_733 : memref<128xf32, #tpu.memory_space<vmem>>) offsets(%dma_start3A_736 : memref<128xi32, #tpu.memory_space<vmem>>) semaphore(%arg12 : memref<!tpu.dma_semaphore, #tpu.memory_space<semaphore_mem>>)
      %add3A_742 = arith.constant 2 : i32
      %add3A_743 = arith.addi %mul3A_681, %add3A_742 : i32
      %mul3A_744 = arith.constant 8 : i32
      %mul3A_745 = arith.muli %select_n3A_679, %mul3A_744 : i32
      %add3A_746 = arith.constant 2 : i32
      %add3A_747 = arith.addi %mul3A_745, %add3A_746 : i32
      %dma_start3A_748 = arith.constant 0 : i32
      %dma_start3A_749 = arith.constant 0 : i32
      %dma_start3A_750 = tpu.memref_slice %arg8[%add3A_747, %dma_start3A_748, %dma_start3A_749] : memref<16x128x16xf32, #tpu.memory_space<vmem>> -> memref<1x128x16xf32, #tpu.memory_space<vmem>>
      %dma_start3A_751 = tpu.memref_squeeze %dma_start3A_750 : memref<1x128x16xf32, #tpu.memory_space<vmem>> -> memref<128x16xf32, #tpu.memory_space<vmem>>
      %dma_start3A_752 = arith.constant 0 : i32
      %dma_start3A_753 = tpu.memref_slice %arg7[%add3A_743, %dma_start3A_752] : memref<104x128xi32, #tpu.memory_space<vmem>> -> memref<1x128xi32, #tpu.memory_space<vmem>>
      %dma_start3A_754 = tpu.memref_squeeze %dma_start3A_753 : memref<1x128xi32, #tpu.memory_space<vmem>> -> memref<128xi32, #tpu.memory_space<vmem>>
      %dma_start3A_755 = arith.constant 0 : i32
      %dma_start3A_756 = arith.constant 0 : i32
      %dma_start3A_757 = tpu.memref_slice %arg3[%dma_start3A_755, %dma_start3A_756] : memref<999986x16xf32, #tpu.memory_space<hbm>> -> memref<999986x16xf32, #tpu.memory_space<hbm>>
      tpu.enqueue_indirect_dma source(%dma_start3A_757 : memref<999986x16xf32, #tpu.memory_space<hbm>>) target(%dma_start3A_751 : memref<128x16xf32, #tpu.memory_space<vmem>>) offsets(%dma_start3A_754 : memref<128xi32, #tpu.memory_space<vmem>>) semaphore(%arg11 : memref<!tpu.dma_semaphore, #tpu.memory_space<semaphore_mem>>)
      %add3A_758 = arith.constant 2 : i32
      %add3A_759 = arith.addi %mul3A_681, %add3A_758 : i32
      %dma_start3A_760 = arith.constant 0 : i32
      %dma_start3A_761 = arith.constant 0 : i32
      %dma_start3A_762 = tpu.memref_slice %arg9[%add3A_759, %dma_start3A_761] : memref<104x128xf32, #tpu.memory_space<vmem>> -> memref<1x128xf32, #tpu.memory_space<vmem>>
      %dma_start3A_763 = tpu.memref_squeeze %dma_start3A_762 : memref<1x128xf32, #tpu.memory_space<vmem>> -> memref<128xf32, #tpu.memory_space<vmem>>
      %dma_start3A_764 = arith.constant 0 : i32
      %dma_start3A_765 = tpu.memref_slice %arg7[%add3A_743, %dma_start3A_764] : memref<104x128xi32, #tpu.memory_space<vmem>> -> memref<1x128xi32, #tpu.memory_space<vmem>>
      %dma_start3A_766 = tpu.memref_squeeze %dma_start3A_765 : memref<1x128xi32, #tpu.memory_space<vmem>> -> memref<128xi32, #tpu.memory_space<vmem>>
      %dma_start3A_767 = arith.constant 0 : i32
      %dma_start3A_768 = tpu.memref_slice %arg4[%dma_start3A_760, %dma_start3A_767] : memref<1x999986xf32, #tpu.memory_space<hbm>> -> memref<1x999986xf32, #tpu.memory_space<hbm>>
      %dma_start3A_769 = tpu.memref_squeeze %dma_start3A_768 : memref<1x999986xf32, #tpu.memory_space<hbm>> -> memref<999986xf32, #tpu.memory_space<hbm>>
      %dma_start3A_770 = arith.constant 0 : i32
      %dma_start3A_771 = tpu.memref_slice %dma_start3A_769[%dma_start3A_770] : memref<999986xf32, #tpu.memory_space<hbm>> -> memref<999986xf32, #tpu.memory_space<hbm>>
      tpu.enqueue_indirect_dma source(%dma_start3A_771 : memref<999986xf32, #tpu.memory_space<hbm>>) target(%dma_start3A_763 : memref<128xf32, #tpu.memory_space<vmem>>) offsets(%dma_start3A_766 : memref<128xi32, #tpu.memory_space<vmem>>) semaphore(%arg12 : memref<!tpu.dma_semaphore, #tpu.memory_space<semaphore_mem>>)
      %add3A_772 = arith.constant 3 : i32
      %add3A_773 = arith.addi %mul3A_681, %add3A_772 : i32
      %mul3A_774 = arith.constant 8 : i32
      %mul3A_775 = arith.muli %select_n3A_679, %mul3A_774 : i32
      %add3A_776 = arith.constant 3 : i32
      %add3A_777 = arith.addi %mul3A_775, %add3A_776 : i32
      %dma_start3A_778 = arith.constant 0 : i32
      %dma_start3A_779 = arith.constant 0 : i32
      %dma_start3A_780 = tpu.memref_slice %arg8[%add3A_777, %dma_start3A_778, %dma_start3A_779] : memref<16x128x16xf32, #tpu.memory_space<vmem>> -> memref<1x128x16xf32, #tpu.memory_space<vmem>>
      %dma_start3A_781 = tpu.memref_squeeze %dma_start3A_780 : memref<1x128x16xf32, #tpu.memory_space<vmem>> -> memref<128x16xf32, #tpu.memory_space<vmem>>
      %dma_start3A_782 = arith.constant 0 : i32
      %dma_start3A_783 = tpu.memref_slice %arg7[%add3A_773, %dma_start3A_782] : memref<104x128xi32, #tpu.memory_space<vmem>> -> memref<1x128xi32, #tpu.memory_space<vmem>>
      %dma_start3A_784 = tpu.memref_squeeze %dma_start3A_783 : memref<1x128xi32, #tpu.memory_space<vmem>> -> memref<128xi32, #tpu.memory_space<vmem>>
      %dma_start3A_785 = arith.constant 0 : i32
      %dma_start3A_786 = arith.constant 0 : i32
      %dma_start3A_787 = tpu.memref_slice %arg3[%dma_start3A_785, %dma_start3A_786] : memref<999986x16xf32, #tpu.memory_space<hbm>> -> memref<999986x16xf32, #tpu.memory_space<hbm>>
      tpu.enqueue_indirect_dma source(%dma_start3A_787 : memref<999986x16xf32, #tpu.memory_space<hbm>>) target(%dma_start3A_781 : memref<128x16xf32, #tpu.memory_space<vmem>>) offsets(%dma_start3A_784 : memref<128xi32, #tpu.memory_space<vmem>>) semaphore(%arg11 : memref<!tpu.dma_semaphore, #tpu.memory_space<semaphore_mem>>)
      %add3A_788 = arith.constant 3 : i32
      %add3A_789 = arith.addi %mul3A_681, %add3A_788 : i32
      %dma_start3A_790 = arith.constant 0 : i32
      %dma_start3A_791 = arith.constant 0 : i32
      %dma_start3A_792 = tpu.memref_slice %arg9[%add3A_789, %dma_start3A_791] : memref<104x128xf32, #tpu.memory_space<vmem>> -> memref<1x128xf32, #tpu.memory_space<vmem>>
      %dma_start3A_793 = tpu.memref_squeeze %dma_start3A_792 : memref<1x128xf32, #tpu.memory_space<vmem>> -> memref<128xf32, #tpu.memory_space<vmem>>
      %dma_start3A_794 = arith.constant 0 : i32
      %dma_start3A_795 = tpu.memref_slice %arg7[%add3A_773, %dma_start3A_794] : memref<104x128xi32, #tpu.memory_space<vmem>> -> memref<1x128xi32, #tpu.memory_space<vmem>>
      %dma_start3A_796 = tpu.memref_squeeze %dma_start3A_795 : memref<1x128xi32, #tpu.memory_space<vmem>> -> memref<128xi32, #tpu.memory_space<vmem>>
      %dma_start3A_797 = arith.constant 0 : i32
      %dma_start3A_798 = tpu.memref_slice %arg4[%dma_start3A_790, %dma_start3A_797] : memref<1x999986xf32, #tpu.memory_space<hbm>> -> memref<1x999986xf32, #tpu.memory_space<hbm>>
      %dma_start3A_799 = tpu.memref_squeeze %dma_start3A_798 : memref<1x999986xf32, #tpu.memory_space<hbm>> -> memref<999986xf32, #tpu.memory_space<hbm>>
      %dma_start3A_800 = arith.constant 0 : i32
      %dma_start3A_801 = tpu.memref_slice %dma_start3A_799[%dma_start3A_800] : memref<999986xf32, #tpu.memory_space<hbm>> -> memref<999986xf32, #tpu.memory_space<hbm>>
      tpu.enqueue_indirect_dma source(%dma_start3A_801 : memref<999986xf32, #tpu.memory_space<hbm>>) target(%dma_start3A_793 : memref<128xf32, #tpu.memory_space<vmem>>) offsets(%dma_start3A_796 : memref<128xi32, #tpu.memory_space<vmem>>) semaphore(%arg12 : memref<!tpu.dma_semaphore, #tpu.memory_space<semaphore_mem>>)
      %add3A_802 = arith.constant 4 : i32
      %add3A_803 = arith.addi %mul3A_681, %add3A_802 : i32
      %mul3A_804 = arith.constant 8 : i32
      %mul3A_805 = arith.muli %select_n3A_679, %mul3A_804 : i32
      %add3A_806 = arith.constant 4 : i32
      %add3A_807 = arith.addi %mul3A_805, %add3A_806 : i32
      %dma_start3A_808 = arith.constant 0 : i32
      %dma_start3A_809 = arith.constant 0 : i32
      %dma_start3A_810 = tpu.memref_slice %arg8[%add3A_807, %dma_start3A_808, %dma_start3A_809] : memref<16x128x16xf32, #tpu.memory_space<vmem>> -> memref<1x128x16xf32, #tpu.memory_space<vmem>>
      %dma_start3A_811 = tpu.memref_squeeze %dma_start3A_810 : memref<1x128x16xf32, #tpu.memory_space<vmem>> -> memref<128x16xf32, #tpu.memory_space<vmem>>
      %dma_start3A_812 = arith.constant 0 : i32
      %dma_start3A_813 = tpu.memref_slice %arg7[%add3A_803, %dma_start3A_812] : memref<104x128xi32, #tpu.memory_space<vmem>> -> memref<1x128xi32, #tpu.memory_space<vmem>>
      %dma_start3A_814 = tpu.memref_squeeze %dma_start3A_813 : memref<1x128xi32, #tpu.memory_space<vmem>> -> memref<128xi32, #tpu.memory_space<vmem>>
      %dma_start3A_815 = arith.constant 0 : i32
      %dma_start3A_816 = arith.constant 0 : i32
      %dma_start3A_817 = tpu.memref_slice %arg3[%dma_start3A_815, %dma_start3A_816] : memref<999986x16xf32, #tpu.memory_space<hbm>> -> memref<999986x16xf32, #tpu.memory_space<hbm>>
      tpu.enqueue_indirect_dma source(%dma_start3A_817 : memref<999986x16xf32, #tpu.memory_space<hbm>>) target(%dma_start3A_811 : memref<128x16xf32, #tpu.memory_space<vmem>>) offsets(%dma_start3A_814 : memref<128xi32, #tpu.memory_space<vmem>>) semaphore(%arg11 : memref<!tpu.dma_semaphore, #tpu.memory_space<semaphore_mem>>)
      %add3A_818 = arith.constant 4 : i32
      %add3A_819 = arith.addi %mul3A_681, %add3A_818 : i32
      %dma_start3A_820 = arith.constant 0 : i32
      %dma_start3A_821 = arith.constant 0 : i32
      %dma_start3A_822 = tpu.memref_slice %arg9[%add3A_819, %dma_start3A_821] : memref<104x128xf32, #tpu.memory_space<vmem>> -> memref<1x128xf32, #tpu.memory_space<vmem>>
      %dma_start3A_823 = tpu.memref_squeeze %dma_start3A_822 : memref<1x128xf32, #tpu.memory_space<vmem>> -> memref<128xf32, #tpu.memory_space<vmem>>
      %dma_start3A_824 = arith.constant 0 : i32
      %dma_start3A_825 = tpu.memref_slice %arg7[%add3A_803, %dma_start3A_824] : memref<104x128xi32, #tpu.memory_space<vmem>> -> memref<1x128xi32, #tpu.memory_space<vmem>>
      %dma_start3A_826 = tpu.memref_squeeze %dma_start3A_825 : memref<1x128xi32, #tpu.memory_space<vmem>> -> memref<128xi32, #tpu.memory_space<vmem>>
      %dma_start3A_827 = arith.constant 0 : i32
      %dma_start3A_828 = tpu.memref_slice %arg4[%dma_start3A_820, %dma_start3A_827] : memref<1x999986xf32, #tpu.memory_space<hbm>> -> memref<1x999986xf32, #tpu.memory_space<hbm>>
      %dma_start3A_829 = tpu.memref_squeeze %dma_start3A_828 : memref<1x999986xf32, #tpu.memory_space<hbm>> -> memref<999986xf32, #tpu.memory_space<hbm>>
      %dma_start3A_830 = arith.constant 0 : i32
      %dma_start3A_831 = tpu.memref_slice %dma_start3A_829[%dma_start3A_830] : memref<999986xf32, #tpu.memory_space<hbm>> -> memref<999986xf32, #tpu.memory_space<hbm>>
      tpu.enqueue_indirect_dma source(%dma_start3A_831 : memref<999986xf32, #tpu.memory_space<hbm>>) target(%dma_start3A_823 : memref<128xf32, #tpu.memory_space<vmem>>) offsets(%dma_start3A_826 : memref<128xi32, #tpu.memory_space<vmem>>) semaphore(%arg12 : memref<!tpu.dma_semaphore, #tpu.memory_space<semaphore_mem>>)
      %add3A_832 = arith.constant 5 : i32
      %add3A_833 = arith.addi %mul3A_681, %add3A_832 : i32
      %mul3A_834 = arith.constant 8 : i32
      %mul3A_835 = arith.muli %select_n3A_679, %mul3A_834 : i32
      %add3A_836 = arith.constant 5 : i32
      %add3A_837 = arith.addi %mul3A_835, %add3A_836 : i32
      %dma_start3A_838 = arith.constant 0 : i32
      %dma_start3A_839 = arith.constant 0 : i32
      %dma_start3A_840 = tpu.memref_slice %arg8[%add3A_837, %dma_start3A_838, %dma_start3A_839] : memref<16x128x16xf32, #tpu.memory_space<vmem>> -> memref<1x128x16xf32, #tpu.memory_space<vmem>>
      %dma_start3A_841 = tpu.memref_squeeze %dma_start3A_840 : memref<1x128x16xf32, #tpu.memory_space<vmem>> -> memref<128x16xf32, #tpu.memory_space<vmem>>
      %dma_start3A_842 = arith.constant 0 : i32
      %dma_start3A_843 = tpu.memref_slice %arg7[%add3A_833, %dma_start3A_842] : memref<104x128xi32, #tpu.memory_space<vmem>> -> memref<1x128xi32, #tpu.memory_space<vmem>>
      %dma_start3A_844 = tpu.memref_squeeze %dma_start3A_843 : memref<1x128xi32, #tpu.memory_space<vmem>> -> memref<128xi32, #tpu.memory_space<vmem>>
      %dma_start3A_845 = arith.constant 0 : i32
      %dma_start3A_846 = arith.constant 0 : i32
      %dma_start3A_847 = tpu.memref_slice %arg3[%dma_start3A_845, %dma_start3A_846] : memref<999986x16xf32, #tpu.memory_space<hbm>> -> memref<999986x16xf32, #tpu.memory_space<hbm>>
      tpu.enqueue_indirect_dma source(%dma_start3A_847 : memref<999986x16xf32, #tpu.memory_space<hbm>>) target(%dma_start3A_841 : memref<128x16xf32, #tpu.memory_space<vmem>>) offsets(%dma_start3A_844 : memref<128xi32, #tpu.memory_space<vmem>>) semaphore(%arg11 : memref<!tpu.dma_semaphore, #tpu.memory_space<semaphore_mem>>)
      %add3A_848 = arith.constant 5 : i32
      %add3A_849 = arith.addi %mul3A_681, %add3A_848 : i32
      %dma_start3A_850 = arith.constant 0 : i32
      %dma_start3A_851 = arith.constant 0 : i32
      %dma_start3A_852 = tpu.memref_slice %arg9[%add3A_849, %dma_start3A_851] : memref<104x128xf32, #tpu.memory_space<vmem>> -> memref<1x128xf32, #tpu.memory_space<vmem>>
      %dma_start3A_853 = tpu.memref_squeeze %dma_start3A_852 : memref<1x128xf32, #tpu.memory_space<vmem>> -> memref<128xf32, #tpu.memory_space<vmem>>
      %dma_start3A_854 = arith.constant 0 : i32
      %dma_start3A_855 = tpu.memref_slice %arg7[%add3A_833, %dma_start3A_854] : memref<104x128xi32, #tpu.memory_space<vmem>> -> memref<1x128xi32, #tpu.memory_space<vmem>>
      %dma_start3A_856 = tpu.memref_squeeze %dma_start3A_855 : memref<1x128xi32, #tpu.memory_space<vmem>> -> memref<128xi32, #tpu.memory_space<vmem>>
      %dma_start3A_857 = arith.constant 0 : i32
      %dma_start3A_858 = tpu.memref_slice %arg4[%dma_start3A_850, %dma_start3A_857] : memref<1x999986xf32, #tpu.memory_space<hbm>> -> memref<1x999986xf32, #tpu.memory_space<hbm>>
      %dma_start3A_859 = tpu.memref_squeeze %dma_start3A_858 : memref<1x999986xf32, #tpu.memory_space<hbm>> -> memref<999986xf32, #tpu.memory_space<hbm>>
      %dma_start3A_860 = arith.constant 0 : i32
      %dma_start3A_861 = tpu.memref_slice %dma_start3A_859[%dma_start3A_860] : memref<999986xf32, #tpu.memory_space<hbm>> -> memref<999986xf32, #tpu.memory_space<hbm>>
      tpu.enqueue_indirect_dma source(%dma_start3A_861 : memref<999986xf32, #tpu.memory_space<hbm>>) target(%dma_start3A_853 : memref<128xf32, #tpu.memory_space<vmem>>) offsets(%dma_start3A_856 : memref<128xi32, #tpu.memory_space<vmem>>) semaphore(%arg12 : memref<!tpu.dma_semaphore, #tpu.memory_space<semaphore_mem>>)
      %add3A_862 = arith.constant 6 : i32
      %add3A_863 = arith.addi %mul3A_681, %add3A_862 : i32
      %mul3A_864 = arith.constant 8 : i32
      %mul3A_865 = arith.muli %select_n3A_679, %mul3A_864 : i32
      %add3A_866 = arith.constant 6 : i32
      %add3A_867 = arith.addi %mul3A_865, %add3A_866 : i32
      %dma_start3A_868 = arith.constant 0 : i32
      %dma_start3A_869 = arith.constant 0 : i32
      %dma_start3A_870 = tpu.memref_slice %arg8[%add3A_867, %dma_start3A_868, %dma_start3A_869] : memref<16x128x16xf32, #tpu.memory_space<vmem>> -> memref<1x128x16xf32, #tpu.memory_space<vmem>>
      %dma_start3A_871 = tpu.memref_squeeze %dma_start3A_870 : memref<1x128x16xf32, #tpu.memory_space<vmem>> -> memref<128x16xf32, #tpu.memory_space<vmem>>
      %dma_start3A_872 = arith.constant 0 : i32
      %dma_start3A_873 = tpu.memref_slice %arg7[%add3A_863, %dma_start3A_872] : memref<104x128xi32, #tpu.memory_space<vmem>> -> memref<1x128xi32, #tpu.memory_space<vmem>>
      %dma_start3A_874 = tpu.memref_squeeze %dma_start3A_873 : memref<1x128xi32, #tpu.memory_space<vmem>> -> memref<128xi32, #tpu.memory_space<vmem>>
      %dma_start3A_875 = arith.constant 0 : i32
      %dma_start3A_876 = arith.constant 0 : i32
      %dma_start3A_877 = tpu.memref_slice %arg3[%dma_start3A_875, %dma_start3A_876] : memref<999986x16xf32, #tpu.memory_space<hbm>> -> memref<999986x16xf32, #tpu.memory_space<hbm>>
      tpu.enqueue_indirect_dma source(%dma_start3A_877 : memref<999986x16xf32, #tpu.memory_space<hbm>>) target(%dma_start3A_871 : memref<128x16xf32, #tpu.memory_space<vmem>>) offsets(%dma_start3A_874 : memref<128xi32, #tpu.memory_space<vmem>>) semaphore(%arg11 : memref<!tpu.dma_semaphore, #tpu.memory_space<semaphore_mem>>)
      %add3A_878 = arith.constant 6 : i32
      %add3A_879 = arith.addi %mul3A_681, %add3A_878 : i32
      %dma_start3A_880 = arith.constant 0 : i32
      %dma_start3A_881 = arith.constant 0 : i32
      %dma_start3A_882 = tpu.memref_slice %arg9[%add3A_879, %dma_start3A_881] : memref<104x128xf32, #tpu.memory_space<vmem>> -> memref<1x128xf32, #tpu.memory_space<vmem>>
      %dma_start3A_883 = tpu.memref_squeeze %dma_start3A_882 : memref<1x128xf32, #tpu.memory_space<vmem>> -> memref<128xf32, #tpu.memory_space<vmem>>
      %dma_start3A_884 = arith.constant 0 : i32
      %dma_start3A_885 = tpu.memref_slice %arg7[%add3A_863, %dma_start3A_884] : memref<104x128xi32, #tpu.memory_space<vmem>> -> memref<1x128xi32, #tpu.memory_space<vmem>>
      %dma_start3A_886 = tpu.memref_squeeze %dma_start3A_885 : memref<1x128xi32, #tpu.memory_space<vmem>> -> memref<128xi32, #tpu.memory_space<vmem>>
      %dma_start3A_887 = arith.constant 0 : i32
      %dma_start3A_888 = tpu.memref_slice %arg4[%dma_start3A_880, %dma_start3A_887] : memref<1x999986xf32, #tpu.memory_space<hbm>> -> memref<1x999986xf32, #tpu.memory_space<hbm>>
      %dma_start3A_889 = tpu.memref_squeeze %dma_start3A_888 : memref<1x999986xf32, #tpu.memory_space<hbm>> -> memref<999986xf32, #tpu.memory_space<hbm>>
      %dma_start3A_890 = arith.constant 0 : i32
      %dma_start3A_891 = tpu.memref_slice %dma_start3A_889[%dma_start3A_890] : memref<999986xf32, #tpu.memory_space<hbm>> -> memref<999986xf32, #tpu.memory_space<hbm>>
      tpu.enqueue_indirect_dma source(%dma_start3A_891 : memref<999986xf32, #tpu.memory_space<hbm>>) target(%dma_start3A_883 : memref<128xf32, #tpu.memory_space<vmem>>) offsets(%dma_start3A_886 : memref<128xi32, #tpu.memory_space<vmem>>) semaphore(%arg12 : memref<!tpu.dma_semaphore, #tpu.memory_space<semaphore_mem>>)
      %add3A_892 = arith.constant 7 : i32
      %add3A_893 = arith.addi %mul3A_681, %add3A_892 : i32
      %mul3A_894 = arith.constant 8 : i32
      %mul3A_895 = arith.muli %select_n3A_679, %mul3A_894 : i32
      %add3A_896 = arith.constant 7 : i32
      %add3A_897 = arith.addi %mul3A_895, %add3A_896 : i32
      %dma_start3A_898 = arith.constant 0 : i32
      %dma_start3A_899 = arith.constant 0 : i32
      %dma_start3A_900 = tpu.memref_slice %arg8[%add3A_897, %dma_start3A_898, %dma_start3A_899] : memref<16x128x16xf32, #tpu.memory_space<vmem>> -> memref<1x128x16xf32, #tpu.memory_space<vmem>>
      %dma_start3A_901 = tpu.memref_squeeze %dma_start3A_900 : memref<1x128x16xf32, #tpu.memory_space<vmem>> -> memref<128x16xf32, #tpu.memory_space<vmem>>
      %dma_start3A_902 = arith.constant 0 : i32
      %dma_start3A_903 = tpu.memref_slice %arg7[%add3A_893, %dma_start3A_902] : memref<104x128xi32, #tpu.memory_space<vmem>> -> memref<1x128xi32, #tpu.memory_space<vmem>>
      %dma_start3A_904 = tpu.memref_squeeze %dma_start3A_903 : memref<1x128xi32, #tpu.memory_space<vmem>> -> memref<128xi32, #tpu.memory_space<vmem>>
      %dma_start3A_905 = arith.constant 0 : i32
      %dma_start3A_906 = arith.constant 0 : i32
      %dma_start3A_907 = tpu.memref_slice %arg3[%dma_start3A_905, %dma_start3A_906] : memref<999986x16xf32, #tpu.memory_space<hbm>> -> memref<999986x16xf32, #tpu.memory_space<hbm>>
      tpu.enqueue_indirect_dma source(%dma_start3A_907 : memref<999986x16xf32, #tpu.memory_space<hbm>>) target(%dma_start3A_901 : memref<128x16xf32, #tpu.memory_space<vmem>>) offsets(%dma_start3A_904 : memref<128xi32, #tpu.memory_space<vmem>>) semaphore(%arg11 : memref<!tpu.dma_semaphore, #tpu.memory_space<semaphore_mem>>)
      %add3A_908 = arith.constant 7 : i32
      %add3A_909 = arith.addi %mul3A_681, %add3A_908 : i32
      %dma_start3A_910 = arith.constant 0 : i32
      %dma_start3A_911 = arith.constant 0 : i32
      %dma_start3A_912 = tpu.memref_slice %arg9[%add3A_909, %dma_start3A_911] : memref<104x128xf32, #tpu.memory_space<vmem>> -> memref<1x128xf32, #tpu.memory_space<vmem>>
      %dma_start3A_913 = tpu.memref_squeeze %dma_start3A_912 : memref<1x128xf32, #tpu.memory_space<vmem>> -> memref<128xf32, #tpu.memory_space<vmem>>
      %dma_start3A_914 = arith.constant 0 : i32
      %dma_start3A_915 = tpu.memref_slice %arg7[%add3A_893, %dma_start3A_914] : memref<104x128xi32, #tpu.memory_space<vmem>> -> memref<1x128xi32, #tpu.memory_space<vmem>>
      %dma_start3A_916 = tpu.memref_squeeze %dma_start3A_915 : memref<1x128xi32, #tpu.memory_space<vmem>> -> memref<128xi32, #tpu.memory_space<vmem>>
      %dma_start3A_917 = arith.constant 0 : i32
      %dma_start3A_918 = tpu.memref_slice %arg4[%dma_start3A_910, %dma_start3A_917] : memref<1x999986xf32, #tpu.memory_space<hbm>> -> memref<1x999986xf32, #tpu.memory_space<hbm>>
      %dma_start3A_919 = tpu.memref_squeeze %dma_start3A_918 : memref<1x999986xf32, #tpu.memory_space<hbm>> -> memref<999986xf32, #tpu.memory_space<hbm>>
      %dma_start3A_920 = arith.constant 0 : i32
      %dma_start3A_921 = tpu.memref_slice %dma_start3A_919[%dma_start3A_920] : memref<999986xf32, #tpu.memory_space<hbm>> -> memref<999986xf32, #tpu.memory_space<hbm>>
      tpu.enqueue_indirect_dma source(%dma_start3A_921 : memref<999986xf32, #tpu.memory_space<hbm>>) target(%dma_start3A_913 : memref<128xf32, #tpu.memory_space<vmem>>) offsets(%dma_start3A_916 : memref<128xi32, #tpu.memory_space<vmem>>) semaphore(%arg12 : memref<!tpu.dma_semaphore, #tpu.memory_space<semaphore_mem>>)
      %dma_wait3A_922 = arith.constant 0 : i32
      %dma_wait3A_923 = arith.constant 0 : i32
      %dma_wait3A_924 = tpu.memref_slice %arg8[%add3A_687, %dma_wait3A_922, %dma_wait3A_923] : memref<16x128x16xf32, #tpu.memory_space<vmem>> -> memref<1x128x16xf32, #tpu.memory_space<vmem>>
      %dma_wait3A_925 = tpu.memref_squeeze %dma_wait3A_924 : memref<1x128x16xf32, #tpu.memory_space<vmem>> -> memref<128x16xf32, #tpu.memory_space<vmem>>
      %dma_wait3A_926 = arith.constant 0 : i32
      %dma_wait3A_927 = tpu.memref_slice %arg7[%add3A_683, %dma_wait3A_926] : memref<104x128xi32, #tpu.memory_space<vmem>> -> memref<1x128xi32, #tpu.memory_space<vmem>>
      %dma_wait3A_928 = tpu.memref_squeeze %dma_wait3A_927 : memref<1x128xi32, #tpu.memory_space<vmem>> -> memref<128xi32, #tpu.memory_space<vmem>>
      %dma_wait3A_929 = arith.constant 0 : i32
      %dma_wait3A_930 = arith.constant 0 : i32
      %dma_wait3A_931 = tpu.memref_slice %arg3[%dma_wait3A_929, %dma_wait3A_930] : memref<999986x16xf32, #tpu.memory_space<hbm>> -> memref<999986x16xf32, #tpu.memory_space<hbm>>
      tpu.wait_indirect_dma semaphore(%arg11 : memref<!tpu.dma_semaphore, #tpu.memory_space<semaphore_mem>>) src(%dma_wait3A_931 : memref<999986x16xf32, #tpu.memory_space<hbm>>) dst(%dma_wait3A_925 : memref<128x16xf32, #tpu.memory_space<vmem>>)
      %dma_wait3A_932 = arith.constant 0 : i32
      %dma_wait3A_933 = arith.constant 0 : i32
      %dma_wait3A_934 = tpu.memref_slice %arg9[%add3A_699, %dma_wait3A_933] : memref<104x128xf32, #tpu.memory_space<vmem>> -> memref<1x128xf32, #tpu.memory_space<vmem>>
      %dma_wait3A_935 = tpu.memref_squeeze %dma_wait3A_934 : memref<1x128xf32, #tpu.memory_space<vmem>> -> memref<128xf32, #tpu.memory_space<vmem>>
      %dma_wait3A_936 = arith.constant 0 : i32
      %dma_wait3A_937 = tpu.memref_slice %arg7[%add3A_683, %dma_wait3A_936] : memref<104x128xi32, #tpu.memory_space<vmem>> -> memref<1x128xi32, #tpu.memory_space<vmem>>
      %dma_wait3A_938 = tpu.memref_squeeze %dma_wait3A_937 : memref<1x128xi32, #tpu.memory_space<vmem>> -> memref<128xi32, #tpu.memory_space<vmem>>
      %dma_wait3A_939 = arith.constant 0 : i32
      %dma_wait3A_940 = tpu.memref_slice %arg4[%dma_wait3A_932, %dma_wait3A_939] : memref<1x999986xf32, #tpu.memory_space<hbm>> -> memref<1x999986xf32, #tpu.memory_space<hbm>>
      %dma_wait3A_941 = tpu.memref_squeeze %dma_wait3A_940 : memref<1x999986xf32, #tpu.memory_space<hbm>> -> memref<999986xf32, #tpu.memory_space<hbm>>
      %dma_wait3A_942 = arith.constant 0 : i32
      %dma_wait3A_943 = tpu.memref_slice %dma_wait3A_941[%dma_wait3A_942] : memref<999986xf32, #tpu.memory_space<hbm>> -> memref<999986xf32, #tpu.memory_space<hbm>>
      tpu.wait_indirect_dma semaphore(%arg12 : memref<!tpu.dma_semaphore, #tpu.memory_space<semaphore_mem>>) src(%dma_wait3A_943 : memref<999986xf32, #tpu.memory_space<hbm>>) dst(%dma_wait3A_935 : memref<128xf32, #tpu.memory_space<vmem>>)
      %dma_wait3A_944 = arith.constant 0 : i32
      %dma_wait3A_945 = arith.constant 0 : i32
      %dma_wait3A_946 = tpu.memref_slice %arg8[%add3A_717, %dma_wait3A_944, %dma_wait3A_945] : memref<16x128x16xf32, #tpu.memory_space<vmem>> -> memref<1x128x16xf32, #tpu.memory_space<vmem>>
      %dma_wait3A_947 = tpu.memref_squeeze %dma_wait3A_946 : memref<1x128x16xf32, #tpu.memory_space<vmem>> -> memref<128x16xf32, #tpu.memory_space<vmem>>
      %dma_wait3A_948 = arith.constant 0 : i32
      %dma_wait3A_949 = tpu.memref_slice %arg7[%add3A_713, %dma_wait3A_948] : memref<104x128xi32, #tpu.memory_space<vmem>> -> memref<1x128xi32, #tpu.memory_space<vmem>>
      %dma_wait3A_950 = tpu.memref_squeeze %dma_wait3A_949 : memref<1x128xi32, #tpu.memory_space<vmem>> -> memref<128xi32, #tpu.memory_space<vmem>>
      %dma_wait3A_951 = arith.constant 0 : i32
      %dma_wait3A_952 = arith.constant 0 : i32
      %dma_wait3A_953 = tpu.memref_slice %arg3[%dma_wait3A_951, %dma_wait3A_952] : memref<999986x16xf32, #tpu.memory_space<hbm>> -> memref<999986x16xf32, #tpu.memory_space<hbm>>
      tpu.wait_indirect_dma semaphore(%arg11 : memref<!tpu.dma_semaphore, #tpu.memory_space<semaphore_mem>>) src(%dma_wait3A_953 : memref<999986x16xf32, #tpu.memory_space<hbm>>) dst(%dma_wait3A_947 : memref<128x16xf32, #tpu.memory_space<vmem>>)
      %dma_wait3A_954 = arith.constant 0 : i32
      %dma_wait3A_955 = arith.constant 0 : i32
      %dma_wait3A_956 = tpu.memref_slice %arg9[%add3A_729, %dma_wait3A_955] : memref<104x128xf32, #tpu.memory_space<vmem>> -> memref<1x128xf32, #tpu.memory_space<vmem>>
      %dma_wait3A_957 = tpu.memref_squeeze %dma_wait3A_956 : memref<1x128xf32, #tpu.memory_space<vmem>> -> memref<128xf32, #tpu.memory_space<vmem>>
      %dma_wait3A_958 = arith.constant 0 : i32
      %dma_wait3A_959 = tpu.memref_slice %arg7[%add3A_713, %dma_wait3A_958] : memref<104x128xi32, #tpu.memory_space<vmem>> -> memref<1x128xi32, #tpu.memory_space<vmem>>
      %dma_wait3A_960 = tpu.memref_squeeze %dma_wait3A_959 : memref<1x128xi32, #tpu.memory_space<vmem>> -> memref<128xi32, #tpu.memory_space<vmem>>
      %dma_wait3A_961 = arith.constant 0 : i32
      %dma_wait3A_962 = tpu.memref_slice %arg4[%dma_wait3A_954, %dma_wait3A_961] : memref<1x999986xf32, #tpu.memory_space<hbm>> -> memref<1x999986xf32, #tpu.memory_space<hbm>>
      %dma_wait3A_963 = tpu.memref_squeeze %dma_wait3A_962 : memref<1x999986xf32, #tpu.memory_space<hbm>> -> memref<999986xf32, #tpu.memory_space<hbm>>
      %dma_wait3A_964 = arith.constant 0 : i32
      %dma_wait3A_965 = tpu.memref_slice %dma_wait3A_963[%dma_wait3A_964] : memref<999986xf32, #tpu.memory_space<hbm>> -> memref<999986xf32, #tpu.memory_space<hbm>>
      tpu.wait_indirect_dma semaphore(%arg12 : memref<!tpu.dma_semaphore, #tpu.memory_space<semaphore_mem>>) src(%dma_wait3A_965 : memref<999986xf32, #tpu.memory_space<hbm>>) dst(%dma_wait3A_957 : memref<128xf32, #tpu.memory_space<vmem>>)
      %dma_wait3A_966 = arith.constant 0 : i32
      %dma_wait3A_967 = arith.constant 0 : i32
      %dma_wait3A_968 = tpu.memref_slice %arg8[%add3A_747, %dma_wait3A_966, %dma_wait3A_967] : memref<16x128x16xf32, #tpu.memory_space<vmem>> -> memref<1x128x16xf32, #tpu.memory_space<vmem>>
      %dma_wait3A_969 = tpu.memref_squeeze %dma_wait3A_968 : memref<1x128x16xf32, #tpu.memory_space<vmem>> -> memref<128x16xf32, #tpu.memory_space<vmem>>
      %dma_wait3A_970 = arith.constant 0 : i32
      %dma_wait3A_971 = tpu.memref_slice %arg7[%add3A_743, %dma_wait3A_970] : memref<104x128xi32, #tpu.memory_space<vmem>> -> memref<1x128xi32, #tpu.memory_space<vmem>>
      %dma_wait3A_972 = tpu.memref_squeeze %dma_wait3A_971 : memref<1x128xi32, #tpu.memory_space<vmem>> -> memref<128xi32, #tpu.memory_space<vmem>>
      %dma_wait3A_973 = arith.constant 0 : i32
      %dma_wait3A_974 = arith.constant 0 : i32
      %dma_wait3A_975 = tpu.memref_slice %arg3[%dma_wait3A_973, %dma_wait3A_974] : memref<999986x16xf32, #tpu.memory_space<hbm>> -> memref<999986x16xf32, #tpu.memory_space<hbm>>
      tpu.wait_indirect_dma semaphore(%arg11 : memref<!tpu.dma_semaphore, #tpu.memory_space<semaphore_mem>>) src(%dma_wait3A_975 : memref<999986x16xf32, #tpu.memory_space<hbm>>) dst(%dma_wait3A_969 : memref<128x16xf32, #tpu.memory_space<vmem>>)
      %dma_wait3A_976 = arith.constant 0 : i32
      %dma_wait3A_977 = arith.constant 0 : i32
      %dma_wait3A_978 = tpu.memref_slice %arg9[%add3A_759, %dma_wait3A_977] : memref<104x128xf32, #tpu.memory_space<vmem>> -> memref<1x128xf32, #tpu.memory_space<vmem>>
      %dma_wait3A_979 = tpu.memref_squeeze %dma_wait3A_978 : memref<1x128xf32, #tpu.memory_space<vmem>> -> memref<128xf32, #tpu.memory_space<vmem>>
      %dma_wait3A_980 = arith.constant 0 : i32
      %dma_wait3A_981 = tpu.memref_slice %arg7[%add3A_743, %dma_wait3A_980] : memref<104x128xi32, #tpu.memory_space<vmem>> -> memref<1x128xi32, #tpu.memory_space<vmem>>
      %dma_wait3A_982 = tpu.memref_squeeze %dma_wait3A_981 : memref<1x128xi32, #tpu.memory_space<vmem>> -> memref<128xi32, #tpu.memory_space<vmem>>
      %dma_wait3A_983 = arith.constant 0 : i32
      %dma_wait3A_984 = tpu.memref_slice %arg4[%dma_wait3A_976, %dma_wait3A_983] : memref<1x999986xf32, #tpu.memory_space<hbm>> -> memref<1x999986xf32, #tpu.memory_space<hbm>>
      %dma_wait3A_985 = tpu.memref_squeeze %dma_wait3A_984 : memref<1x999986xf32, #tpu.memory_space<hbm>> -> memref<999986xf32, #tpu.memory_space<hbm>>
      %dma_wait3A_986 = arith.constant 0 : i32
      %dma_wait3A_987 = tpu.memref_slice %dma_wait3A_985[%dma_wait3A_986] : memref<999986xf32, #tpu.memory_space<hbm>> -> memref<999986xf32, #tpu.memory_space<hbm>>
      tpu.wait_indirect_dma semaphore(%arg12 : memref<!tpu.dma_semaphore, #tpu.memory_space<semaphore_mem>>) src(%dma_wait3A_987 : memref<999986xf32, #tpu.memory_space<hbm>>) dst(%dma_wait3A_979 : memref<128xf32, #tpu.memory_space<vmem>>)
      %dma_wait3A_988 = arith.constant 0 : i32
      %dma_wait3A_989 = arith.constant 0 : i32
      %dma_wait3A_990 = tpu.memref_slice %arg8[%add3A_777, %dma_wait3A_988, %dma_wait3A_989] : memref<16x128x16xf32, #tpu.memory_space<vmem>> -> memref<1x128x16xf32, #tpu.memory_space<vmem>>
      %dma_wait3A_991 = tpu.memref_squeeze %dma_wait3A_990 : memref<1x128x16xf32, #tpu.memory_space<vmem>> -> memref<128x16xf32, #tpu.memory_space<vmem>>
      %dma_wait3A_992 = arith.constant 0 : i32
      %dma_wait3A_993 = tpu.memref_slice %arg7[%add3A_773, %dma_wait3A_992] : memref<104x128xi32, #tpu.memory_space<vmem>> -> memref<1x128xi32, #tpu.memory_space<vmem>>
      %dma_wait3A_994 = tpu.memref_squeeze %dma_wait3A_993 : memref<1x128xi32, #tpu.memory_space<vmem>> -> memref<128xi32, #tpu.memory_space<vmem>>
      %dma_wait3A_995 = arith.constant 0 : i32
      %dma_wait3A_996 = arith.constant 0 : i32
      %dma_wait3A_997 = tpu.memref_slice %arg3[%dma_wait3A_995, %dma_wait3A_996] : memref<999986x16xf32, #tpu.memory_space<hbm>> -> memref<999986x16xf32, #tpu.memory_space<hbm>>
      tpu.wait_indirect_dma semaphore(%arg11 : memref<!tpu.dma_semaphore, #tpu.memory_space<semaphore_mem>>) src(%dma_wait3A_997 : memref<999986x16xf32, #tpu.memory_space<hbm>>) dst(%dma_wait3A_991 : memref<128x16xf32, #tpu.memory_space<vmem>>)
      %dma_wait3A_998 = arith.constant 0 : i32
      %dma_wait3A_999 = arith.constant 0 : i32
      %dma_wait3A_1000 = tpu.memref_slice %arg9[%add3A_789, %dma_wait3A_999] : memref<104x128xf32, #tpu.memory_space<vmem>> -> memref<1x128xf32, #tpu.memory_space<vmem>>
      %dma_wait3A_1001 = tpu.memref_squeeze %dma_wait3A_1000 : memref<1x128xf32, #tpu.memory_space<vmem>> -> memref<128xf32, #tpu.memory_space<vmem>>
      %dma_wait3A_1002 = arith.constant 0 : i32
      %dma_wait3A_1003 = tpu.memref_slice %arg7[%add3A_773, %dma_wait3A_1002] : memref<104x128xi32, #tpu.memory_space<vmem>> -> memref<1x128xi32, #tpu.memory_space<vmem>>
      %dma_wait3A_1004 = tpu.memref_squeeze %dma_wait3A_1003 : memref<1x128xi32, #tpu.memory_space<vmem>> -> memref<128xi32, #tpu.memory_space<vmem>>
      %dma_wait3A_1005 = arith.constant 0 : i32
      %dma_wait3A_1006 = tpu.memref_slice %arg4[%dma_wait3A_998, %dma_wait3A_1005] : memref<1x999986xf32, #tpu.memory_space<hbm>> -> memref<1x999986xf32, #tpu.memory_space<hbm>>
      %dma_wait3A_1007 = tpu.memref_squeeze %dma_wait3A_1006 : memref<1x999986xf32, #tpu.memory_space<hbm>> -> memref<999986xf32, #tpu.memory_space<hbm>>
      %dma_wait3A_1008 = arith.constant 0 : i32
      %dma_wait3A_1009 = tpu.memref_slice %dma_wait3A_1007[%dma_wait3A_1008] : memref<999986xf32, #tpu.memory_space<hbm>> -> memref<999986xf32, #tpu.memory_space<hbm>>
      tpu.wait_indirect_dma semaphore(%arg12 : memref<!tpu.dma_semaphore, #tpu.memory_space<semaphore_mem>>) src(%dma_wait3A_1009 : memref<999986xf32, #tpu.memory_space<hbm>>) dst(%dma_wait3A_1001 : memref<128xf32, #tpu.memory_space<vmem>>)
      %dma_wait3A_1010 = arith.constant 0 : i32
      %dma_wait3A_1011 = arith.constant 0 : i32
      %dma_wait3A_1012 = tpu.memref_slice %arg8[%add3A_807, %dma_wait3A_1010, %dma_wait3A_1011] : memref<16x128x16xf32, #tpu.memory_space<vmem>> -> memref<1x128x16xf32, #tpu.memory_space<vmem>>
      %dma_wait3A_1013 = tpu.memref_squeeze %dma_wait3A_1012 : memref<1x128x16xf32, #tpu.memory_space<vmem>> -> memref<128x16xf32, #tpu.memory_space<vmem>>
      %dma_wait3A_1014 = arith.constant 0 : i32
      %dma_wait3A_1015 = tpu.memref_slice %arg7[%add3A_803, %dma_wait3A_1014] : memref<104x128xi32, #tpu.memory_space<vmem>> -> memref<1x128xi32, #tpu.memory_space<vmem>>
      %dma_wait3A_1016 = tpu.memref_squeeze %dma_wait3A_1015 : memref<1x128xi32, #tpu.memory_space<vmem>> -> memref<128xi32, #tpu.memory_space<vmem>>
      %dma_wait3A_1017 = arith.constant 0 : i32
      %dma_wait3A_1018 = arith.constant 0 : i32
      %dma_wait3A_1019 = tpu.memref_slice %arg3[%dma_wait3A_1017, %dma_wait3A_1018] : memref<999986x16xf32, #tpu.memory_space<hbm>> -> memref<999986x16xf32, #tpu.memory_space<hbm>>
      tpu.wait_indirect_dma semaphore(%arg11 : memref<!tpu.dma_semaphore, #tpu.memory_space<semaphore_mem>>) src(%dma_wait3A_1019 : memref<999986x16xf32, #tpu.memory_space<hbm>>) dst(%dma_wait3A_1013 : memref<128x16xf32, #tpu.memory_space<vmem>>)
      %dma_wait3A_1020 = arith.constant 0 : i32
      %dma_wait3A_1021 = arith.constant 0 : i32
      %dma_wait3A_1022 = tpu.memref_slice %arg9[%add3A_819, %dma_wait3A_1021] : memref<104x128xf32, #tpu.memory_space<vmem>> -> memref<1x128xf32, #tpu.memory_space<vmem>>
      %dma_wait3A_1023 = tpu.memref_squeeze %dma_wait3A_1022 : memref<1x128xf32, #tpu.memory_space<vmem>> -> memref<128xf32, #tpu.memory_space<vmem>>
      %dma_wait3A_1024 = arith.constant 0 : i32
      %dma_wait3A_1025 = tpu.memref_slice %arg7[%add3A_803, %dma_wait3A_1024] : memref<104x128xi32, #tpu.memory_space<vmem>> -> memref<1x128xi32, #tpu.memory_space<vmem>>
      %dma_wait3A_1026 = tpu.memref_squeeze %dma_wait3A_1025 : memref<1x128xi32, #tpu.memory_space<vmem>> -> memref<128xi32, #tpu.memory_space<vmem>>
      %dma_wait3A_1027 = arith.constant 0 : i32
      %dma_wait3A_1028 = tpu.memref_slice %arg4[%dma_wait3A_1020, %dma_wait3A_1027] : memref<1x999986xf32, #tpu.memory_space<hbm>> -> memref<1x999986xf32, #tpu.memory_space<hbm>>
      %dma_wait3A_1029 = tpu.memref_squeeze %dma_wait3A_1028 : memref<1x999986xf32, #tpu.memory_space<hbm>> -> memref<999986xf32, #tpu.memory_space<hbm>>
      %dma_wait3A_1030 = arith.constant 0 : i32
      %dma_wait3A_1031 = tpu.memref_slice %dma_wait3A_1029[%dma_wait3A_1030] : memref<999986xf32, #tpu.memory_space<hbm>> -> memref<999986xf32, #tpu.memory_space<hbm>>
      tpu.wait_indirect_dma semaphore(%arg12 : memref<!tpu.dma_semaphore, #tpu.memory_space<semaphore_mem>>) src(%dma_wait3A_1031 : memref<999986xf32, #tpu.memory_space<hbm>>) dst(%dma_wait3A_1023 : memref<128xf32, #tpu.memory_space<vmem>>)
      %dma_wait3A_1032 = arith.constant 0 : i32
      %dma_wait3A_1033 = arith.constant 0 : i32
      %dma_wait3A_1034 = tpu.memref_slice %arg8[%add3A_837, %dma_wait3A_1032, %dma_wait3A_1033] : memref<16x128x16xf32, #tpu.memory_space<vmem>> -> memref<1x128x16xf32, #tpu.memory_space<vmem>>
      %dma_wait3A_1035 = tpu.memref_squeeze %dma_wait3A_1034 : memref<1x128x16xf32, #tpu.memory_space<vmem>> -> memref<128x16xf32, #tpu.memory_space<vmem>>
      %dma_wait3A_1036 = arith.constant 0 : i32
      %dma_wait3A_1037 = tpu.memref_slice %arg7[%add3A_833, %dma_wait3A_1036] : memref<104x128xi32, #tpu.memory_space<vmem>> -> memref<1x128xi32, #tpu.memory_space<vmem>>
      %dma_wait3A_1038 = tpu.memref_squeeze %dma_wait3A_1037 : memref<1x128xi32, #tpu.memory_space<vmem>> -> memref<128xi32, #tpu.memory_space<vmem>>
      %dma_wait3A_1039 = arith.constant 0 : i32
      %dma_wait3A_1040 = arith.constant 0 : i32
      %dma_wait3A_1041 = tpu.memref_slice %arg3[%dma_wait3A_1039, %dma_wait3A_1040] : memref<999986x16xf32, #tpu.memory_space<hbm>> -> memref<999986x16xf32, #tpu.memory_space<hbm>>
      tpu.wait_indirect_dma semaphore(%arg11 : memref<!tpu.dma_semaphore, #tpu.memory_space<semaphore_mem>>) src(%dma_wait3A_1041 : memref<999986x16xf32, #tpu.memory_space<hbm>>) dst(%dma_wait3A_1035 : memref<128x16xf32, #tpu.memory_space<vmem>>)
      %dma_wait3A_1042 = arith.constant 0 : i32
      %dma_wait3A_1043 = arith.constant 0 : i32
      %dma_wait3A_1044 = tpu.memref_slice %arg9[%add3A_849, %dma_wait3A_1043] : memref<104x128xf32, #tpu.memory_space<vmem>> -> memref<1x128xf32, #tpu.memory_space<vmem>>
      %dma_wait3A_1045 = tpu.memref_squeeze %dma_wait3A_1044 : memref<1x128xf32, #tpu.memory_space<vmem>> -> memref<128xf32, #tpu.memory_space<vmem>>
      %dma_wait3A_1046 = arith.constant 0 : i32
      %dma_wait3A_1047 = tpu.memref_slice %arg7[%add3A_833, %dma_wait3A_1046] : memref<104x128xi32, #tpu.memory_space<vmem>> -> memref<1x128xi32, #tpu.memory_space<vmem>>
      %dma_wait3A_1048 = tpu.memref_squeeze %dma_wait3A_1047 : memref<1x128xi32, #tpu.memory_space<vmem>> -> memref<128xi32, #tpu.memory_space<vmem>>
      %dma_wait3A_1049 = arith.constant 0 : i32
      %dma_wait3A_1050 = tpu.memref_slice %arg4[%dma_wait3A_1042, %dma_wait3A_1049] : memref<1x999986xf32, #tpu.memory_space<hbm>> -> memref<1x999986xf32, #tpu.memory_space<hbm>>
      %dma_wait3A_1051 = tpu.memref_squeeze %dma_wait3A_1050 : memref<1x999986xf32, #tpu.memory_space<hbm>> -> memref<999986xf32, #tpu.memory_space<hbm>>
      %dma_wait3A_1052 = arith.constant 0 : i32
      %dma_wait3A_1053 = tpu.memref_slice %dma_wait3A_1051[%dma_wait3A_1052] : memref<999986xf32, #tpu.memory_space<hbm>> -> memref<999986xf32, #tpu.memory_space<hbm>>
      tpu.wait_indirect_dma semaphore(%arg12 : memref<!tpu.dma_semaphore, #tpu.memory_space<semaphore_mem>>) src(%dma_wait3A_1053 : memref<999986xf32, #tpu.memory_space<hbm>>) dst(%dma_wait3A_1045 : memref<128xf32, #tpu.memory_space<vmem>>)
      %dma_wait3A_1054 = arith.constant 0 : i32
      %dma_wait3A_1055 = arith.constant 0 : i32
      %dma_wait3A_1056 = tpu.memref_slice %arg8[%add3A_867, %dma_wait3A_1054, %dma_wait3A_1055] : memref<16x128x16xf32, #tpu.memory_space<vmem>> -> memref<1x128x16xf32, #tpu.memory_space<vmem>>
      %dma_wait3A_1057 = tpu.memref_squeeze %dma_wait3A_1056 : memref<1x128x16xf32, #tpu.memory_space<vmem>> -> memref<128x16xf32, #tpu.memory_space<vmem>>
      %dma_wait3A_1058 = arith.constant 0 : i32
      %dma_wait3A_1059 = tpu.memref_slice %arg7[%add3A_863, %dma_wait3A_1058] : memref<104x128xi32, #tpu.memory_space<vmem>> -> memref<1x128xi32, #tpu.memory_space<vmem>>
      %dma_wait3A_1060 = tpu.memref_squeeze %dma_wait3A_1059 : memref<1x128xi32, #tpu.memory_space<vmem>> -> memref<128xi32, #tpu.memory_space<vmem>>
      %dma_wait3A_1061 = arith.constant 0 : i32
      %dma_wait3A_1062 = arith.constant 0 : i32
      %dma_wait3A_1063 = tpu.memref_slice %arg3[%dma_wait3A_1061, %dma_wait3A_1062] : memref<999986x16xf32, #tpu.memory_space<hbm>> -> memref<999986x16xf32, #tpu.memory_space<hbm>>
      tpu.wait_indirect_dma semaphore(%arg11 : memref<!tpu.dma_semaphore, #tpu.memory_space<semaphore_mem>>) src(%dma_wait3A_1063 : memref<999986x16xf32, #tpu.memory_space<hbm>>) dst(%dma_wait3A_1057 : memref<128x16xf32, #tpu.memory_space<vmem>>)
      %dma_wait3A_1064 = arith.constant 0 : i32
      %dma_wait3A_1065 = arith.constant 0 : i32
      %dma_wait3A_1066 = tpu.memref_slice %arg9[%add3A_879, %dma_wait3A_1065] : memref<104x128xf32, #tpu.memory_space<vmem>> -> memref<1x128xf32, #tpu.memory_space<vmem>>
      %dma_wait3A_1067 = tpu.memref_squeeze %dma_wait3A_1066 : memref<1x128xf32, #tpu.memory_space<vmem>> -> memref<128xf32, #tpu.memory_space<vmem>>
      %dma_wait3A_1068 = arith.constant 0 : i32
      %dma_wait3A_1069 = tpu.memref_slice %arg7[%add3A_863, %dma_wait3A_1068] : memref<104x128xi32, #tpu.memory_space<vmem>> -> memref<1x128xi32, #tpu.memory_space<vmem>>
      %dma_wait3A_1070 = tpu.memref_squeeze %dma_wait3A_1069 : memref<1x128xi32, #tpu.memory_space<vmem>> -> memref<128xi32, #tpu.memory_space<vmem>>
      %dma_wait3A_1071 = arith.constant 0 : i32
      %dma_wait3A_1072 = tpu.memref_slice %arg4[%dma_wait3A_1064, %dma_wait3A_1071] : memref<1x999986xf32, #tpu.memory_space<hbm>> -> memref<1x999986xf32, #tpu.memory_space<hbm>>
      %dma_wait3A_1073 = tpu.memref_squeeze %dma_wait3A_1072 : memref<1x999986xf32, #tpu.memory_space<hbm>> -> memref<999986xf32, #tpu.memory_space<hbm>>
      %dma_wait3A_1074 = arith.constant 0 : i32
      %dma_wait3A_1075 = tpu.memref_slice %dma_wait3A_1073[%dma_wait3A_1074] : memref<999986xf32, #tpu.memory_space<hbm>> -> memref<999986xf32, #tpu.memory_space<hbm>>
      tpu.wait_indirect_dma semaphore(%arg12 : memref<!tpu.dma_semaphore, #tpu.memory_space<semaphore_mem>>) src(%dma_wait3A_1075 : memref<999986xf32, #tpu.memory_space<hbm>>) dst(%dma_wait3A_1067 : memref<128xf32, #tpu.memory_space<vmem>>)
      %dma_wait3A_1076 = arith.constant 0 : i32
      %dma_wait3A_1077 = arith.constant 0 : i32
      %dma_wait3A_1078 = tpu.memref_slice %arg8[%add3A_897, %dma_wait3A_1076, %dma_wait3A_1077] : memref<16x128x16xf32, #tpu.memory_space<vmem>> -> memref<1x128x16xf32, #tpu.memory_space<vmem>>
      %dma_wait3A_1079 = tpu.memref_squeeze %dma_wait3A_1078 : memref<1x128x16xf32, #tpu.memory_space<vmem>> -> memref<128x16xf32, #tpu.memory_space<vmem>>
      %dma_wait3A_1080 = arith.constant 0 : i32
      %dma_wait3A_1081 = tpu.memref_slice %arg7[%add3A_893, %dma_wait3A_1080] : memref<104x128xi32, #tpu.memory_space<vmem>> -> memref<1x128xi32, #tpu.memory_space<vmem>>
      %dma_wait3A_1082 = tpu.memref_squeeze %dma_wait3A_1081 : memref<1x128xi32, #tpu.memory_space<vmem>> -> memref<128xi32, #tpu.memory_space<vmem>>
      %dma_wait3A_1083 = arith.constant 0 : i32
      %dma_wait3A_1084 = arith.constant 0 : i32
      %dma_wait3A_1085 = tpu.memref_slice %arg3[%dma_wait3A_1083, %dma_wait3A_1084] : memref<999986x16xf32, #tpu.memory_space<hbm>> -> memref<999986x16xf32, #tpu.memory_space<hbm>>
      tpu.wait_indirect_dma semaphore(%arg11 : memref<!tpu.dma_semaphore, #tpu.memory_space<semaphore_mem>>) src(%dma_wait3A_1085 : memref<999986x16xf32, #tpu.memory_space<hbm>>) dst(%dma_wait3A_1079 : memref<128x16xf32, #tpu.memory_space<vmem>>)
      %dma_wait3A_1086 = arith.constant 0 : i32
      %dma_wait3A_1087 = arith.constant 0 : i32
      %dma_wait3A_1088 = tpu.memref_slice %arg9[%add3A_909, %dma_wait3A_1087] : memref<104x128xf32, #tpu.memory_space<vmem>> -> memref<1x128xf32, #tpu.memory_space<vmem>>
      %dma_wait3A_1089 = tpu.memref_squeeze %dma_wait3A_1088 : memref<1x128xf32, #tpu.memory_space<vmem>> -> memref<128xf32, #tpu.memory_space<vmem>>
      %dma_wait3A_1090 = arith.constant 0 : i32
      %dma_wait3A_1091 = tpu.memref_slice %arg7[%add3A_893, %dma_wait3A_1090] : memref<104x128xi32, #tpu.memory_space<vmem>> -> memref<1x128xi32, #tpu.memory_space<vmem>>
      %dma_wait3A_1092 = tpu.memref_squeeze %dma_wait3A_1091 : memref<1x128xi32, #tpu.memory_space<vmem>> -> memref<128xi32, #tpu.memory_space<vmem>>
      %dma_wait3A_1093 = arith.constant 0 : i32
      %dma_wait3A_1094 = tpu.memref_slice %arg4[%dma_wait3A_1086, %dma_wait3A_1093] : memref<1x999986xf32, #tpu.memory_space<hbm>> -> memref<1x999986xf32, #tpu.memory_space<hbm>>
      %dma_wait3A_1095 = tpu.memref_squeeze %dma_wait3A_1094 : memref<1x999986xf32, #tpu.memory_space<hbm>> -> memref<999986xf32, #tpu.memory_space<hbm>>
      %dma_wait3A_1096 = arith.constant 0 : i32
      %dma_wait3A_1097 = tpu.memref_slice %dma_wait3A_1095[%dma_wait3A_1096] : memref<999986xf32, #tpu.memory_space<hbm>> -> memref<999986xf32, #tpu.memory_space<hbm>>
      tpu.wait_indirect_dma semaphore(%arg12 : memref<!tpu.dma_semaphore, #tpu.memory_space<semaphore_mem>>) src(%dma_wait3A_1097 : memref<999986xf32, #tpu.memory_space<hbm>>) dst(%dma_wait3A_1089 : memref<128xf32, #tpu.memory_space<vmem>>)
      %add3A_1098 = arith.constant 0 : i32
      %add3A_1099 = arith.addi %mul3A_681, %add3A_1098 : i32
      %mul3A_1100 = arith.constant 128 : i32
      %mul3A_1101 = arith.muli %add3A_1099, %mul3A_1100 : i32
      %add3A_1102 = arith.addi %mul3A_2, %mul3A_1101 : i32
      %mul3A_1103 = arith.constant 8 : i32
      %mul3A_1104 = arith.muli %select_n3A_679, %mul3A_1103 : i32
      %add3A_1105 = arith.constant 0 : i32
      %add3A_1106 = arith.addi %mul3A_1104, %add3A_1105 : i32
      %dma_start3A_1107 = arith.constant 0 : i32
      %dma_start3A_1108 = arith.constant 0 : i32
      %dma_start3A_1109 = tpu.memref_slice %arg8[%add3A_1106, %dma_start3A_1107, %dma_start3A_1108] : memref<16x128x16xf32, #tpu.memory_space<vmem>> -> memref<1x128x16xf32, #tpu.memory_space<vmem>>
      %dma_start3A_1110 = tpu.memref_squeeze %dma_start3A_1109 : memref<1x128x16xf32, #tpu.memory_space<vmem>> -> memref<128x16xf32, #tpu.memory_space<vmem>>
      %dma_start3A_1111 = arith.constant 0 : i32
      %dma_start3A_1112 = tpu.memref_slice %arg5[%add3A_1102, %dma_start3A_1111] : memref<425984x16xf32, #tpu.memory_space<hbm>> -> memref<128x16xf32, #tpu.memory_space<hbm>>
      %dma_start3A_1113 = arith.constant 0 : i32
      %dma_start3A_1114 = tpu.memref_slice %arg5[%add3A_1102, %dma_start3A_1113] : memref<425984x16xf32, #tpu.memory_space<hbm>> -> memref<128x16xf32, #tpu.memory_space<hbm>>
      %dma_start3A_1115 = arith.constant 0 : i32
      %dma_start3A_1116 = arith.constant 0 : i32
      %dma_start3A_1117 = tpu.memref_slice %arg8[%add3A_1106, %dma_start3A_1115, %dma_start3A_1116] : memref<16x128x16xf32, #tpu.memory_space<vmem>> -> memref<1x128x16xf32, #tpu.memory_space<vmem>>
      %dma_start3A_1118 = tpu.memref_squeeze %dma_start3A_1117 : memref<1x128x16xf32, #tpu.memory_space<vmem>> -> memref<128x16xf32, #tpu.memory_space<vmem>>
      tpu.enqueue_dma source(%dma_start3A_1118 : memref<128x16xf32, #tpu.memory_space<vmem>>) target(%dma_start3A_1114 : memref<128x16xf32, #tpu.memory_space<hbm>>) target_semaphore(%arg13 : memref<!tpu.dma_semaphore, #tpu.memory_space<semaphore_mem>>)
      %add3A_1119 = arith.constant 1 : i32
      %add3A_1120 = arith.addi %mul3A_681, %add3A_1119 : i32
      %mul3A_1121 = arith.constant 128 : i32
      %mul3A_1122 = arith.muli %add3A_1120, %mul3A_1121 : i32
      %add3A_1123 = arith.addi %mul3A_2, %mul3A_1122 : i32
      %mul3A_1124 = arith.constant 8 : i32
      %mul3A_1125 = arith.muli %select_n3A_679, %mul3A_1124 : i32
      %add3A_1126 = arith.constant 1 : i32
      %add3A_1127 = arith.addi %mul3A_1125, %add3A_1126 : i32
      %dma_start3A_1128 = arith.constant 0 : i32
      %dma_start3A_1129 = arith.constant 0 : i32
      %dma_start3A_1130 = tpu.memref_slice %arg8[%add3A_1127, %dma_start3A_1128, %dma_start3A_1129] : memref<16x128x16xf32, #tpu.memory_space<vmem>> -> memref<1x128x16xf32, #tpu.memory_space<vmem>>
      %dma_start3A_1131 = tpu.memref_squeeze %dma_start3A_1130 : memref<1x128x16xf32, #tpu.memory_space<vmem>> -> memref<128x16xf32, #tpu.memory_space<vmem>>
      %dma_start3A_1132 = arith.constant 0 : i32
      %dma_start3A_1133 = tpu.memref_slice %arg5[%add3A_1123, %dma_start3A_1132] : memref<425984x16xf32, #tpu.memory_space<hbm>> -> memref<128x16xf32, #tpu.memory_space<hbm>>
      %dma_start3A_1134 = arith.constant 0 : i32
      %dma_start3A_1135 = tpu.memref_slice %arg5[%add3A_1123, %dma_start3A_1134] : memref<425984x16xf32, #tpu.memory_space<hbm>> -> memref<128x16xf32, #tpu.memory_space<hbm>>
      %dma_start3A_1136 = arith.constant 0 : i32
      %dma_start3A_1137 = arith.constant 0 : i32
      %dma_start3A_1138 = tpu.memref_slice %arg8[%add3A_1127, %dma_start3A_1136, %dma_start3A_1137] : memref<16x128x16xf32, #tpu.memory_space<vmem>> -> memref<1x128x16xf32, #tpu.memory_space<vmem>>
      %dma_start3A_1139 = tpu.memref_squeeze %dma_start3A_1138 : memref<1x128x16xf32, #tpu.memory_space<vmem>> -> memref<128x16xf32, #tpu.memory_space<vmem>>
      tpu.enqueue_dma source(%dma_start3A_1139 : memref<128x16xf32, #tpu.memory_space<vmem>>) target(%dma_start3A_1135 : memref<128x16xf32, #tpu.memory_space<hbm>>) target_semaphore(%arg13 : memref<!tpu.dma_semaphore, #tpu.memory_space<semaphore_mem>>)
      %add3A_1140 = arith.constant 2 : i32
      %add3A_1141 = arith.addi %mul3A_681, %add3A_1140 : i32
      %mul3A_1142 = arith.constant 128 : i32
      %mul3A_1143 = arith.muli %add3A_1141, %mul3A_1142 : i32
      %add3A_1144 = arith.addi %mul3A_2, %mul3A_1143 : i32
      %mul3A_1145 = arith.constant 8 : i32
      %mul3A_1146 = arith.muli %select_n3A_679, %mul3A_1145 : i32
      %add3A_1147 = arith.constant 2 : i32
      %add3A_1148 = arith.addi %mul3A_1146, %add3A_1147 : i32
      %dma_start3A_1149 = arith.constant 0 : i32
      %dma_start3A_1150 = arith.constant 0 : i32
      %dma_start3A_1151 = tpu.memref_slice %arg8[%add3A_1148, %dma_start3A_1149, %dma_start3A_1150] : memref<16x128x16xf32, #tpu.memory_space<vmem>> -> memref<1x128x16xf32, #tpu.memory_space<vmem>>
      %dma_start3A_1152 = tpu.memref_squeeze %dma_start3A_1151 : memref<1x128x16xf32, #tpu.memory_space<vmem>> -> memref<128x16xf32, #tpu.memory_space<vmem>>
      %dma_start3A_1153 = arith.constant 0 : i32
      %dma_start3A_1154 = tpu.memref_slice %arg5[%add3A_1144, %dma_start3A_1153] : memref<425984x16xf32, #tpu.memory_space<hbm>> -> memref<128x16xf32, #tpu.memory_space<hbm>>
      %dma_start3A_1155 = arith.constant 0 : i32
      %dma_start3A_1156 = tpu.memref_slice %arg5[%add3A_1144, %dma_start3A_1155] : memref<425984x16xf32, #tpu.memory_space<hbm>> -> memref<128x16xf32, #tpu.memory_space<hbm>>
      %dma_start3A_1157 = arith.constant 0 : i32
      %dma_start3A_1158 = arith.constant 0 : i32
      %dma_start3A_1159 = tpu.memref_slice %arg8[%add3A_1148, %dma_start3A_1157, %dma_start3A_1158] : memref<16x128x16xf32, #tpu.memory_space<vmem>> -> memref<1x128x16xf32, #tpu.memory_space<vmem>>
      %dma_start3A_1160 = tpu.memref_squeeze %dma_start3A_1159 : memref<1x128x16xf32, #tpu.memory_space<vmem>> -> memref<128x16xf32, #tpu.memory_space<vmem>>
      tpu.enqueue_dma source(%dma_start3A_1160 : memref<128x16xf32, #tpu.memory_space<vmem>>) target(%dma_start3A_1156 : memref<128x16xf32, #tpu.memory_space<hbm>>) target_semaphore(%arg13 : memref<!tpu.dma_semaphore, #tpu.memory_space<semaphore_mem>>)
      %add3A_1161 = arith.constant 3 : i32
      %add3A_1162 = arith.addi %mul3A_681, %add3A_1161 : i32
      %mul3A_1163 = arith.constant 128 : i32
      %mul3A_1164 = arith.muli %add3A_1162, %mul3A_1163 : i32
      %add3A_1165 = arith.addi %mul3A_2, %mul3A_1164 : i32
      %mul3A_1166 = arith.constant 8 : i32
      %mul3A_1167 = arith.muli %select_n3A_679, %mul3A_1166 : i32
      %add3A_1168 = arith.constant 3 : i32
      %add3A_1169 = arith.addi %mul3A_1167, %add3A_1168 : i32
      %dma_start3A_1170 = arith.constant 0 : i32
      %dma_start3A_1171 = arith.constant 0 : i32
      %dma_start3A_1172 = tpu.memref_slice %arg8[%add3A_1169, %dma_start3A_1170, %dma_start3A_1171] : memref<16x128x16xf32, #tpu.memory_space<vmem>> -> memref<1x128x16xf32, #tpu.memory_space<vmem>>
      %dma_start3A_1173 = tpu.memref_squeeze %dma_start3A_1172 : memref<1x128x16xf32, #tpu.memory_space<vmem>> -> memref<128x16xf32, #tpu.memory_space<vmem>>
      %dma_start3A_1174 = arith.constant 0 : i32
      %dma_start3A_1175 = tpu.memref_slice %arg5[%add3A_1165, %dma_start3A_1174] : memref<425984x16xf32, #tpu.memory_space<hbm>> -> memref<128x16xf32, #tpu.memory_space<hbm>>
      %dma_start3A_1176 = arith.constant 0 : i32
      %dma_start3A_1177 = tpu.memref_slice %arg5[%add3A_1165, %dma_start3A_1176] : memref<425984x16xf32, #tpu.memory_space<hbm>> -> memref<128x16xf32, #tpu.memory_space<hbm>>
      %dma_start3A_1178 = arith.constant 0 : i32
      %dma_start3A_1179 = arith.constant 0 : i32
      %dma_start3A_1180 = tpu.memref_slice %arg8[%add3A_1169, %dma_start3A_1178, %dma_start3A_1179] : memref<16x128x16xf32, #tpu.memory_space<vmem>> -> memref<1x128x16xf32, #tpu.memory_space<vmem>>
      %dma_start3A_1181 = tpu.memref_squeeze %dma_start3A_1180 : memref<1x128x16xf32, #tpu.memory_space<vmem>> -> memref<128x16xf32, #tpu.memory_space<vmem>>
      tpu.enqueue_dma source(%dma_start3A_1181 : memref<128x16xf32, #tpu.memory_space<vmem>>) target(%dma_start3A_1177 : memref<128x16xf32, #tpu.memory_space<hbm>>) target_semaphore(%arg13 : memref<!tpu.dma_semaphore, #tpu.memory_space<semaphore_mem>>)
      %add3A_1182 = arith.constant 4 : i32
      %add3A_1183 = arith.addi %mul3A_681, %add3A_1182 : i32
      %mul3A_1184 = arith.constant 128 : i32
      %mul3A_1185 = arith.muli %add3A_1183, %mul3A_1184 : i32
      %add3A_1186 = arith.addi %mul3A_2, %mul3A_1185 : i32
      %mul3A_1187 = arith.constant 8 : i32
      %mul3A_1188 = arith.muli %select_n3A_679, %mul3A_1187 : i32
      %add3A_1189 = arith.constant 4 : i32
      %add3A_1190 = arith.addi %mul3A_1188, %add3A_1189 : i32
      %dma_start3A_1191 = arith.constant 0 : i32
      %dma_start3A_1192 = arith.constant 0 : i32
      %dma_start3A_1193 = tpu.memref_slice %arg8[%add3A_1190, %dma_start3A_1191, %dma_start3A_1192] : memref<16x128x16xf32, #tpu.memory_space<vmem>> -> memref<1x128x16xf32, #tpu.memory_space<vmem>>
      %dma_start3A_1194 = tpu.memref_squeeze %dma_start3A_1193 : memref<1x128x16xf32, #tpu.memory_space<vmem>> -> memref<128x16xf32, #tpu.memory_space<vmem>>
      %dma_start3A_1195 = arith.constant 0 : i32
      %dma_start3A_1196 = tpu.memref_slice %arg5[%add3A_1186, %dma_start3A_1195] : memref<425984x16xf32, #tpu.memory_space<hbm>> -> memref<128x16xf32, #tpu.memory_space<hbm>>
      %dma_start3A_1197 = arith.constant 0 : i32
      %dma_start3A_1198 = tpu.memref_slice %arg5[%add3A_1186, %dma_start3A_1197] : memref<425984x16xf32, #tpu.memory_space<hbm>> -> memref<128x16xf32, #tpu.memory_space<hbm>>
      %dma_start3A_1199 = arith.constant 0 : i32
      %dma_start3A_1200 = arith.constant 0 : i32
      %dma_start3A_1201 = tpu.memref_slice %arg8[%add3A_1190, %dma_start3A_1199, %dma_start3A_1200] : memref<16x128x16xf32, #tpu.memory_space<vmem>> -> memref<1x128x16xf32, #tpu.memory_space<vmem>>
      %dma_start3A_1202 = tpu.memref_squeeze %dma_start3A_1201 : memref<1x128x16xf32, #tpu.memory_space<vmem>> -> memref<128x16xf32, #tpu.memory_space<vmem>>
      tpu.enqueue_dma source(%dma_start3A_1202 : memref<128x16xf32, #tpu.memory_space<vmem>>) target(%dma_start3A_1198 : memref<128x16xf32, #tpu.memory_space<hbm>>) target_semaphore(%arg13 : memref<!tpu.dma_semaphore, #tpu.memory_space<semaphore_mem>>)
      %add3A_1203 = arith.constant 5 : i32
      %add3A_1204 = arith.addi %mul3A_681, %add3A_1203 : i32
      %mul3A_1205 = arith.constant 128 : i32
      %mul3A_1206 = arith.muli %add3A_1204, %mul3A_1205 : i32
      %add3A_1207 = arith.addi %mul3A_2, %mul3A_1206 : i32
      %mul3A_1208 = arith.constant 8 : i32
      %mul3A_1209 = arith.muli %select_n3A_679, %mul3A_1208 : i32
      %add3A_1210 = arith.constant 5 : i32
      %add3A_1211 = arith.addi %mul3A_1209, %add3A_1210 : i32
      %dma_start3A_1212 = arith.constant 0 : i32
      %dma_start3A_1213 = arith.constant 0 : i32
      %dma_start3A_1214 = tpu.memref_slice %arg8[%add3A_1211, %dma_start3A_1212, %dma_start3A_1213] : memref<16x128x16xf32, #tpu.memory_space<vmem>> -> memref<1x128x16xf32, #tpu.memory_space<vmem>>
      %dma_start3A_1215 = tpu.memref_squeeze %dma_start3A_1214 : memref<1x128x16xf32, #tpu.memory_space<vmem>> -> memref<128x16xf32, #tpu.memory_space<vmem>>
      %dma_start3A_1216 = arith.constant 0 : i32
      %dma_start3A_1217 = tpu.memref_slice %arg5[%add3A_1207, %dma_start3A_1216] : memref<425984x16xf32, #tpu.memory_space<hbm>> -> memref<128x16xf32, #tpu.memory_space<hbm>>
      %dma_start3A_1218 = arith.constant 0 : i32
      %dma_start3A_1219 = tpu.memref_slice %arg5[%add3A_1207, %dma_start3A_1218] : memref<425984x16xf32, #tpu.memory_space<hbm>> -> memref<128x16xf32, #tpu.memory_space<hbm>>
      %dma_start3A_1220 = arith.constant 0 : i32
      %dma_start3A_1221 = arith.constant 0 : i32
      %dma_start3A_1222 = tpu.memref_slice %arg8[%add3A_1211, %dma_start3A_1220, %dma_start3A_1221] : memref<16x128x16xf32, #tpu.memory_space<vmem>> -> memref<1x128x16xf32, #tpu.memory_space<vmem>>
      %dma_start3A_1223 = tpu.memref_squeeze %dma_start3A_1222 : memref<1x128x16xf32, #tpu.memory_space<vmem>> -> memref<128x16xf32, #tpu.memory_space<vmem>>
      tpu.enqueue_dma source(%dma_start3A_1223 : memref<128x16xf32, #tpu.memory_space<vmem>>) target(%dma_start3A_1219 : memref<128x16xf32, #tpu.memory_space<hbm>>) target_semaphore(%arg13 : memref<!tpu.dma_semaphore, #tpu.memory_space<semaphore_mem>>)
      %add3A_1224 = arith.constant 6 : i32
      %add3A_1225 = arith.addi %mul3A_681, %add3A_1224 : i32
      %mul3A_1226 = arith.constant 128 : i32
      %mul3A_1227 = arith.muli %add3A_1225, %mul3A_1226 : i32
      %add3A_1228 = arith.addi %mul3A_2, %mul3A_1227 : i32
      %mul3A_1229 = arith.constant 8 : i32
      %mul3A_1230 = arith.muli %select_n3A_679, %mul3A_1229 : i32
      %add3A_1231 = arith.constant 6 : i32
      %add3A_1232 = arith.addi %mul3A_1230, %add3A_1231 : i32
      %dma_start3A_1233 = arith.constant 0 : i32
      %dma_start3A_1234 = arith.constant 0 : i32
      %dma_start3A_1235 = tpu.memref_slice %arg8[%add3A_1232, %dma_start3A_1233, %dma_start3A_1234] : memref<16x128x16xf32, #tpu.memory_space<vmem>> -> memref<1x128x16xf32, #tpu.memory_space<vmem>>
      %dma_start3A_1236 = tpu.memref_squeeze %dma_start3A_1235 : memref<1x128x16xf32, #tpu.memory_space<vmem>> -> memref<128x16xf32, #tpu.memory_space<vmem>>
      %dma_start3A_1237 = arith.constant 0 : i32
      %dma_start3A_1238 = tpu.memref_slice %arg5[%add3A_1228, %dma_start3A_1237] : memref<425984x16xf32, #tpu.memory_space<hbm>> -> memref<128x16xf32, #tpu.memory_space<hbm>>
      %dma_start3A_1239 = arith.constant 0 : i32
      %dma_start3A_1240 = tpu.memref_slice %arg5[%add3A_1228, %dma_start3A_1239] : memref<425984x16xf32, #tpu.memory_space<hbm>> -> memref<128x16xf32, #tpu.memory_space<hbm>>
      %dma_start3A_1241 = arith.constant 0 : i32
      %dma_start3A_1242 = arith.constant 0 : i32
      %dma_start3A_1243 = tpu.memref_slice %arg8[%add3A_1232, %dma_start3A_1241, %dma_start3A_1242] : memref<16x128x16xf32, #tpu.memory_space<vmem>> -> memref<1x128x16xf32, #tpu.memory_space<vmem>>
      %dma_start3A_1244 = tpu.memref_squeeze %dma_start3A_1243 : memref<1x128x16xf32, #tpu.memory_space<vmem>> -> memref<128x16xf32, #tpu.memory_space<vmem>>
      tpu.enqueue_dma source(%dma_start3A_1244 : memref<128x16xf32, #tpu.memory_space<vmem>>) target(%dma_start3A_1240 : memref<128x16xf32, #tpu.memory_space<hbm>>) target_semaphore(%arg13 : memref<!tpu.dma_semaphore, #tpu.memory_space<semaphore_mem>>)
      %add3A_1245 = arith.constant 7 : i32
      %add3A_1246 = arith.addi %mul3A_681, %add3A_1245 : i32
      %mul3A_1247 = arith.constant 128 : i32
      %mul3A_1248 = arith.muli %add3A_1246, %mul3A_1247 : i32
      %add3A_1249 = arith.addi %mul3A_2, %mul3A_1248 : i32
      %mul3A_1250 = arith.constant 8 : i32
      %mul3A_1251 = arith.muli %select_n3A_679, %mul3A_1250 : i32
      %add3A_1252 = arith.constant 7 : i32
      %add3A_1253 = arith.addi %mul3A_1251, %add3A_1252 : i32
      %dma_start3A_1254 = arith.constant 0 : i32
      %dma_start3A_1255 = arith.constant 0 : i32
      %dma_start3A_1256 = tpu.memref_slice %arg8[%add3A_1253, %dma_start3A_1254, %dma_start3A_1255] : memref<16x128x16xf32, #tpu.memory_space<vmem>> -> memref<1x128x16xf32, #tpu.memory_space<vmem>>
      %dma_start3A_1257 = tpu.memref_squeeze %dma_start3A_1256 : memref<1x128x16xf32, #tpu.memory_space<vmem>> -> memref<128x16xf32, #tpu.memory_space<vmem>>
      %dma_start3A_1258 = arith.constant 0 : i32
      %dma_start3A_1259 = tpu.memref_slice %arg5[%add3A_1249, %dma_start3A_1258] : memref<425984x16xf32, #tpu.memory_space<hbm>> -> memref<128x16xf32, #tpu.memory_space<hbm>>
      %dma_start3A_1260 = arith.constant 0 : i32
      %dma_start3A_1261 = tpu.memref_slice %arg5[%add3A_1249, %dma_start3A_1260] : memref<425984x16xf32, #tpu.memory_space<hbm>> -> memref<128x16xf32, #tpu.memory_space<hbm>>
      %dma_start3A_1262 = arith.constant 0 : i32
      %dma_start3A_1263 = arith.constant 0 : i32
      %dma_start3A_1264 = tpu.memref_slice %arg8[%add3A_1253, %dma_start3A_1262, %dma_start3A_1263] : memref<16x128x16xf32, #tpu.memory_space<vmem>> -> memref<1x128x16xf32, #tpu.memory_space<vmem>>
      %dma_start3A_1265 = tpu.memref_squeeze %dma_start3A_1264 : memref<1x128x16xf32, #tpu.memory_space<vmem>> -> memref<128x16xf32, #tpu.memory_space<vmem>>
      tpu.enqueue_dma source(%dma_start3A_1265 : memref<128x16xf32, #tpu.memory_space<vmem>>) target(%dma_start3A_1261 : memref<128x16xf32, #tpu.memory_space<hbm>>) target_semaphore(%arg13 : memref<!tpu.dma_semaphore, #tpu.memory_space<semaphore_mem>>)
      %dma_wait3A_1266 = arith.constant 0 : i32
      %dma_wait3A_1267 = arith.constant 0 : i32
      %dma_wait3A_1268 = tpu.memref_slice %arg8[%add3A_1106, %dma_wait3A_1266, %dma_wait3A_1267] : memref<16x128x16xf32, #tpu.memory_space<vmem>> -> memref<1x128x16xf32, #tpu.memory_space<vmem>>
      %dma_wait3A_1269 = tpu.memref_squeeze %dma_wait3A_1268 : memref<1x128x16xf32, #tpu.memory_space<vmem>> -> memref<128x16xf32, #tpu.memory_space<vmem>>
      %dma_wait3A_1270 = arith.constant 0 : i32
      %dma_wait3A_1271 = tpu.memref_slice %arg5[%add3A_1102, %dma_wait3A_1270] : memref<425984x16xf32, #tpu.memory_space<hbm>> -> memref<128x16xf32, #tpu.memory_space<hbm>>
      %dma_wait3A_1272 = arith.constant 0 : i32
      %dma_wait3A_1273 = tpu.memref_slice %arg5[%add3A_1102, %dma_wait3A_1272] : memref<425984x16xf32, #tpu.memory_space<hbm>> -> memref<128x16xf32, #tpu.memory_space<hbm>>
      %dma_wait3A_1274 = arith.constant 0 : i32
      %dma_wait3A_1275 = arith.constant 0 : i32
      %dma_wait3A_1276 = tpu.memref_slice %arg8[%add3A_1106, %dma_wait3A_1274, %dma_wait3A_1275] : memref<16x128x16xf32, #tpu.memory_space<vmem>> -> memref<1x128x16xf32, #tpu.memory_space<vmem>>
      %dma_wait3A_1277 = tpu.memref_squeeze %dma_wait3A_1276 : memref<1x128x16xf32, #tpu.memory_space<vmem>> -> memref<128x16xf32, #tpu.memory_space<vmem>>
      tpu.wait_dma2 semaphore(%arg13 : memref<!tpu.dma_semaphore, #tpu.memory_space<semaphore_mem>>) src(%dma_wait3A_1277 : memref<128x16xf32, #tpu.memory_space<vmem>>) dst(%dma_wait3A_1273 : memref<128x16xf32, #tpu.memory_space<hbm>>)
      %dma_wait3A_1278 = arith.constant 0 : i32
      %dma_wait3A_1279 = arith.constant 0 : i32
      %dma_wait3A_1280 = tpu.memref_slice %arg8[%add3A_1127, %dma_wait3A_1278, %dma_wait3A_1279] : memref<16x128x16xf32, #tpu.memory_space<vmem>> -> memref<1x128x16xf32, #tpu.memory_space<vmem>>
      %dma_wait3A_1281 = tpu.memref_squeeze %dma_wait3A_1280 : memref<1x128x16xf32, #tpu.memory_space<vmem>> -> memref<128x16xf32, #tpu.memory_space<vmem>>
      %dma_wait3A_1282 = arith.constant 0 : i32
      %dma_wait3A_1283 = tpu.memref_slice %arg5[%add3A_1123, %dma_wait3A_1282] : memref<425984x16xf32, #tpu.memory_space<hbm>> -> memref<128x16xf32, #tpu.memory_space<hbm>>
      %dma_wait3A_1284 = arith.constant 0 : i32
      %dma_wait3A_1285 = tpu.memref_slice %arg5[%add3A_1123, %dma_wait3A_1284] : memref<425984x16xf32, #tpu.memory_space<hbm>> -> memref<128x16xf32, #tpu.memory_space<hbm>>
      %dma_wait3A_1286 = arith.constant 0 : i32
      %dma_wait3A_1287 = arith.constant 0 : i32
      %dma_wait3A_1288 = tpu.memref_slice %arg8[%add3A_1127, %dma_wait3A_1286, %dma_wait3A_1287] : memref<16x128x16xf32, #tpu.memory_space<vmem>> -> memref<1x128x16xf32, #tpu.memory_space<vmem>>
      %dma_wait3A_1289 = tpu.memref_squeeze %dma_wait3A_1288 : memref<1x128x16xf32, #tpu.memory_space<vmem>> -> memref<128x16xf32, #tpu.memory_space<vmem>>
      tpu.wait_dma2 semaphore(%arg13 : memref<!tpu.dma_semaphore, #tpu.memory_space<semaphore_mem>>) src(%dma_wait3A_1289 : memref<128x16xf32, #tpu.memory_space<vmem>>) dst(%dma_wait3A_1285 : memref<128x16xf32, #tpu.memory_space<hbm>>)
      %dma_wait3A_1290 = arith.constant 0 : i32
      %dma_wait3A_1291 = arith.constant 0 : i32
      %dma_wait3A_1292 = tpu.memref_slice %arg8[%add3A_1148, %dma_wait3A_1290, %dma_wait3A_1291] : memref<16x128x16xf32, #tpu.memory_space<vmem>> -> memref<1x128x16xf32, #tpu.memory_space<vmem>>
      %dma_wait3A_1293 = tpu.memref_squeeze %dma_wait3A_1292 : memref<1x128x16xf32, #tpu.memory_space<vmem>> -> memref<128x16xf32, #tpu.memory_space<vmem>>
      %dma_wait3A_1294 = arith.constant 0 : i32
      %dma_wait3A_1295 = tpu.memref_slice %arg5[%add3A_1144, %dma_wait3A_1294] : memref<425984x16xf32, #tpu.memory_space<hbm>> -> memref<128x16xf32, #tpu.memory_space<hbm>>
      %dma_wait3A_1296 = arith.constant 0 : i32
      %dma_wait3A_1297 = tpu.memref_slice %arg5[%add3A_1144, %dma_wait3A_1296] : memref<425984x16xf32, #tpu.memory_space<hbm>> -> memref<128x16xf32, #tpu.memory_space<hbm>>
      %dma_wait3A_1298 = arith.constant 0 : i32
      %dma_wait3A_1299 = arith.constant 0 : i32
      %dma_wait3A_1300 = tpu.memref_slice %arg8[%add3A_1148, %dma_wait3A_1298, %dma_wait3A_1299] : memref<16x128x16xf32, #tpu.memory_space<vmem>> -> memref<1x128x16xf32, #tpu.memory_space<vmem>>
      %dma_wait3A_1301 = tpu.memref_squeeze %dma_wait3A_1300 : memref<1x128x16xf32, #tpu.memory_space<vmem>> -> memref<128x16xf32, #tpu.memory_space<vmem>>
      tpu.wait_dma2 semaphore(%arg13 : memref<!tpu.dma_semaphore, #tpu.memory_space<semaphore_mem>>) src(%dma_wait3A_1301 : memref<128x16xf32, #tpu.memory_space<vmem>>) dst(%dma_wait3A_1297 : memref<128x16xf32, #tpu.memory_space<hbm>>)
      %dma_wait3A_1302 = arith.constant 0 : i32
      %dma_wait3A_1303 = arith.constant 0 : i32
      %dma_wait3A_1304 = tpu.memref_slice %arg8[%add3A_1169, %dma_wait3A_1302, %dma_wait3A_1303] : memref<16x128x16xf32, #tpu.memory_space<vmem>> -> memref<1x128x16xf32, #tpu.memory_space<vmem>>
      %dma_wait3A_1305 = tpu.memref_squeeze %dma_wait3A_1304 : memref<1x128x16xf32, #tpu.memory_space<vmem>> -> memref<128x16xf32, #tpu.memory_space<vmem>>
      %dma_wait3A_1306 = arith.constant 0 : i32
      %dma_wait3A_1307 = tpu.memref_slice %arg5[%add3A_1165, %dma_wait3A_1306] : memref<425984x16xf32, #tpu.memory_space<hbm>> -> memref<128x16xf32, #tpu.memory_space<hbm>>
      %dma_wait3A_1308 = arith.constant 0 : i32
      %dma_wait3A_1309 = tpu.memref_slice %arg5[%add3A_1165, %dma_wait3A_1308] : memref<425984x16xf32, #tpu.memory_space<hbm>> -> memref<128x16xf32, #tpu.memory_space<hbm>>
      %dma_wait3A_1310 = arith.constant 0 : i32
      %dma_wait3A_1311 = arith.constant 0 : i32
      %dma_wait3A_1312 = tpu.memref_slice %arg8[%add3A_1169, %dma_wait3A_1310, %dma_wait3A_1311] : memref<16x128x16xf32, #tpu.memory_space<vmem>> -> memref<1x128x16xf32, #tpu.memory_space<vmem>>
      %dma_wait3A_1313 = tpu.memref_squeeze %dma_wait3A_1312 : memref<1x128x16xf32, #tpu.memory_space<vmem>> -> memref<128x16xf32, #tpu.memory_space<vmem>>
      tpu.wait_dma2 semaphore(%arg13 : memref<!tpu.dma_semaphore, #tpu.memory_space<semaphore_mem>>) src(%dma_wait3A_1313 : memref<128x16xf32, #tpu.memory_space<vmem>>) dst(%dma_wait3A_1309 : memref<128x16xf32, #tpu.memory_space<hbm>>)
      %dma_wait3A_1314 = arith.constant 0 : i32
      %dma_wait3A_1315 = arith.constant 0 : i32
      %dma_wait3A_1316 = tpu.memref_slice %arg8[%add3A_1190, %dma_wait3A_1314, %dma_wait3A_1315] : memref<16x128x16xf32, #tpu.memory_space<vmem>> -> memref<1x128x16xf32, #tpu.memory_space<vmem>>
      %dma_wait3A_1317 = tpu.memref_squeeze %dma_wait3A_1316 : memref<1x128x16xf32, #tpu.memory_space<vmem>> -> memref<128x16xf32, #tpu.memory_space<vmem>>
      %dma_wait3A_1318 = arith.constant 0 : i32
      %dma_wait3A_1319 = tpu.memref_slice %arg5[%add3A_1186, %dma_wait3A_1318] : memref<425984x16xf32, #tpu.memory_space<hbm>> -> memref<128x16xf32, #tpu.memory_space<hbm>>
      %dma_wait3A_1320 = arith.constant 0 : i32
      %dma_wait3A_1321 = tpu.memref_slice %arg5[%add3A_1186, %dma_wait3A_1320] : memref<425984x16xf32, #tpu.memory_space<hbm>> -> memref<128x16xf32, #tpu.memory_space<hbm>>
      %dma_wait3A_1322 = arith.constant 0 : i32
      %dma_wait3A_1323 = arith.constant 0 : i32
      %dma_wait3A_1324 = tpu.memref_slice %arg8[%add3A_1190, %dma_wait3A_1322, %dma_wait3A_1323] : memref<16x128x16xf32, #tpu.memory_space<vmem>> -> memref<1x128x16xf32, #tpu.memory_space<vmem>>
      %dma_wait3A_1325 = tpu.memref_squeeze %dma_wait3A_1324 : memref<1x128x16xf32, #tpu.memory_space<vmem>> -> memref<128x16xf32, #tpu.memory_space<vmem>>
      tpu.wait_dma2 semaphore(%arg13 : memref<!tpu.dma_semaphore, #tpu.memory_space<semaphore_mem>>) src(%dma_wait3A_1325 : memref<128x16xf32, #tpu.memory_space<vmem>>) dst(%dma_wait3A_1321 : memref<128x16xf32, #tpu.memory_space<hbm>>)
      %dma_wait3A_1326 = arith.constant 0 : i32
      %dma_wait3A_1327 = arith.constant 0 : i32
      %dma_wait3A_1328 = tpu.memref_slice %arg8[%add3A_1211, %dma_wait3A_1326, %dma_wait3A_1327] : memref<16x128x16xf32, #tpu.memory_space<vmem>> -> memref<1x128x16xf32, #tpu.memory_space<vmem>>
      %dma_wait3A_1329 = tpu.memref_squeeze %dma_wait3A_1328 : memref<1x128x16xf32, #tpu.memory_space<vmem>> -> memref<128x16xf32, #tpu.memory_space<vmem>>
      %dma_wait3A_1330 = arith.constant 0 : i32
      %dma_wait3A_1331 = tpu.memref_slice %arg5[%add3A_1207, %dma_wait3A_1330] : memref<425984x16xf32, #tpu.memory_space<hbm>> -> memref<128x16xf32, #tpu.memory_space<hbm>>
      %dma_wait3A_1332 = arith.constant 0 : i32
      %dma_wait3A_1333 = tpu.memref_slice %arg5[%add3A_1207, %dma_wait3A_1332] : memref<425984x16xf32, #tpu.memory_space<hbm>> -> memref<128x16xf32, #tpu.memory_space<hbm>>
      %dma_wait3A_1334 = arith.constant 0 : i32
      %dma_wait3A_1335 = arith.constant 0 : i32
      %dma_wait3A_1336 = tpu.memref_slice %arg8[%add3A_1211, %dma_wait3A_1334, %dma_wait3A_1335] : memref<16x128x16xf32, #tpu.memory_space<vmem>> -> memref<1x128x16xf32, #tpu.memory_space<vmem>>
      %dma_wait3A_1337 = tpu.memref_squeeze %dma_wait3A_1336 : memref<1x128x16xf32, #tpu.memory_space<vmem>> -> memref<128x16xf32, #tpu.memory_space<vmem>>
      tpu.wait_dma2 semaphore(%arg13 : memref<!tpu.dma_semaphore, #tpu.memory_space<semaphore_mem>>) src(%dma_wait3A_1337 : memref<128x16xf32, #tpu.memory_space<vmem>>) dst(%dma_wait3A_1333 : memref<128x16xf32, #tpu.memory_space<hbm>>)
      %dma_wait3A_1338 = arith.constant 0 : i32
      %dma_wait3A_1339 = arith.constant 0 : i32
      %dma_wait3A_1340 = tpu.memref_slice %arg8[%add3A_1232, %dma_wait3A_1338, %dma_wait3A_1339] : memref<16x128x16xf32, #tpu.memory_space<vmem>> -> memref<1x128x16xf32, #tpu.memory_space<vmem>>
      %dma_wait3A_1341 = tpu.memref_squeeze %dma_wait3A_1340 : memref<1x128x16xf32, #tpu.memory_space<vmem>> -> memref<128x16xf32, #tpu.memory_space<vmem>>
      %dma_wait3A_1342 = arith.constant 0 : i32
      %dma_wait3A_1343 = tpu.memref_slice %arg5[%add3A_1228, %dma_wait3A_1342] : memref<425984x16xf32, #tpu.memory_space<hbm>> -> memref<128x16xf32, #tpu.memory_space<hbm>>
      %dma_wait3A_1344 = arith.constant 0 : i32
      %dma_wait3A_1345 = tpu.memref_slice %arg5[%add3A_1228, %dma_wait3A_1344] : memref<425984x16xf32, #tpu.memory_space<hbm>> -> memref<128x16xf32, #tpu.memory_space<hbm>>
      %dma_wait3A_1346 = arith.constant 0 : i32
      %dma_wait3A_1347 = arith.constant 0 : i32
      %dma_wait3A_1348 = tpu.memref_slice %arg8[%add3A_1232, %dma_wait3A_1346, %dma_wait3A_1347] : memref<16x128x16xf32, #tpu.memory_space<vmem>> -> memref<1x128x16xf32, #tpu.memory_space<vmem>>
      %dma_wait3A_1349 = tpu.memref_squeeze %dma_wait3A_1348 : memref<1x128x16xf32, #tpu.memory_space<vmem>> -> memref<128x16xf32, #tpu.memory_space<vmem>>
      tpu.wait_dma2 semaphore(%arg13 : memref<!tpu.dma_semaphore, #tpu.memory_space<semaphore_mem>>) src(%dma_wait3A_1349 : memref<128x16xf32, #tpu.memory_space<vmem>>) dst(%dma_wait3A_1345 : memref<128x16xf32, #tpu.memory_space<hbm>>)
      %dma_wait3A_1350 = arith.constant 0 : i32
      %dma_wait3A_1351 = arith.constant 0 : i32
      %dma_wait3A_1352 = tpu.memref_slice %arg8[%add3A_1253, %dma_wait3A_1350, %dma_wait3A_1351] : memref<16x128x16xf32, #tpu.memory_space<vmem>> -> memref<1x128x16xf32, #tpu.memory_space<vmem>>
      %dma_wait3A_1353 = tpu.memref_squeeze %dma_wait3A_1352 : memref<1x128x16xf32, #tpu.memory_space<vmem>> -> memref<128x16xf32, #tpu.memory_space<vmem>>
      %dma_wait3A_1354 = arith.constant 0 : i32
      %dma_wait3A_1355 = tpu.memref_slice %arg5[%add3A_1249, %dma_wait3A_1354] : memref<425984x16xf32, #tpu.memory_space<hbm>> -> memref<128x16xf32, #tpu.memory_space<hbm>>
      %dma_wait3A_1356 = arith.constant 0 : i32
      %dma_wait3A_1357 = tpu.memref_slice %arg5[%add3A_1249, %dma_wait3A_1356] : memref<425984x16xf32, #tpu.memory_space<hbm>> -> memref<128x16xf32, #tpu.memory_space<hbm>>
      %dma_wait3A_1358 = arith.constant 0 : i32
      %dma_wait3A_1359 = arith.constant 0 : i32
      %dma_wait3A_1360 = tpu.memref_slice %arg8[%add3A_1253, %dma_wait3A_1358, %dma_wait3A_1359] : memref<16x128x16xf32, #tpu.memory_space<vmem>> -> memref<1x128x16xf32, #tpu.memory_space<vmem>>
      %dma_wait3A_1361 = tpu.memref_squeeze %dma_wait3A_1360 : memref<1x128x16xf32, #tpu.memory_space<vmem>> -> memref<128x16xf32, #tpu.memory_space<vmem>>
      tpu.wait_dma2 semaphore(%arg13 : memref<!tpu.dma_semaphore, #tpu.memory_space<semaphore_mem>>) src(%dma_wait3A_1361 : memref<128x16xf32, #tpu.memory_space<vmem>>) dst(%dma_wait3A_1357 : memref<128x16xf32, #tpu.memory_space<hbm>>)
    }
    %scan3A_541 = arith.constant 12 : i32
    %add3A_542 = arith.constant 12288 : i32
    %add3A_543 = arith.addi %mul3A_2, %add3A_542 : i32
    %dma_wait3A_544 = arith.constant 0 : i32
    %dma_wait3A_545 = arith.constant 0 : i32
    %dma_wait3A_546 = arith.constant 0 : i32
    %dma_wait3A_547 = tpu.memref_slice %arg8[%dma_wait3A_544, %dma_wait3A_545, %dma_wait3A_546] : memref<16x128x16xf32, #tpu.memory_space<vmem>> -> memref<1x128x16xf32, #tpu.memory_space<vmem>>
    %dma_wait3A_548 = tpu.memref_squeeze %dma_wait3A_547 : memref<1x128x16xf32, #tpu.memory_space<vmem>> -> memref<128x16xf32, #tpu.memory_space<vmem>>
    %dma_wait3A_549 = arith.constant 0 : i32
    %dma_wait3A_550 = tpu.memref_slice %arg5[%add3A_543, %dma_wait3A_549] : memref<425984x16xf32, #tpu.memory_space<hbm>> -> memref<128x16xf32, #tpu.memory_space<hbm>>
    %dma_wait3A_551 = arith.constant 0 : i32
    %dma_wait3A_552 = tpu.memref_slice %arg5[%add3A_543, %dma_wait3A_551] : memref<425984x16xf32, #tpu.memory_space<hbm>> -> memref<128x16xf32, #tpu.memory_space<hbm>>
    %dma_wait3A_553 = arith.constant 0 : i32
    %dma_wait3A_554 = arith.constant 0 : i32
    %dma_wait3A_555 = tpu.memref_slice %arg8[%dma_wait3A_544, %dma_wait3A_553, %dma_wait3A_554] : memref<16x128x16xf32, #tpu.memory_space<vmem>> -> memref<1x128x16xf32, #tpu.memory_space<vmem>>
    %dma_wait3A_556 = tpu.memref_squeeze %dma_wait3A_555 : memref<1x128x16xf32, #tpu.memory_space<vmem>> -> memref<128x16xf32, #tpu.memory_space<vmem>>
    tpu.wait_dma2 semaphore(%arg13 : memref<!tpu.dma_semaphore, #tpu.memory_space<semaphore_mem>>) src(%dma_wait3A_556 : memref<128x16xf32, #tpu.memory_space<vmem>>) dst(%dma_wait3A_552 : memref<128x16xf32, #tpu.memory_space<hbm>>)
    %add3A_557 = arith.constant 12416 : i32
    %add3A_558 = arith.addi %mul3A_2, %add3A_557 : i32
    %dma_wait3A_559 = arith.constant 1 : i32
    %dma_wait3A_560 = arith.constant 0 : i32
    %dma_wait3A_561 = arith.constant 0 : i32
    %dma_wait3A_562 = tpu.memref_slice %arg8[%dma_wait3A_559, %dma_wait3A_560, %dma_wait3A_561] : memref<16x128x16xf32, #tpu.memory_space<vmem>> -> memref<1x128x16xf32, #tpu.memory_space<vmem>>
    %dma_wait3A_563 = tpu.memref_squeeze %dma_wait3A_562 : memref<1x128x16xf32, #tpu.memory_space<vmem>> -> memref<128x16xf32, #tpu.memory_space<vmem>>
    %dma_wait3A_564 = arith.constant 0 : i32
    %dma_wait3A_565 = tpu.memref_slice %arg5[%add3A_558, %dma_wait3A_564] : memref<425984x16xf32, #tpu.memory_space<hbm>> -> memref<128x16xf32, #tpu.memory_space<hbm>>
    %dma_wait3A_566 = arith.constant 0 : i32
    %dma_wait3A_567 = tpu.memref_slice %arg5[%add3A_558, %dma_wait3A_566] : memref<425984x16xf32, #tpu.memory_space<hbm>> -> memref<128x16xf32, #tpu.memory_space<hbm>>
    %dma_wait3A_568 = arith.constant 0 : i32
    %dma_wait3A_569 = arith.constant 0 : i32
    %dma_wait3A_570 = tpu.memref_slice %arg8[%dma_wait3A_559, %dma_wait3A_568, %dma_wait3A_569] : memref<16x128x16xf32, #tpu.memory_space<vmem>> -> memref<1x128x16xf32, #tpu.memory_space<vmem>>
    %dma_wait3A_571 = tpu.memref_squeeze %dma_wait3A_570 : memref<1x128x16xf32, #tpu.memory_space<vmem>> -> memref<128x16xf32, #tpu.memory_space<vmem>>
    tpu.wait_dma2 semaphore(%arg13 : memref<!tpu.dma_semaphore, #tpu.memory_space<semaphore_mem>>) src(%dma_wait3A_571 : memref<128x16xf32, #tpu.memory_space<vmem>>) dst(%dma_wait3A_567 : memref<128x16xf32, #tpu.memory_space<hbm>>)
    %add3A_572 = arith.constant 12544 : i32
    %add3A_573 = arith.addi %mul3A_2, %add3A_572 : i32
    %dma_wait3A_574 = arith.constant 2 : i32
    %dma_wait3A_575 = arith.constant 0 : i32
    %dma_wait3A_576 = arith.constant 0 : i32
    %dma_wait3A_577 = tpu.memref_slice %arg8[%dma_wait3A_574, %dma_wait3A_575, %dma_wait3A_576] : memref<16x128x16xf32, #tpu.memory_space<vmem>> -> memref<1x128x16xf32, #tpu.memory_space<vmem>>
    %dma_wait3A_578 = tpu.memref_squeeze %dma_wait3A_577 : memref<1x128x16xf32, #tpu.memory_space<vmem>> -> memref<128x16xf32, #tpu.memory_space<vmem>>
    %dma_wait3A_579 = arith.constant 0 : i32
    %dma_wait3A_580 = tpu.memref_slice %arg5[%add3A_573, %dma_wait3A_579] : memref<425984x16xf32, #tpu.memory_space<hbm>> -> memref<128x16xf32, #tpu.memory_space<hbm>>
    %dma_wait3A_581 = arith.constant 0 : i32
    %dma_wait3A_582 = tpu.memref_slice %arg5[%add3A_573, %dma_wait3A_581] : memref<425984x16xf32, #tpu.memory_space<hbm>> -> memref<128x16xf32, #tpu.memory_space<hbm>>
    %dma_wait3A_583 = arith.constant 0 : i32
    %dma_wait3A_584 = arith.constant 0 : i32
    %dma_wait3A_585 = tpu.memref_slice %arg8[%dma_wait3A_574, %dma_wait3A_583, %dma_wait3A_584] : memref<16x128x16xf32, #tpu.memory_space<vmem>> -> memref<1x128x16xf32, #tpu.memory_space<vmem>>
    %dma_wait3A_586 = tpu.memref_squeeze %dma_wait3A_585 : memref<1x128x16xf32, #tpu.memory_space<vmem>> -> memref<128x16xf32, #tpu.memory_space<vmem>>
    tpu.wait_dma2 semaphore(%arg13 : memref<!tpu.dma_semaphore, #tpu.memory_space<semaphore_mem>>) src(%dma_wait3A_586 : memref<128x16xf32, #tpu.memory_space<vmem>>) dst(%dma_wait3A_582 : memref<128x16xf32, #tpu.memory_space<hbm>>)
    %add3A_587 = arith.constant 12672 : i32
    %add3A_588 = arith.addi %mul3A_2, %add3A_587 : i32
    %dma_wait3A_589 = arith.constant 3 : i32
    %dma_wait3A_590 = arith.constant 0 : i32
    %dma_wait3A_591 = arith.constant 0 : i32
    %dma_wait3A_592 = tpu.memref_slice %arg8[%dma_wait3A_589, %dma_wait3A_590, %dma_wait3A_591] : memref<16x128x16xf32, #tpu.memory_space<vmem>> -> memref<1x128x16xf32, #tpu.memory_space<vmem>>
    %dma_wait3A_593 = tpu.memref_squeeze %dma_wait3A_592 : memref<1x128x16xf32, #tpu.memory_space<vmem>> -> memref<128x16xf32, #tpu.memory_space<vmem>>
    %dma_wait3A_594 = arith.constant 0 : i32
    %dma_wait3A_595 = tpu.memref_slice %arg5[%add3A_588, %dma_wait3A_594] : memref<425984x16xf32, #tpu.memory_space<hbm>> -> memref<128x16xf32, #tpu.memory_space<hbm>>
    %dma_wait3A_596 = arith.constant 0 : i32
    %dma_wait3A_597 = tpu.memref_slice %arg5[%add3A_588, %dma_wait3A_596] : memref<425984x16xf32, #tpu.memory_space<hbm>> -> memref<128x16xf32, #tpu.memory_space<hbm>>
    %dma_wait3A_598 = arith.constant 0 : i32
    %dma_wait3A_599 = arith.constant 0 : i32
    %dma_wait3A_600 = tpu.memref_slice %arg8[%dma_wait3A_589, %dma_wait3A_598, %dma_wait3A_599] : memref<16x128x16xf32, #tpu.memory_space<vmem>> -> memref<1x128x16xf32, #tpu.memory_space<vmem>>
    %dma_wait3A_601 = tpu.memref_squeeze %dma_wait3A_600 : memref<1x128x16xf32, #tpu.memory_space<vmem>> -> memref<128x16xf32, #tpu.memory_space<vmem>>
    tpu.wait_dma2 semaphore(%arg13 : memref<!tpu.dma_semaphore, #tpu.memory_space<semaphore_mem>>) src(%dma_wait3A_601 : memref<128x16xf32, #tpu.memory_space<vmem>>) dst(%dma_wait3A_597 : memref<128x16xf32, #tpu.memory_space<hbm>>)
    %add3A_602 = arith.constant 12800 : i32
    %add3A_603 = arith.addi %mul3A_2, %add3A_602 : i32
    %dma_wait3A_604 = arith.constant 4 : i32
    %dma_wait3A_605 = arith.constant 0 : i32
    %dma_wait3A_606 = arith.constant 0 : i32
    %dma_wait3A_607 = tpu.memref_slice %arg8[%dma_wait3A_604, %dma_wait3A_605, %dma_wait3A_606] : memref<16x128x16xf32, #tpu.memory_space<vmem>> -> memref<1x128x16xf32, #tpu.memory_space<vmem>>
    %dma_wait3A_608 = tpu.memref_squeeze %dma_wait3A_607 : memref<1x128x16xf32, #tpu.memory_space<vmem>> -> memref<128x16xf32, #tpu.memory_space<vmem>>
    %dma_wait3A_609 = arith.constant 0 : i32
    %dma_wait3A_610 = tpu.memref_slice %arg5[%add3A_603, %dma_wait3A_609] : memref<425984x16xf32, #tpu.memory_space<hbm>> -> memref<128x16xf32, #tpu.memory_space<hbm>>
    %dma_wait3A_611 = arith.constant 0 : i32
    %dma_wait3A_612 = tpu.memref_slice %arg5[%add3A_603, %dma_wait3A_611] : memref<425984x16xf32, #tpu.memory_space<hbm>> -> memref<128x16xf32, #tpu.memory_space<hbm>>
    %dma_wait3A_613 = arith.constant 0 : i32
    %dma_wait3A_614 = arith.constant 0 : i32
    %dma_wait3A_615 = tpu.memref_slice %arg8[%dma_wait3A_604, %dma_wait3A_613, %dma_wait3A_614] : memref<16x128x16xf32, #tpu.memory_space<vmem>> -> memref<1x128x16xf32, #tpu.memory_space<vmem>>
    %dma_wait3A_616 = tpu.memref_squeeze %dma_wait3A_615 : memref<1x128x16xf32, #tpu.memory_space<vmem>> -> memref<128x16xf32, #tpu.memory_space<vmem>>
    tpu.wait_dma2 semaphore(%arg13 : memref<!tpu.dma_semaphore, #tpu.memory_space<semaphore_mem>>) src(%dma_wait3A_616 : memref<128x16xf32, #tpu.memory_space<vmem>>) dst(%dma_wait3A_612 : memref<128x16xf32, #tpu.memory_space<hbm>>)
    %add3A_617 = arith.constant 12928 : i32
    %add3A_618 = arith.addi %mul3A_2, %add3A_617 : i32
    %dma_wait3A_619 = arith.constant 5 : i32
    %dma_wait3A_620 = arith.constant 0 : i32
    %dma_wait3A_621 = arith.constant 0 : i32
    %dma_wait3A_622 = tpu.memref_slice %arg8[%dma_wait3A_619, %dma_wait3A_620, %dma_wait3A_621] : memref<16x128x16xf32, #tpu.memory_space<vmem>> -> memref<1x128x16xf32, #tpu.memory_space<vmem>>
    %dma_wait3A_623 = tpu.memref_squeeze %dma_wait3A_622 : memref<1x128x16xf32, #tpu.memory_space<vmem>> -> memref<128x16xf32, #tpu.memory_space<vmem>>
    %dma_wait3A_624 = arith.constant 0 : i32
    %dma_wait3A_625 = tpu.memref_slice %arg5[%add3A_618, %dma_wait3A_624] : memref<425984x16xf32, #tpu.memory_space<hbm>> -> memref<128x16xf32, #tpu.memory_space<hbm>>
    %dma_wait3A_626 = arith.constant 0 : i32
    %dma_wait3A_627 = tpu.memref_slice %arg5[%add3A_618, %dma_wait3A_626] : memref<425984x16xf32, #tpu.memory_space<hbm>> -> memref<128x16xf32, #tpu.memory_space<hbm>>
    %dma_wait3A_628 = arith.constant 0 : i32
    %dma_wait3A_629 = arith.constant 0 : i32
    %dma_wait3A_630 = tpu.memref_slice %arg8[%dma_wait3A_619, %dma_wait3A_628, %dma_wait3A_629] : memref<16x128x16xf32, #tpu.memory_space<vmem>> -> memref<1x128x16xf32, #tpu.memory_space<vmem>>
    %dma_wait3A_631 = tpu.memref_squeeze %dma_wait3A_630 : memref<1x128x16xf32, #tpu.memory_space<vmem>> -> memref<128x16xf32, #tpu.memory_space<vmem>>
    tpu.wait_dma2 semaphore(%arg13 : memref<!tpu.dma_semaphore, #tpu.memory_space<semaphore_mem>>) src(%dma_wait3A_631 : memref<128x16xf32, #tpu.memory_space<vmem>>) dst(%dma_wait3A_627 : memref<128x16xf32, #tpu.memory_space<hbm>>)
    %add3A_632 = arith.constant 13056 : i32
    %add3A_633 = arith.addi %mul3A_2, %add3A_632 : i32
    %dma_wait3A_634 = arith.constant 6 : i32
    %dma_wait3A_635 = arith.constant 0 : i32
    %dma_wait3A_636 = arith.constant 0 : i32
    %dma_wait3A_637 = tpu.memref_slice %arg8[%dma_wait3A_634, %dma_wait3A_635, %dma_wait3A_636] : memref<16x128x16xf32, #tpu.memory_space<vmem>> -> memref<1x128x16xf32, #tpu.memory_space<vmem>>
    %dma_wait3A_638 = tpu.memref_squeeze %dma_wait3A_637 : memref<1x128x16xf32, #tpu.memory_space<vmem>> -> memref<128x16xf32, #tpu.memory_space<vmem>>
    %dma_wait3A_639 = arith.constant 0 : i32
    %dma_wait3A_640 = tpu.memref_slice %arg5[%add3A_633, %dma_wait3A_639] : memref<425984x16xf32, #tpu.memory_space<hbm>> -> memref<128x16xf32, #tpu.memory_space<hbm>>
    %dma_wait3A_641 = arith.constant 0 : i32
    %dma_wait3A_642 = tpu.memref_slice %arg5[%add3A_633, %dma_wait3A_641] : memref<425984x16xf32, #tpu.memory_space<hbm>> -> memref<128x16xf32, #tpu.memory_space<hbm>>
    %dma_wait3A_643 = arith.constant 0 : i32
    %dma_wait3A_644 = arith.constant 0 : i32
    %dma_wait3A_645 = tpu.memref_slice %arg8[%dma_wait3A_634, %dma_wait3A_643, %dma_wait3A_644] : memref<16x128x16xf32, #tpu.memory_space<vmem>> -> memref<1x128x16xf32, #tpu.memory_space<vmem>>
    %dma_wait3A_646 = tpu.memref_squeeze %dma_wait3A_645 : memref<1x128x16xf32, #tpu.memory_space<vmem>> -> memref<128x16xf32, #tpu.memory_space<vmem>>
    tpu.wait_dma2 semaphore(%arg13 : memref<!tpu.dma_semaphore, #tpu.memory_space<semaphore_mem>>) src(%dma_wait3A_646 : memref<128x16xf32, #tpu.memory_space<vmem>>) dst(%dma_wait3A_642 : memref<128x16xf32, #tpu.memory_space<hbm>>)
    %add3A_647 = arith.constant 13184 : i32
    %add3A_648 = arith.addi %mul3A_2, %add3A_647 : i32
    %dma_wait3A_649 = arith.constant 7 : i32
    %dma_wait3A_650 = arith.constant 0 : i32
    %dma_wait3A_651 = arith.constant 0 : i32
    %dma_wait3A_652 = tpu.memref_slice %arg8[%dma_wait3A_649, %dma_wait3A_650, %dma_wait3A_651] : memref<16x128x16xf32, #tpu.memory_space<vmem>> -> memref<1x128x16xf32, #tpu.memory_space<vmem>>
    %dma_wait3A_653 = tpu.memref_squeeze %dma_wait3A_652 : memref<1x128x16xf32, #tpu.memory_space<vmem>> -> memref<128x16xf32, #tpu.memory_space<vmem>>
    %dma_wait3A_654 = arith.constant 0 : i32
    %dma_wait3A_655 = tpu.memref_slice %arg5[%add3A_648, %dma_wait3A_654] : memref<425984x16xf32, #tpu.memory_space<hbm>> -> memref<128x16xf32, #tpu.memory_space<hbm>>
    %dma_wait3A_656 = arith.constant 0 : i32
    %dma_wait3A_657 = tpu.memref_slice %arg5[%add3A_648, %dma_wait3A_656] : memref<425984x16xf32, #tpu.memory_space<hbm>> -> memref<128x16xf32, #tpu.memory_space<hbm>>
    %dma_wait3A_658 = arith.constant 0 : i32
    %dma_wait3A_659 = arith.constant 0 : i32
    %dma_wait3A_660 = tpu.memref_slice %arg8[%dma_wait3A_649, %dma_wait3A_658, %dma_wait3A_659] : memref<16x128x16xf32, #tpu.memory_space<vmem>> -> memref<1x128x16xf32, #tpu.memory_space<vmem>>
    %dma_wait3A_661 = tpu.memref_squeeze %dma_wait3A_660 : memref<1x128x16xf32, #tpu.memory_space<vmem>> -> memref<128x16xf32, #tpu.memory_space<vmem>>
    tpu.wait_dma2 semaphore(%arg13 : memref<!tpu.dma_semaphore, #tpu.memory_space<semaphore_mem>>) src(%dma_wait3A_661 : memref<128x16xf32, #tpu.memory_space<vmem>>) dst(%dma_wait3A_657 : memref<128x16xf32, #tpu.memory_space<hbm>>)
    %iota3A = tpu.iota {dimensions = array<i32: 0>} : vector<16xi32>
    %scan3A_662 = arith.constant 0 : i32
    %scan3A_663 = arith.constant 0 : i32
    %scan3A_664 = arith.constant 32 : i32
    %scan3A_665 = arith.addi %scan3A_663, %scan3A_664 : i32
    %scan3A_666 = arith.constant 1 : i32
    scf.for %scan3A_670 = %scan3A_663 to %scan3A_665 step %scan3A_666  : i32 {
      %mul3A_671 = arith.constant 16 : i32
      %mul3A_672 = arith.muli %scan3A_670, %mul3A_671 : i32
      %add3A_673 = vector.broadcast %mul3A_672 : i32 to vector<16xi32>
      %add3A_674 = arith.addi %add3A_673, %iota3A : vector<16xi32>
      %mul3A_675 = arith.constant 26 : i32
      %mul3A_676 = vector.broadcast %mul3A_675 : i32 to vector<16xi32>
      %mul3A_677 = arith.muli %add3A_674, %mul3A_676 : vector<16xi32>
      %broadcast_in_dim3A = arith.constant 0.000000e+00 : f32
      %broadcast_in_dim3A_678 = vector.broadcast %broadcast_in_dim3A : f32 to vector<16xf32>
      %add3A_679 = arith.constant 0 : i32
      %add3A_680 = vector.broadcast %add3A_679 : i32 to vector<16xi32>
      %add3A_681 = arith.addi %mul3A_677, %add3A_680 : vector<16xi32>
      %shift_right_arithmetic3A = arith.constant 7 : i32
      %shift_right_arithmetic3A_682 = vector.broadcast %shift_right_arithmetic3A : i32 to vector<16xi32>
      %shift_right_arithmetic3A_683 = arith.shrsi %add3A_681, %shift_right_arithmetic3A_682 : vector<16xi32>
      %and3A = arith.constant 127 : i32
      %and3A_684 = vector.broadcast %and3A : i32 to vector<16xi32>
      %and3A_685 = arith.andi %add3A_681, %and3A_684 : vector<16xi32>
      %gather3A = tpu.vector_load_idx %arg9[%shift_right_arithmetic3A_683, %and3A_685] : memref<104x128xf32, #tpu.memory_space<vmem>>[vector<16xi32>, vector<16xi32>], vector<16xf32>,
      %add3A_686 = arith.addf %broadcast_in_dim3A_678, %gather3A : vector<16xf32>
      %add3A_687 = arith.constant 1 : i32
      %add3A_688 = vector.broadcast %add3A_687 : i32 to vector<16xi32>
      %add3A_689 = arith.addi %mul3A_677, %add3A_688 : vector<16xi32>
      %shift_right_arithmetic3A_690 = arith.constant 7 : i32
      %shift_right_arithmetic3A_691 = vector.broadcast %shift_right_arithmetic3A_690 : i32 to vector<16xi32>
      %shift_right_arithmetic3A_692 = arith.shrsi %add3A_689, %shift_right_arithmetic3A_691 : vector<16xi32>
      %and3A_693 = arith.constant 127 : i32
      %and3A_694 = vector.broadcast %and3A_693 : i32 to vector<16xi32>
      %and3A_695 = arith.andi %add3A_689, %and3A_694 : vector<16xi32>
      %gather3A_696 = tpu.vector_load_idx %arg9[%shift_right_arithmetic3A_692, %and3A_695] : memref<104x128xf32, #tpu.memory_space<vmem>>[vector<16xi32>, vector<16xi32>], vector<16xf32>,
      %add3A_697 = arith.addf %add3A_686, %gather3A_696 : vector<16xf32>
      %add3A_698 = arith.constant 2 : i32
      %add3A_699 = vector.broadcast %add3A_698 : i32 to vector<16xi32>
      %add3A_700 = arith.addi %mul3A_677, %add3A_699 : vector<16xi32>
      %shift_right_arithmetic3A_701 = arith.constant 7 : i32
      %shift_right_arithmetic3A_702 = vector.broadcast %shift_right_arithmetic3A_701 : i32 to vector<16xi32>
      %shift_right_arithmetic3A_703 = arith.shrsi %add3A_700, %shift_right_arithmetic3A_702 : vector<16xi32>
      %and3A_704 = arith.constant 127 : i32
      %and3A_705 = vector.broadcast %and3A_704 : i32 to vector<16xi32>
      %and3A_706 = arith.andi %add3A_700, %and3A_705 : vector<16xi32>
      %gather3A_707 = tpu.vector_load_idx %arg9[%shift_right_arithmetic3A_703, %and3A_706] : memref<104x128xf32, #tpu.memory_space<vmem>>[vector<16xi32>, vector<16xi32>], vector<16xf32>,
      %add3A_708 = arith.addf %add3A_697, %gather3A_707 : vector<16xf32>
      %add3A_709 = arith.constant 3 : i32
      %add3A_710 = vector.broadcast %add3A_709 : i32 to vector<16xi32>
      %add3A_711 = arith.addi %mul3A_677, %add3A_710 : vector<16xi32>
      %shift_right_arithmetic3A_712 = arith.constant 7 : i32
      %shift_right_arithmetic3A_713 = vector.broadcast %shift_right_arithmetic3A_712 : i32 to vector<16xi32>
      %shift_right_arithmetic3A_714 = arith.shrsi %add3A_711, %shift_right_arithmetic3A_713 : vector<16xi32>
      %and3A_715 = arith.constant 127 : i32
      %and3A_716 = vector.broadcast %and3A_715 : i32 to vector<16xi32>
      %and3A_717 = arith.andi %add3A_711, %and3A_716 : vector<16xi32>
      %gather3A_718 = tpu.vector_load_idx %arg9[%shift_right_arithmetic3A_714, %and3A_717] : memref<104x128xf32, #tpu.memory_space<vmem>>[vector<16xi32>, vector<16xi32>], vector<16xf32>,
      %add3A_719 = arith.addf %add3A_708, %gather3A_718 : vector<16xf32>
      %add3A_720 = arith.constant 4 : i32
      %add3A_721 = vector.broadcast %add3A_720 : i32 to vector<16xi32>
      %add3A_722 = arith.addi %mul3A_677, %add3A_721 : vector<16xi32>
      %shift_right_arithmetic3A_723 = arith.constant 7 : i32
      %shift_right_arithmetic3A_724 = vector.broadcast %shift_right_arithmetic3A_723 : i32 to vector<16xi32>
      %shift_right_arithmetic3A_725 = arith.shrsi %add3A_722, %shift_right_arithmetic3A_724 : vector<16xi32>
      %and3A_726 = arith.constant 127 : i32
      %and3A_727 = vector.broadcast %and3A_726 : i32 to vector<16xi32>
      %and3A_728 = arith.andi %add3A_722, %and3A_727 : vector<16xi32>
      %gather3A_729 = tpu.vector_load_idx %arg9[%shift_right_arithmetic3A_725, %and3A_728] : memref<104x128xf32, #tpu.memory_space<vmem>>[vector<16xi32>, vector<16xi32>], vector<16xf32>,
      %add3A_730 = arith.addf %add3A_719, %gather3A_729 : vector<16xf32>
      %add3A_731 = arith.constant 5 : i32
      %add3A_732 = vector.broadcast %add3A_731 : i32 to vector<16xi32>
      %add3A_733 = arith.addi %mul3A_677, %add3A_732 : vector<16xi32>
      %shift_right_arithmetic3A_734 = arith.constant 7 : i32
      %shift_right_arithmetic3A_735 = vector.broadcast %shift_right_arithmetic3A_734 : i32 to vector<16xi32>
      %shift_right_arithmetic3A_736 = arith.shrsi %add3A_733, %shift_right_arithmetic3A_735 : vector<16xi32>
      %and3A_737 = arith.constant 127 : i32
      %and3A_738 = vector.broadcast %and3A_737 : i32 to vector<16xi32>
      %and3A_739 = arith.andi %add3A_733, %and3A_738 : vector<16xi32>
      %gather3A_740 = tpu.vector_load_idx %arg9[%shift_right_arithmetic3A_736, %and3A_739] : memref<104x128xf32, #tpu.memory_space<vmem>>[vector<16xi32>, vector<16xi32>], vector<16xf32>,
      %add3A_741 = arith.addf %add3A_730, %gather3A_740 : vector<16xf32>
      %add3A_742 = arith.constant 6 : i32
      %add3A_743 = vector.broadcast %add3A_742 : i32 to vector<16xi32>
      %add3A_744 = arith.addi %mul3A_677, %add3A_743 : vector<16xi32>
      %shift_right_arithmetic3A_745 = arith.constant 7 : i32
      %shift_right_arithmetic3A_746 = vector.broadcast %shift_right_arithmetic3A_745 : i32 to vector<16xi32>
      %shift_right_arithmetic3A_747 = arith.shrsi %add3A_744, %shift_right_arithmetic3A_746 : vector<16xi32>
      %and3A_748 = arith.constant 127 : i32
      %and3A_749 = vector.broadcast %and3A_748 : i32 to vector<16xi32>
      %and3A_750 = arith.andi %add3A_744, %and3A_749 : vector<16xi32>
      %gather3A_751 = tpu.vector_load_idx %arg9[%shift_right_arithmetic3A_747, %and3A_750] : memref<104x128xf32, #tpu.memory_space<vmem>>[vector<16xi32>, vector<16xi32>], vector<16xf32>,
      %add3A_752 = arith.addf %add3A_741, %gather3A_751 : vector<16xf32>
      %add3A_753 = arith.constant 7 : i32
      %add3A_754 = vector.broadcast %add3A_753 : i32 to vector<16xi32>
      %add3A_755 = arith.addi %mul3A_677, %add3A_754 : vector<16xi32>
      %shift_right_arithmetic3A_756 = arith.constant 7 : i32
      %shift_right_arithmetic3A_757 = vector.broadcast %shift_right_arithmetic3A_756 : i32 to vector<16xi32>
      %shift_right_arithmetic3A_758 = arith.shrsi %add3A_755, %shift_right_arithmetic3A_757 : vector<16xi32>
      %and3A_759 = arith.constant 127 : i32
      %and3A_760 = vector.broadcast %and3A_759 : i32 to vector<16xi32>
      %and3A_761 = arith.andi %add3A_755, %and3A_760 : vector<16xi32>
      %gather3A_762 = tpu.vector_load_idx %arg9[%shift_right_arithmetic3A_758, %and3A_761] : memref<104x128xf32, #tpu.memory_space<vmem>>[vector<16xi32>, vector<16xi32>], vector<16xf32>,
      %add3A_763 = arith.addf %add3A_752, %gather3A_762 : vector<16xf32>
      %add3A_764 = arith.constant 8 : i32
      %add3A_765 = vector.broadcast %add3A_764 : i32 to vector<16xi32>
      %add3A_766 = arith.addi %mul3A_677, %add3A_765 : vector<16xi32>
      %shift_right_arithmetic3A_767 = arith.constant 7 : i32
      %shift_right_arithmetic3A_768 = vector.broadcast %shift_right_arithmetic3A_767 : i32 to vector<16xi32>
      %shift_right_arithmetic3A_769 = arith.shrsi %add3A_766, %shift_right_arithmetic3A_768 : vector<16xi32>
      %and3A_770 = arith.constant 127 : i32
      %and3A_771 = vector.broadcast %and3A_770 : i32 to vector<16xi32>
      %and3A_772 = arith.andi %add3A_766, %and3A_771 : vector<16xi32>
      %gather3A_773 = tpu.vector_load_idx %arg9[%shift_right_arithmetic3A_769, %and3A_772] : memref<104x128xf32, #tpu.memory_space<vmem>>[vector<16xi32>, vector<16xi32>], vector<16xf32>,
      %add3A_774 = arith.addf %add3A_763, %gather3A_773 : vector<16xf32>
      %add3A_775 = arith.constant 9 : i32
      %add3A_776 = vector.broadcast %add3A_775 : i32 to vector<16xi32>
      %add3A_777 = arith.addi %mul3A_677, %add3A_776 : vector<16xi32>
      %shift_right_arithmetic3A_778 = arith.constant 7 : i32
      %shift_right_arithmetic3A_779 = vector.broadcast %shift_right_arithmetic3A_778 : i32 to vector<16xi32>
      %shift_right_arithmetic3A_780 = arith.shrsi %add3A_777, %shift_right_arithmetic3A_779 : vector<16xi32>
      %and3A_781 = arith.constant 127 : i32
      %and3A_782 = vector.broadcast %and3A_781 : i32 to vector<16xi32>
      %and3A_783 = arith.andi %add3A_777, %and3A_782 : vector<16xi32>
      %gather3A_784 = tpu.vector_load_idx %arg9[%shift_right_arithmetic3A_780, %and3A_783] : memref<104x128xf32, #tpu.memory_space<vmem>>[vector<16xi32>, vector<16xi32>], vector<16xf32>,
      %add3A_785 = arith.addf %add3A_774, %gather3A_784 : vector<16xf32>
      %add3A_786 = arith.constant 10 : i32
      %add3A_787 = vector.broadcast %add3A_786 : i32 to vector<16xi32>
      %add3A_788 = arith.addi %mul3A_677, %add3A_787 : vector<16xi32>
      %shift_right_arithmetic3A_789 = arith.constant 7 : i32
      %shift_right_arithmetic3A_790 = vector.broadcast %shift_right_arithmetic3A_789 : i32 to vector<16xi32>
      %shift_right_arithmetic3A_791 = arith.shrsi %add3A_788, %shift_right_arithmetic3A_790 : vector<16xi32>
      %and3A_792 = arith.constant 127 : i32
      %and3A_793 = vector.broadcast %and3A_792 : i32 to vector<16xi32>
      %and3A_794 = arith.andi %add3A_788, %and3A_793 : vector<16xi32>
      %gather3A_795 = tpu.vector_load_idx %arg9[%shift_right_arithmetic3A_791, %and3A_794] : memref<104x128xf32, #tpu.memory_space<vmem>>[vector<16xi32>, vector<16xi32>], vector<16xf32>,
      %add3A_796 = arith.addf %add3A_785, %gather3A_795 : vector<16xf32>
      %add3A_797 = arith.constant 11 : i32
      %add3A_798 = vector.broadcast %add3A_797 : i32 to vector<16xi32>
      %add3A_799 = arith.addi %mul3A_677, %add3A_798 : vector<16xi32>
      %shift_right_arithmetic3A_800 = arith.constant 7 : i32
      %shift_right_arithmetic3A_801 = vector.broadcast %shift_right_arithmetic3A_800 : i32 to vector<16xi32>
      %shift_right_arithmetic3A_802 = arith.shrsi %add3A_799, %shift_right_arithmetic3A_801 : vector<16xi32>
      %and3A_803 = arith.constant 127 : i32
      %and3A_804 = vector.broadcast %and3A_803 : i32 to vector<16xi32>
      %and3A_805 = arith.andi %add3A_799, %and3A_804 : vector<16xi32>
      %gather3A_806 = tpu.vector_load_idx %arg9[%shift_right_arithmetic3A_802, %and3A_805] : memref<104x128xf32, #tpu.memory_space<vmem>>[vector<16xi32>, vector<16xi32>], vector<16xf32>,
      %add3A_807 = arith.addf %add3A_796, %gather3A_806 : vector<16xf32>
      %add3A_808 = arith.constant 12 : i32
      %add3A_809 = vector.broadcast %add3A_808 : i32 to vector<16xi32>
      %add3A_810 = arith.addi %mul3A_677, %add3A_809 : vector<16xi32>
      %shift_right_arithmetic3A_811 = arith.constant 7 : i32
      %shift_right_arithmetic3A_812 = vector.broadcast %shift_right_arithmetic3A_811 : i32 to vector<16xi32>
      %shift_right_arithmetic3A_813 = arith.shrsi %add3A_810, %shift_right_arithmetic3A_812 : vector<16xi32>
      %and3A_814 = arith.constant 127 : i32
      %and3A_815 = vector.broadcast %and3A_814 : i32 to vector<16xi32>
      %and3A_816 = arith.andi %add3A_810, %and3A_815 : vector<16xi32>
      %gather3A_817 = tpu.vector_load_idx %arg9[%shift_right_arithmetic3A_813, %and3A_816] : memref<104x128xf32, #tpu.memory_space<vmem>>[vector<16xi32>, vector<16xi32>], vector<16xf32>,
      %add3A_818 = arith.addf %add3A_807, %gather3A_817 : vector<16xf32>
      %add3A_819 = arith.constant 13 : i32
      %add3A_820 = vector.broadcast %add3A_819 : i32 to vector<16xi32>
      %add3A_821 = arith.addi %mul3A_677, %add3A_820 : vector<16xi32>
      %shift_right_arithmetic3A_822 = arith.constant 7 : i32
      %shift_right_arithmetic3A_823 = vector.broadcast %shift_right_arithmetic3A_822 : i32 to vector<16xi32>
      %shift_right_arithmetic3A_824 = arith.shrsi %add3A_821, %shift_right_arithmetic3A_823 : vector<16xi32>
      %and3A_825 = arith.constant 127 : i32
      %and3A_826 = vector.broadcast %and3A_825 : i32 to vector<16xi32>
      %and3A_827 = arith.andi %add3A_821, %and3A_826 : vector<16xi32>
      %gather3A_828 = tpu.vector_load_idx %arg9[%shift_right_arithmetic3A_824, %and3A_827] : memref<104x128xf32, #tpu.memory_space<vmem>>[vector<16xi32>, vector<16xi32>], vector<16xf32>,
      %add3A_829 = arith.addf %add3A_818, %gather3A_828 : vector<16xf32>
      %add3A_830 = arith.constant 14 : i32
      %add3A_831 = vector.broadcast %add3A_830 : i32 to vector<16xi32>
      %add3A_832 = arith.addi %mul3A_677, %add3A_831 : vector<16xi32>
      %shift_right_arithmetic3A_833 = arith.constant 7 : i32
      %shift_right_arithmetic3A_834 = vector.broadcast %shift_right_arithmetic3A_833 : i32 to vector<16xi32>
      %shift_right_arithmetic3A_835 = arith.shrsi %add3A_832, %shift_right_arithmetic3A_834 : vector<16xi32>
      %and3A_836 = arith.constant 127 : i32
      %and3A_837 = vector.broadcast %and3A_836 : i32 to vector<16xi32>
      %and3A_838 = arith.andi %add3A_832, %and3A_837 : vector<16xi32>
      %gather3A_839 = tpu.vector_load_idx %arg9[%shift_right_arithmetic3A_835, %and3A_838] : memref<104x128xf32, #tpu.memory_space<vmem>>[vector<16xi32>, vector<16xi32>], vector<16xf32>,
      %add3A_840 = arith.addf %add3A_829, %gather3A_839 : vector<16xf32>
      %add3A_841 = arith.constant 15 : i32
      %add3A_842 = vector.broadcast %add3A_841 : i32 to vector<16xi32>
      %add3A_843 = arith.addi %mul3A_677, %add3A_842 : vector<16xi32>
      %shift_right_arithmetic3A_844 = arith.constant 7 : i32
      %shift_right_arithmetic3A_845 = vector.broadcast %shift_right_arithmetic3A_844 : i32 to vector<16xi32>
      %shift_right_arithmetic3A_846 = arith.shrsi %add3A_843, %shift_right_arithmetic3A_845 : vector<16xi32>
      %and3A_847 = arith.constant 127 : i32
      %and3A_848 = vector.broadcast %and3A_847 : i32 to vector<16xi32>
      %and3A_849 = arith.andi %add3A_843, %and3A_848 : vector<16xi32>
      %gather3A_850 = tpu.vector_load_idx %arg9[%shift_right_arithmetic3A_846, %and3A_849] : memref<104x128xf32, #tpu.memory_space<vmem>>[vector<16xi32>, vector<16xi32>], vector<16xf32>,
      %add3A_851 = arith.addf %add3A_840, %gather3A_850 : vector<16xf32>
      %add3A_852 = arith.constant 16 : i32
      %add3A_853 = vector.broadcast %add3A_852 : i32 to vector<16xi32>
      %add3A_854 = arith.addi %mul3A_677, %add3A_853 : vector<16xi32>
      %shift_right_arithmetic3A_855 = arith.constant 7 : i32
      %shift_right_arithmetic3A_856 = vector.broadcast %shift_right_arithmetic3A_855 : i32 to vector<16xi32>
      %shift_right_arithmetic3A_857 = arith.shrsi %add3A_854, %shift_right_arithmetic3A_856 : vector<16xi32>
      %and3A_858 = arith.constant 127 : i32
      %and3A_859 = vector.broadcast %and3A_858 : i32 to vector<16xi32>
      %and3A_860 = arith.andi %add3A_854, %and3A_859 : vector<16xi32>
      %gather3A_861 = tpu.vector_load_idx %arg9[%shift_right_arithmetic3A_857, %and3A_860] : memref<104x128xf32, #tpu.memory_space<vmem>>[vector<16xi32>, vector<16xi32>], vector<16xf32>,
      %add3A_862 = arith.addf %add3A_851, %gather3A_861 : vector<16xf32>
      %add3A_863 = arith.constant 17 : i32
      %add3A_864 = vector.broadcast %add3A_863 : i32 to vector<16xi32>
      %add3A_865 = arith.addi %mul3A_677, %add3A_864 : vector<16xi32>
      %shift_right_arithmetic3A_866 = arith.constant 7 : i32
      %shift_right_arithmetic3A_867 = vector.broadcast %shift_right_arithmetic3A_866 : i32 to vector<16xi32>
      %shift_right_arithmetic3A_868 = arith.shrsi %add3A_865, %shift_right_arithmetic3A_867 : vector<16xi32>
      %and3A_869 = arith.constant 127 : i32
      %and3A_870 = vector.broadcast %and3A_869 : i32 to vector<16xi32>
      %and3A_871 = arith.andi %add3A_865, %and3A_870 : vector<16xi32>
      %gather3A_872 = tpu.vector_load_idx %arg9[%shift_right_arithmetic3A_868, %and3A_871] : memref<104x128xf32, #tpu.memory_space<vmem>>[vector<16xi32>, vector<16xi32>], vector<16xf32>,
      %add3A_873 = arith.addf %add3A_862, %gather3A_872 : vector<16xf32>
      %add3A_874 = arith.constant 18 : i32
      %add3A_875 = vector.broadcast %add3A_874 : i32 to vector<16xi32>
      %add3A_876 = arith.addi %mul3A_677, %add3A_875 : vector<16xi32>
      %shift_right_arithmetic3A_877 = arith.constant 7 : i32
      %shift_right_arithmetic3A_878 = vector.broadcast %shift_right_arithmetic3A_877 : i32 to vector<16xi32>
      %shift_right_arithmetic3A_879 = arith.shrsi %add3A_876, %shift_right_arithmetic3A_878 : vector<16xi32>
      %and3A_880 = arith.constant 127 : i32
      %and3A_881 = vector.broadcast %and3A_880 : i32 to vector<16xi32>
      %and3A_882 = arith.andi %add3A_876, %and3A_881 : vector<16xi32>
      %gather3A_883 = tpu.vector_load_idx %arg9[%shift_right_arithmetic3A_879, %and3A_882] : memref<104x128xf32, #tpu.memory_space<vmem>>[vector<16xi32>, vector<16xi32>], vector<16xf32>,
      %add3A_884 = arith.addf %add3A_873, %gather3A_883 : vector<16xf32>
      %add3A_885 = arith.constant 19 : i32
      %add3A_886 = vector.broadcast %add3A_885 : i32 to vector<16xi32>
      %add3A_887 = arith.addi %mul3A_677, %add3A_886 : vector<16xi32>
      %shift_right_arithmetic3A_888 = arith.constant 7 : i32
      %shift_right_arithmetic3A_889 = vector.broadcast %shift_right_arithmetic3A_888 : i32 to vector<16xi32>
      %shift_right_arithmetic3A_890 = arith.shrsi %add3A_887, %shift_right_arithmetic3A_889 : vector<16xi32>
      %and3A_891 = arith.constant 127 : i32
      %and3A_892 = vector.broadcast %and3A_891 : i32 to vector<16xi32>
      %and3A_893 = arith.andi %add3A_887, %and3A_892 : vector<16xi32>
      %gather3A_894 = tpu.vector_load_idx %arg9[%shift_right_arithmetic3A_890, %and3A_893] : memref<104x128xf32, #tpu.memory_space<vmem>>[vector<16xi32>, vector<16xi32>], vector<16xf32>,
      %add3A_895 = arith.addf %add3A_884, %gather3A_894 : vector<16xf32>
      %add3A_896 = arith.constant 20 : i32
      %add3A_897 = vector.broadcast %add3A_896 : i32 to vector<16xi32>
      %add3A_898 = arith.addi %mul3A_677, %add3A_897 : vector<16xi32>
      %shift_right_arithmetic3A_899 = arith.constant 7 : i32
      %shift_right_arithmetic3A_900 = vector.broadcast %shift_right_arithmetic3A_899 : i32 to vector<16xi32>
      %shift_right_arithmetic3A_901 = arith.shrsi %add3A_898, %shift_right_arithmetic3A_900 : vector<16xi32>
      %and3A_902 = arith.constant 127 : i32
      %and3A_903 = vector.broadcast %and3A_902 : i32 to vector<16xi32>
      %and3A_904 = arith.andi %add3A_898, %and3A_903 : vector<16xi32>
      %gather3A_905 = tpu.vector_load_idx %arg9[%shift_right_arithmetic3A_901, %and3A_904] : memref<104x128xf32, #tpu.memory_space<vmem>>[vector<16xi32>, vector<16xi32>], vector<16xf32>,
      %add3A_906 = arith.addf %add3A_895, %gather3A_905 : vector<16xf32>
      %add3A_907 = arith.constant 21 : i32
      %add3A_908 = vector.broadcast %add3A_907 : i32 to vector<16xi32>
      %add3A_909 = arith.addi %mul3A_677, %add3A_908 : vector<16xi32>
      %shift_right_arithmetic3A_910 = arith.constant 7 : i32
      %shift_right_arithmetic3A_911 = vector.broadcast %shift_right_arithmetic3A_910 : i32 to vector<16xi32>
      %shift_right_arithmetic3A_912 = arith.shrsi %add3A_909, %shift_right_arithmetic3A_911 : vector<16xi32>
      %and3A_913 = arith.constant 127 : i32
      %and3A_914 = vector.broadcast %and3A_913 : i32 to vector<16xi32>
      %and3A_915 = arith.andi %add3A_909, %and3A_914 : vector<16xi32>
      %gather3A_916 = tpu.vector_load_idx %arg9[%shift_right_arithmetic3A_912, %and3A_915] : memref<104x128xf32, #tpu.memory_space<vmem>>[vector<16xi32>, vector<16xi32>], vector<16xf32>,
      %add3A_917 = arith.addf %add3A_906, %gather3A_916 : vector<16xf32>
      %add3A_918 = arith.constant 22 : i32
      %add3A_919 = vector.broadcast %add3A_918 : i32 to vector<16xi32>
      %add3A_920 = arith.addi %mul3A_677, %add3A_919 : vector<16xi32>
      %shift_right_arithmetic3A_921 = arith.constant 7 : i32
      %shift_right_arithmetic3A_922 = vector.broadcast %shift_right_arithmetic3A_921 : i32 to vector<16xi32>
      %shift_right_arithmetic3A_923 = arith.shrsi %add3A_920, %shift_right_arithmetic3A_922 : vector<16xi32>
      %and3A_924 = arith.constant 127 : i32
      %and3A_925 = vector.broadcast %and3A_924 : i32 to vector<16xi32>
      %and3A_926 = arith.andi %add3A_920, %and3A_925 : vector<16xi32>
      %gather3A_927 = tpu.vector_load_idx %arg9[%shift_right_arithmetic3A_923, %and3A_926] : memref<104x128xf32, #tpu.memory_space<vmem>>[vector<16xi32>, vector<16xi32>], vector<16xf32>,
      %add3A_928 = arith.addf %add3A_917, %gather3A_927 : vector<16xf32>
      %add3A_929 = arith.constant 23 : i32
      %add3A_930 = vector.broadcast %add3A_929 : i32 to vector<16xi32>
      %add3A_931 = arith.addi %mul3A_677, %add3A_930 : vector<16xi32>
      %shift_right_arithmetic3A_932 = arith.constant 7 : i32
      %shift_right_arithmetic3A_933 = vector.broadcast %shift_right_arithmetic3A_932 : i32 to vector<16xi32>
      %shift_right_arithmetic3A_934 = arith.shrsi %add3A_931, %shift_right_arithmetic3A_933 : vector<16xi32>
      %and3A_935 = arith.constant 127 : i32
      %and3A_936 = vector.broadcast %and3A_935 : i32 to vector<16xi32>
      %and3A_937 = arith.andi %add3A_931, %and3A_936 : vector<16xi32>
      %gather3A_938 = tpu.vector_load_idx %arg9[%shift_right_arithmetic3A_934, %and3A_937] : memref<104x128xf32, #tpu.memory_space<vmem>>[vector<16xi32>, vector<16xi32>], vector<16xf32>,
      %add3A_939 = arith.addf %add3A_928, %gather3A_938 : vector<16xf32>
      %add3A_940 = arith.constant 24 : i32
      %add3A_941 = vector.broadcast %add3A_940 : i32 to vector<16xi32>
      %add3A_942 = arith.addi %mul3A_677, %add3A_941 : vector<16xi32>
      %shift_right_arithmetic3A_943 = arith.constant 7 : i32
      %shift_right_arithmetic3A_944 = vector.broadcast %shift_right_arithmetic3A_943 : i32 to vector<16xi32>
      %shift_right_arithmetic3A_945 = arith.shrsi %add3A_942, %shift_right_arithmetic3A_944 : vector<16xi32>
      %and3A_946 = arith.constant 127 : i32
      %and3A_947 = vector.broadcast %and3A_946 : i32 to vector<16xi32>
      %and3A_948 = arith.andi %add3A_942, %and3A_947 : vector<16xi32>
      %gather3A_949 = tpu.vector_load_idx %arg9[%shift_right_arithmetic3A_945, %and3A_948] : memref<104x128xf32, #tpu.memory_space<vmem>>[vector<16xi32>, vector<16xi32>], vector<16xf32>,
      %add3A_950 = arith.addf %add3A_939, %gather3A_949 : vector<16xf32>
      %add3A_951 = arith.constant 25 : i32
      %add3A_952 = vector.broadcast %add3A_951 : i32 to vector<16xi32>
      %add3A_953 = arith.addi %mul3A_677, %add3A_952 : vector<16xi32>
      %shift_right_arithmetic3A_954 = arith.constant 7 : i32
      %shift_right_arithmetic3A_955 = vector.broadcast %shift_right_arithmetic3A_954 : i32 to vector<16xi32>
      %shift_right_arithmetic3A_956 = arith.shrsi %add3A_953, %shift_right_arithmetic3A_955 : vector<16xi32>
      %and3A_957 = arith.constant 127 : i32
      %and3A_958 = vector.broadcast %and3A_957 : i32 to vector<16xi32>
      %and3A_959 = arith.andi %add3A_953, %and3A_958 : vector<16xi32>
      %gather3A_960 = tpu.vector_load_idx %arg9[%shift_right_arithmetic3A_956, %and3A_959] : memref<104x128xf32, #tpu.memory_space<vmem>>[vector<16xi32>, vector<16xi32>], vector<16xf32>,
      %add3A_961 = arith.addf %add3A_950, %gather3A_960 : vector<16xf32>
      %mul3A_962 = arith.constant 16 : i32
      %mul3A_963 = arith.muli %scan3A_670, %mul3A_962 : i32
      %swap3A = arith.index_cast %mul3A_963 : i32 to index
      %swap3A_964 = tpu.vector_load %arg10[%swap3A] {strides = array<i32>} : memref<512xf32, #tpu.memory_space<vmem>>, vector<16xf32>,
      tpu.vector_store %arg10[%swap3A], %add3A_961 {strides = array<i32>} : memref<512xf32, #tpu.memory_space<vmem>>, vector<16xf32>,
    }
    %scan3A_667 = arith.constant 32 : i32
    %mul3A_668 = arith.constant 512 : i32
    %mul3A_669 = arith.muli %add3A, %mul3A_668 : i32
    "tpu.region"() ({
      %run_scoped3A = tpu.sem_alloc : memref<!tpu.dma_semaphore, #tpu.memory_space<semaphore_mem>>
      %dma_start3A_670 = tpu.memref_slice %arg6[%mul3A_669] : memref<16384xf32, #tpu.memory_space<hbm>> -> memref<512xf32, #tpu.memory_space<hbm>>
      %dma_start3A_671 = tpu.memref_slice %arg6[%mul3A_669] : memref<16384xf32, #tpu.memory_space<hbm>> -> memref<512xf32, #tpu.memory_space<hbm>>
      tpu.enqueue_dma source(%arg10 : memref<512xf32, #tpu.memory_space<vmem>>) target(%dma_start3A_671 : memref<512xf32, #tpu.memory_space<hbm>>) target_semaphore(%run_scoped3A : memref<!tpu.dma_semaphore, #tpu.memory_space<semaphore_mem>>)
      %dma_wait3A_672 = tpu.memref_slice %arg6[%mul3A_669] : memref<16384xf32, #tpu.memory_space<hbm>> -> memref<512xf32, #tpu.memory_space<hbm>>
      %dma_wait3A_673 = tpu.memref_slice %arg6[%mul3A_669] : memref<16384xf32, #tpu.memory_space<hbm>> -> memref<512xf32, #tpu.memory_space<hbm>>
      tpu.wait_dma2 semaphore(%run_scoped3A : memref<!tpu.dma_semaphore, #tpu.memory_space<semaphore_mem>>) src(%arg10 : memref<512xf32, #tpu.memory_space<vmem>>) dst(%dma_wait3A_673 : memref<512xf32, #tpu.memory_space<hbm>>)
      tpu.yield
    }) : () -> ()
    return
  }
}

module attributes {stable_mosaic.version = 14 : i64} {
  func.func @_tc_body(%arg0: i32, %arg1: i32, %arg2: memref<512x416xf32, #tpu.memory_space<vmem>>, %arg3: memref<512x1xf32, #tpu.memory_space<vmem>>, %arg4: memref<128x416xbf16, #tpu.memory_space<vmem>>, %arg5: memref<1x128xf32, #tpu.memory_space<vmem>>, %arg6: memref<1x128xf32, #tpu.memory_space<vmem>>, %arg7: memref<1x128xf32, #tpu.memory_space<vmem>>, %arg8: memref<64x128xf32, #tpu.memory_space<vmem>>, %arg9: memref<1x64xf32, #tpu.memory_space<vmem>>, %arg10: memref<1x64xf32, #tpu.memory_space<vmem>>, %arg11: memref<1x64xf32, #tpu.memory_space<vmem>>, %arg12: memref<1x64xf32, #tpu.memory_space<vmem>>, %arg13: memref<1xf32, #tpu.memory_space<smem>>, %arg14: memref<416x16xbf16, #tpu.memory_space<vmem>>, %arg15: memref<512x1xf32, #tpu.memory_space<vmem>>, %arg16: memref<16384x128xf32, #tpu.memory_space<vmem>>, %arg17: memref<16384x64xf32, #tpu.memory_space<vmem>>, %arg18: memref<1x128xf32, #tpu.memory_space<vmem>>, %arg19: memref<1x128xf32, #tpu.memory_space<vmem>>, %arg20: memref<1x64xf32, #tpu.memory_space<vmem>>, %arg21: memref<1x64xf32, #tpu.memory_space<vmem>>, %arg22: memref<16384x1xf32, #tpu.memory_space<vmem>>) attributes {dimension_semantics = [#tpu.dimension_semantics<arbitrary>, #tpu.dimension_semantics<arbitrary>], iteration_bounds = array<i64: 3, 32>, scalar_prefetch = 0 : i64, scratch_operands = 7 : i64, tpu.core_type = #tpu.core_type<tc>, window_params = [{transform_indices = @transform_0, window_bounds = array<i64: 512, 416>}, {transform_indices = @transform_1, window_bounds = array<i64: 512, 1>}, {pipeline_mode = #tpu.pipeline_mode<synchronous>, transform_indices = @transform_2, window_bounds = array<i64: 128, 416>}, {pipeline_mode = #tpu.pipeline_mode<synchronous>, transform_indices = @transform_3, window_bounds = array<i64: 1, 128>}, {pipeline_mode = #tpu.pipeline_mode<synchronous>, transform_indices = @transform_4, window_bounds = array<i64: 1, 128>}, {pipeline_mode = #tpu.pipeline_mode<synchronous>, transform_indices = @transform_5, window_bounds = array<i64: 1, 128>}, {pipeline_mode = #tpu.pipeline_mode<synchronous>, transform_indices = @transform_6, window_bounds = array<i64: 64, 128>}, {pipeline_mode = #tpu.pipeline_mode<synchronous>, transform_indices = @transform_7, window_bounds = array<i64: 1, 64>}, {pipeline_mode = #tpu.pipeline_mode<synchronous>, transform_indices = @transform_8, window_bounds = array<i64: 1, 64>}, {pipeline_mode = #tpu.pipeline_mode<synchronous>, transform_indices = @transform_9, window_bounds = array<i64: 1, 64>}, {pipeline_mode = #tpu.pipeline_mode<synchronous>, transform_indices = @transform_10, window_bounds = array<i64: 1, 64>}, {transform_indices = @transform_11, window_bounds = array<i64: 1>}, {pipeline_mode = #tpu.pipeline_mode<synchronous>, transform_indices = @transform_12, window_bounds = array<i64: 416, 16>}, {transform_indices = @transform_13, window_bounds = array<i64: 512, 1>}]} {
    %mul3A = arith.constant 512 : i32
    %mul3A_0 = arith.muli %arg1, %mul3A : i32
    %eq3A = arith.constant 0 : i32
    %eq3A_1 = arith.cmpi eq, %arg0, %eq3A : i32
    %convert_element_type3A = arith.extui %eq3A_1 : i1 to i32
    %cond3A = arith.constant 0 : i32
    %cond3A_2 = arith.cmpi ne, %convert_element_type3A, %cond3A : i32
    scf.if %cond3A_2 {
      %get3A = arith.constant 0 : index
      %get3A_13 = arith.constant 0 : index
      %get3A_14 = vector.load %arg2[%get3A, %get3A_13] : memref<512x416xf32, #tpu.memory_space<vmem>>, vector<512x416xf32>
      %convert_element_type3A_15 = arith.truncf %get3A_14 : vector<512x416xf32> to vector<512x416xbf16>
      %get3A_16 = arith.constant 0 : index
      %get3A_17 = arith.constant 0 : index
      %get3A_18 = vector.load %arg4[%get3A_16, %get3A_17] : memref<128x416xbf16, #tpu.memory_space<vmem>>, vector<128x416xbf16>
      %dot_general3A = arith.constant dense<0.000000e+00> : vector<512x128xf32>
      %dot_general3A_19 = tpu.matmul %convert_element_type3A_15, %get3A_18, %dot_general3A {dimension_numbers = #tpu.dot_dimension_numbers<[1], [1], [0], [0], [0, 0, 1, 0], [], []>, transpose_lhs_hint = false} : vector<512x416xbf16>, vector<128x416xbf16>, vector<512x128xf32> -> vector<512x128xf32>
      %get3A_20 = arith.constant 0 : index
      %get3A_21 = arith.constant 0 : index
      %get3A_22 = vector.load %arg5[%get3A_20, %get3A_21] : memref<1x128xf32, #tpu.memory_space<vmem>>, vector<1x128xf32>
      %add3A = vector.broadcast %get3A_22 : vector<1x128xf32> to vector<512x128xf32>
      %add3A_23 = arith.addf %dot_general3A_19, %add3A : vector<512x128xf32>
      %swap3A = arith.index_cast %mul3A_0 : i32 to index
      %swap3A_24 = arith.constant 0 : index
      %swap3A_25 = vector.load %arg16[%swap3A, %swap3A_24] : memref<16384x128xf32, #tpu.memory_space<vmem>>, vector<512x128xf32>
      tpu.vector_store %arg16[%swap3A, %swap3A_24], %add3A_23 {strides = array<i32>} : memref<16384x128xf32, #tpu.memory_space<vmem>>, vector<512x128xf32>,
      %eq3A_26 = arith.constant 0 : i32
      %eq3A_27 = arith.cmpi eq, %arg1, %eq3A_26 : i32
      %convert_element_type3A_28 = arith.extui %eq3A_27 : i1 to i32
      %cond3A_29 = arith.constant 0 : i32
      %cond3A_30 = arith.cmpi ne, %convert_element_type3A_28, %cond3A_29 : i32
      scf.if %cond3A_30 {
        %broadcast_in_dim3A_69 = arith.constant 0.000000e+00 : f32
        %broadcast_in_dim3A_70 = vector.broadcast %broadcast_in_dim3A_69 : f32 to vector<1x128xf32>
        %swap3A_71 = arith.constant 0 : index
        %swap3A_72 = arith.constant 0 : index
        %swap3A_73 = vector.load %arg18[%swap3A_71, %swap3A_72] : memref<1x128xf32, #tpu.memory_space<vmem>>, vector<1x128xf32>
        tpu.vector_store %arg18[%swap3A_71, %swap3A_72], %broadcast_in_dim3A_70 {strides = array<i32>} : memref<1x128xf32, #tpu.memory_space<vmem>>, vector<1x128xf32>,
        %broadcast_in_dim3A_74 = arith.constant 0.000000e+00 : f32
        %broadcast_in_dim3A_75 = vector.broadcast %broadcast_in_dim3A_74 : f32 to vector<1x128xf32>
        %swap3A_76 = arith.constant 0 : index
        %swap3A_77 = arith.constant 0 : index
        %swap3A_78 = vector.load %arg19[%swap3A_76, %swap3A_77] : memref<1x128xf32, #tpu.memory_space<vmem>>, vector<1x128xf32>
        tpu.vector_store %arg19[%swap3A_76, %swap3A_77], %broadcast_in_dim3A_75 {strides = array<i32>} : memref<1x128xf32, #tpu.memory_space<vmem>>, vector<1x128xf32>,
      } else {
      }
      %get3A_31 = arith.constant 0 : index
      %get3A_32 = arith.constant 0 : index
      %get3A_33 = vector.load %arg18[%get3A_31, %get3A_32] : memref<1x128xf32, #tpu.memory_space<vmem>>, vector<1x128xf32>
      %reduce_sum3A = arith.constant dense<0.000000e+00> : vector<128xf32>
      %reduce_sum3A_34 = vector.multi_reduction <add>, %add3A_23, %reduce_sum3A [0] : vector<512x128xf32> to vector<128xf32>
      %broadcast_in_dim3A = vector.shape_cast %reduce_sum3A_34 : vector<128xf32> to vector<1x128xf32>
      %add3A_35 = arith.addf %get3A_33, %broadcast_in_dim3A : vector<1x128xf32>
      %swap3A_36 = arith.constant 0 : index
      %swap3A_37 = arith.constant 0 : index
      %swap3A_38 = vector.load %arg18[%swap3A_36, %swap3A_37] : memref<1x128xf32, #tpu.memory_space<vmem>>, vector<1x128xf32>
      tpu.vector_store %arg18[%swap3A_36, %swap3A_37], %add3A_35 {strides = array<i32>} : memref<1x128xf32, #tpu.memory_space<vmem>>, vector<1x128xf32>,
      %get3A_39 = arith.constant 0 : index
      %get3A_40 = arith.constant 0 : index
      %get3A_41 = vector.load %arg19[%get3A_39, %get3A_40] : memref<1x128xf32, #tpu.memory_space<vmem>>, vector<1x128xf32>
      %mul3A_42 = arith.mulf %add3A_23, %add3A_23 : vector<512x128xf32>
      %reduce_sum3A_43 = arith.constant dense<0.000000e+00> : vector<128xf32>
      %reduce_sum3A_44 = vector.multi_reduction <add>, %mul3A_42, %reduce_sum3A_43 [0] : vector<512x128xf32> to vector<128xf32>
      %broadcast_in_dim3A_45 = vector.shape_cast %reduce_sum3A_44 : vector<128xf32> to vector<1x128xf32>
      %add3A_46 = arith.addf %get3A_41, %broadcast_in_dim3A_45 : vector<1x128xf32>
      %swap3A_47 = arith.constant 0 : index
      %swap3A_48 = arith.constant 0 : index
      %swap3A_49 = vector.load %arg19[%swap3A_47, %swap3A_48] : memref<1x128xf32, #tpu.memory_space<vmem>>, vector<1x128xf32>
      tpu.vector_store %arg19[%swap3A_47, %swap3A_48], %add3A_46 {strides = array<i32>} : memref<1x128xf32, #tpu.memory_space<vmem>>, vector<1x128xf32>,
      %get3A_50 = arith.constant 0 : index
      %get3A_51 = arith.constant 0 : index
      %get3A_52 = vector.load %arg14[%get3A_50, %get3A_51] : memref<416x16xbf16, #tpu.memory_space<vmem>>, vector<416x16xbf16>
      %dot_general3A_53 = arith.constant dense<0.000000e+00> : vector<512x16xf32>
      %dot_general3A_54 = tpu.matmul %convert_element_type3A_15, %get3A_52, %dot_general3A_53 {dimension_numbers = #tpu.dot_dimension_numbers<[1], [0], [0], [1], [0, 0, 1, 1], [], []>, transpose_lhs_hint = false} : vector<512x416xbf16>, vector<416x16xbf16>, vector<512x16xf32> -> vector<512x16xf32>
      %mul3A_55 = arith.mulf %dot_general3A_54, %dot_general3A_54 : vector<512x16xf32>
      %reduce_sum3A_56 = arith.constant dense<0.000000e+00> : vector<512xf32>
      %reduce_sum3A_57 = vector.multi_reduction <add>, %mul3A_55, %reduce_sum3A_56 [1] : vector<512x16xf32> to vector<512xf32>
      %broadcast_in_dim3A_58 = vector.shape_cast %reduce_sum3A_57 : vector<512xf32> to vector<512x1xf32>
      %mul3A_59 = arith.mulf %get3A_14, %get3A_14 : vector<512x416xf32>
      %reduce_sum3A_60 = arith.constant dense<0.000000e+00> : vector<512xf32>
      %reduce_sum3A_61 = vector.multi_reduction <add>, %mul3A_59, %reduce_sum3A_60 [1] : vector<512x416xf32> to vector<512xf32>
      %broadcast_in_dim3A_62 = vector.shape_cast %reduce_sum3A_61 : vector<512xf32> to vector<512x1xf32>
      %sub3A = arith.subf %broadcast_in_dim3A_58, %broadcast_in_dim3A_62 : vector<512x1xf32>
      %mul3A_63 = arith.constant 5.000000e-01 : f32
      %mul3A_64 = vector.broadcast %mul3A_63 : f32 to vector<512x1xf32>
      %mul3A_65 = arith.mulf %mul3A_64, %sub3A : vector<512x1xf32>
      %swap3A_66 = arith.index_cast %mul3A_0 : i32 to index
      %swap3A_67 = arith.constant 0 : index
      %swap3A_68 = vector.load %arg22[%swap3A_66, %swap3A_67] : memref<16384x1xf32, #tpu.memory_space<vmem>>, vector<512x1xf32>
      tpu.vector_store %arg22[%swap3A_66, %swap3A_67], %mul3A_65 {strides = array<i32>} : memref<16384x1xf32, #tpu.memory_space<vmem>>, vector<512x1xf32>,
    } else {
    }
    %eq3A_3 = arith.constant 1 : i32
    %eq3A_4 = arith.cmpi eq, %arg0, %eq3A_3 : i32
    %convert_element_type3A_5 = arith.extui %eq3A_4 : i1 to i32
    %cond3A_6 = arith.constant 0 : i32
    %cond3A_7 = arith.cmpi ne, %convert_element_type3A_5, %cond3A_6 : i32
    scf.if %cond3A_7 {
      %get3A = arith.constant 0 : index
      %get3A_13 = arith.constant 0 : index
      %get3A_14 = vector.load %arg18[%get3A, %get3A_13] : memref<1x128xf32, #tpu.memory_space<vmem>>, vector<1x128xf32>
      %mul3A_15 = arith.constant 6.10351563E-5 : f32
      %mul3A_16 = vector.broadcast %mul3A_15 : f32 to vector<1x128xf32>
      %mul3A_17 = arith.mulf %get3A_14, %mul3A_16 : vector<1x128xf32>
      %get3A_18 = arith.constant 0 : index
      %get3A_19 = arith.constant 0 : index
      %get3A_20 = vector.load %arg19[%get3A_18, %get3A_19] : memref<1x128xf32, #tpu.memory_space<vmem>>, vector<1x128xf32>
      %mul3A_21 = arith.constant 6.10351563E-5 : f32
      %mul3A_22 = vector.broadcast %mul3A_21 : f32 to vector<1x128xf32>
      %mul3A_23 = arith.mulf %get3A_20, %mul3A_22 : vector<1x128xf32>
      %mul3A_24 = arith.mulf %mul3A_17, %mul3A_17 : vector<1x128xf32>
      %sub3A = arith.subf %mul3A_23, %mul3A_24 : vector<1x128xf32>
      %add3A = arith.constant 9.99999974E-6 : f32
      %add3A_25 = vector.broadcast %add3A : f32 to vector<1x128xf32>
      %add3A_26 = arith.addf %sub3A, %add3A_25 : vector<1x128xf32>
      %rsqrt3A = math.rsqrt %add3A_26 : vector<1x128xf32>
      %get3A_27 = arith.constant 0 : index
      %get3A_28 = arith.constant 0 : index
      %get3A_29 = vector.load %arg6[%get3A_27, %get3A_28] : memref<1x128xf32, #tpu.memory_space<vmem>>, vector<1x128xf32>
      %mul3A_30 = arith.mulf %rsqrt3A, %get3A_29 : vector<1x128xf32>
      %get3A_31 = arith.index_cast %mul3A_0 : i32 to index
      %get3A_32 = arith.constant 0 : index
      %get3A_33 = vector.load %arg16[%get3A_31, %get3A_32] : memref<16384x128xf32, #tpu.memory_space<vmem>>, vector<512x128xf32>
      %sub3A_34 = vector.broadcast %mul3A_17 : vector<1x128xf32> to vector<512x128xf32>
      %sub3A_35 = arith.subf %get3A_33, %sub3A_34 : vector<512x128xf32>
      %mul3A_36 = vector.broadcast %mul3A_30 : vector<1x128xf32> to vector<512x128xf32>
      %mul3A_37 = arith.mulf %sub3A_35, %mul3A_36 : vector<512x128xf32>
      %get3A_38 = arith.constant 0 : index
      %get3A_39 = arith.constant 0 : index
      %get3A_40 = vector.load %arg7[%get3A_38, %get3A_39] : memref<1x128xf32, #tpu.memory_space<vmem>>, vector<1x128xf32>
      %add3A_41 = vector.broadcast %get3A_40 : vector<1x128xf32> to vector<512x128xf32>
      %add3A_42 = arith.addf %mul3A_37, %add3A_41 : vector<512x128xf32>
      %max3A = arith.constant 0.000000e+00 : f32
      %max3A_43 = vector.broadcast %max3A : f32 to vector<512x128xf32>
      %max3A_44 = arith.maximumf %add3A_42, %max3A_43 : vector<512x128xf32>
      %get3A_45 = arith.constant 0 : index
      %get3A_46 = arith.constant 0 : index
      %get3A_47 = vector.load %arg8[%get3A_45, %get3A_46] : memref<64x128xf32, #tpu.memory_space<vmem>>, vector<64x128xf32>
      %dot_general3A = arith.constant dense<0.000000e+00> : vector<512x64xf32>
      %dot_general3A_48 = tpu.matmul %max3A_44, %get3A_47, %dot_general3A {dimension_numbers = #tpu.dot_dimension_numbers<[1], [1], [0], [0], [0, 0, 1, 0], [], []>, transpose_lhs_hint = false} : vector<512x128xf32>, vector<64x128xf32>, vector<512x64xf32> -> vector<512x64xf32>
      %get3A_49 = arith.constant 0 : index
      %get3A_50 = arith.constant 0 : index
      %get3A_51 = vector.load %arg9[%get3A_49, %get3A_50] : memref<1x64xf32, #tpu.memory_space<vmem>>, vector<1x64xf32>
      %add3A_52 = vector.broadcast %get3A_51 : vector<1x64xf32> to vector<512x64xf32>
      %add3A_53 = arith.addf %dot_general3A_48, %add3A_52 : vector<512x64xf32>
      %swap3A = arith.index_cast %mul3A_0 : i32 to index
      %swap3A_54 = arith.constant 0 : index
      %swap3A_55 = vector.load %arg17[%swap3A, %swap3A_54] : memref<16384x64xf32, #tpu.memory_space<vmem>>, vector<512x64xf32>
      tpu.vector_store %arg17[%swap3A, %swap3A_54], %add3A_53 {strides = array<i32>} : memref<16384x64xf32, #tpu.memory_space<vmem>>, vector<512x64xf32>,
      %eq3A_56 = arith.constant 0 : i32
      %eq3A_57 = arith.cmpi eq, %arg1, %eq3A_56 : i32
      %convert_element_type3A_58 = arith.extui %eq3A_57 : i1 to i32
      %cond3A_59 = arith.constant 0 : i32
      %cond3A_60 = arith.cmpi ne, %convert_element_type3A_58, %cond3A_59 : i32
      scf.if %cond3A_60 {
        %broadcast_in_dim3A_80 = arith.constant 0.000000e+00 : f32
        %broadcast_in_dim3A_81 = vector.broadcast %broadcast_in_dim3A_80 : f32 to vector<1x64xf32>
        %swap3A_82 = arith.constant 0 : index
        %swap3A_83 = arith.constant 0 : index
        %swap3A_84 = vector.load %arg20[%swap3A_82, %swap3A_83] : memref<1x64xf32, #tpu.memory_space<vmem>>, vector<1x64xf32>
        tpu.vector_store %arg20[%swap3A_82, %swap3A_83], %broadcast_in_dim3A_81 {strides = array<i32>} : memref<1x64xf32, #tpu.memory_space<vmem>>, vector<1x64xf32>,
        %broadcast_in_dim3A_85 = arith.constant 0.000000e+00 : f32
        %broadcast_in_dim3A_86 = vector.broadcast %broadcast_in_dim3A_85 : f32 to vector<1x64xf32>
        %swap3A_87 = arith.constant 0 : index
        %swap3A_88 = arith.constant 0 : index
        %swap3A_89 = vector.load %arg21[%swap3A_87, %swap3A_88] : memref<1x64xf32, #tpu.memory_space<vmem>>, vector<1x64xf32>
        tpu.vector_store %arg21[%swap3A_87, %swap3A_88], %broadcast_in_dim3A_86 {strides = array<i32>} : memref<1x64xf32, #tpu.memory_space<vmem>>, vector<1x64xf32>,
      } else {
      }
      %get3A_61 = arith.constant 0 : index
      %get3A_62 = arith.constant 0 : index
      %get3A_63 = vector.load %arg20[%get3A_61, %get3A_62] : memref<1x64xf32, #tpu.memory_space<vmem>>, vector<1x64xf32>
      %reduce_sum3A = arith.constant dense<0.000000e+00> : vector<64xf32>
      %reduce_sum3A_64 = vector.multi_reduction <add>, %add3A_53, %reduce_sum3A [0] : vector<512x64xf32> to vector<64xf32>
      %broadcast_in_dim3A = vector.shape_cast %reduce_sum3A_64 : vector<64xf32> to vector<1x64xf32>
      %add3A_65 = arith.addf %get3A_63, %broadcast_in_dim3A : vector<1x64xf32>
      %swap3A_66 = arith.constant 0 : index
      %swap3A_67 = arith.constant 0 : index
      %swap3A_68 = vector.load %arg20[%swap3A_66, %swap3A_67] : memref<1x64xf32, #tpu.memory_space<vmem>>, vector<1x64xf32>
      tpu.vector_store %arg20[%swap3A_66, %swap3A_67], %add3A_65 {strides = array<i32>} : memref<1x64xf32, #tpu.memory_space<vmem>>, vector<1x64xf32>,
      %get3A_69 = arith.constant 0 : index
      %get3A_70 = arith.constant 0 : index
      %get3A_71 = vector.load %arg21[%get3A_69, %get3A_70] : memref<1x64xf32, #tpu.memory_space<vmem>>, vector<1x64xf32>
      %mul3A_72 = arith.mulf %add3A_53, %add3A_53 : vector<512x64xf32>
      %reduce_sum3A_73 = arith.constant dense<0.000000e+00> : vector<64xf32>
      %reduce_sum3A_74 = vector.multi_reduction <add>, %mul3A_72, %reduce_sum3A_73 [0] : vector<512x64xf32> to vector<64xf32>
      %broadcast_in_dim3A_75 = vector.shape_cast %reduce_sum3A_74 : vector<64xf32> to vector<1x64xf32>
      %add3A_76 = arith.addf %get3A_71, %broadcast_in_dim3A_75 : vector<1x64xf32>
      %swap3A_77 = arith.constant 0 : index
      %swap3A_78 = arith.constant 0 : index
      %swap3A_79 = vector.load %arg21[%swap3A_77, %swap3A_78] : memref<1x64xf32, #tpu.memory_space<vmem>>, vector<1x64xf32>
      tpu.vector_store %arg21[%swap3A_77, %swap3A_78], %add3A_76 {strides = array<i32>} : memref<1x64xf32, #tpu.memory_space<vmem>>, vector<1x64xf32>,
    } else {
    }
    %eq3A_8 = arith.constant 2 : i32
    %eq3A_9 = arith.cmpi eq, %arg0, %eq3A_8 : i32
    %convert_element_type3A_10 = arith.extui %eq3A_9 : i1 to i32
    %cond3A_11 = arith.constant 0 : i32
    %cond3A_12 = arith.cmpi ne, %convert_element_type3A_10, %cond3A_11 : i32
    scf.if %cond3A_12 {
      %get3A = arith.constant 0 : index
      %get3A_13 = arith.constant 0 : index
      %get3A_14 = vector.load %arg20[%get3A, %get3A_13] : memref<1x64xf32, #tpu.memory_space<vmem>>, vector<1x64xf32>
      %mul3A_15 = arith.constant 6.10351563E-5 : f32
      %mul3A_16 = vector.broadcast %mul3A_15 : f32 to vector<1x64xf32>
      %mul3A_17 = arith.mulf %get3A_14, %mul3A_16 : vector<1x64xf32>
      %get3A_18 = arith.constant 0 : index
      %get3A_19 = arith.constant 0 : index
      %get3A_20 = vector.load %arg21[%get3A_18, %get3A_19] : memref<1x64xf32, #tpu.memory_space<vmem>>, vector<1x64xf32>
      %mul3A_21 = arith.constant 6.10351563E-5 : f32
      %mul3A_22 = vector.broadcast %mul3A_21 : f32 to vector<1x64xf32>
      %mul3A_23 = arith.mulf %get3A_20, %mul3A_22 : vector<1x64xf32>
      %mul3A_24 = arith.mulf %mul3A_17, %mul3A_17 : vector<1x64xf32>
      %sub3A = arith.subf %mul3A_23, %mul3A_24 : vector<1x64xf32>
      %add3A = arith.constant 9.99999974E-6 : f32
      %add3A_25 = vector.broadcast %add3A : f32 to vector<1x64xf32>
      %add3A_26 = arith.addf %sub3A, %add3A_25 : vector<1x64xf32>
      %rsqrt3A = math.rsqrt %add3A_26 : vector<1x64xf32>
      %get3A_27 = arith.constant 0 : index
      %get3A_28 = arith.constant 0 : index
      %get3A_29 = vector.load %arg10[%get3A_27, %get3A_28] : memref<1x64xf32, #tpu.memory_space<vmem>>, vector<1x64xf32>
      %mul3A_30 = arith.mulf %rsqrt3A, %get3A_29 : vector<1x64xf32>
      %get3A_31 = arith.index_cast %mul3A_0 : i32 to index
      %get3A_32 = arith.constant 0 : index
      %get3A_33 = vector.load %arg17[%get3A_31, %get3A_32] : memref<16384x64xf32, #tpu.memory_space<vmem>>, vector<512x64xf32>
      %sub3A_34 = vector.broadcast %mul3A_17 : vector<1x64xf32> to vector<512x64xf32>
      %sub3A_35 = arith.subf %get3A_33, %sub3A_34 : vector<512x64xf32>
      %mul3A_36 = vector.broadcast %mul3A_30 : vector<1x64xf32> to vector<512x64xf32>
      %mul3A_37 = arith.mulf %sub3A_35, %mul3A_36 : vector<512x64xf32>
      %get3A_38 = arith.constant 0 : index
      %get3A_39 = arith.constant 0 : index
      %get3A_40 = vector.load %arg11[%get3A_38, %get3A_39] : memref<1x64xf32, #tpu.memory_space<vmem>>, vector<1x64xf32>
      %add3A_41 = vector.broadcast %get3A_40 : vector<1x64xf32> to vector<512x64xf32>
      %add3A_42 = arith.addf %mul3A_37, %add3A_41 : vector<512x64xf32>
      %max3A = arith.constant 0.000000e+00 : f32
      %max3A_43 = vector.broadcast %max3A : f32 to vector<512x64xf32>
      %max3A_44 = arith.maximumf %add3A_42, %max3A_43 : vector<512x64xf32>
      %get3A_45 = arith.constant 0 : index
      %get3A_46 = arith.constant 0 : index
      %get3A_47 = vector.load %arg12[%get3A_45, %get3A_46] : memref<1x64xf32, #tpu.memory_space<vmem>>, vector<1x64xf32>
      %mul3A_48 = vector.broadcast %get3A_47 : vector<1x64xf32> to vector<512x64xf32>
      %mul3A_49 = arith.mulf %max3A_44, %mul3A_48 : vector<512x64xf32>
      %reduce_sum3A = arith.constant dense<0.000000e+00> : vector<512xf32>
      %reduce_sum3A_50 = vector.multi_reduction <add>, %mul3A_49, %reduce_sum3A [1] : vector<512x64xf32> to vector<512xf32>
      %broadcast_in_dim3A = vector.shape_cast %reduce_sum3A_50 : vector<512xf32> to vector<512x1xf32>
      %get3A_51 = arith.index_cast %mul3A_0 : i32 to index
      %get3A_52 = arith.constant 0 : index
      %get3A_53 = vector.load %arg22[%get3A_51, %get3A_52] : memref<16384x1xf32, #tpu.memory_space<vmem>>, vector<512x1xf32>
      %get3A_54 = arith.constant 0 : index
      %get3A_55 = arith.constant 0 : index
      %get3A_56 = vector.load %arg3[%get3A_54, %get3A_55] : memref<512x1xf32, #tpu.memory_space<vmem>>, vector<512x1xf32>
      %add3A_57 = arith.addf %get3A_53, %get3A_56 : vector<512x1xf32>
      %add3A_58 = arith.addf %add3A_57, %broadcast_in_dim3A : vector<512x1xf32>
      %get3A_59 = arith.constant 0 : index
      %get3A_60 = memref.load %arg13[%get3A_59] : memref<1xf32, #tpu.memory_space<smem>>
      %add3A_61 = vector.broadcast %get3A_60 : f32 to vector<512x1xf32>
      %add3A_62 = arith.addf %add3A_58, %add3A_61 : vector<512x1xf32>
      %logistic3A = arith.negf %add3A_62 : vector<512x1xf32>
      %logistic3A_63 = math.exp %logistic3A : vector<512x1xf32>
      %logistic3A_64 = arith.constant 1.000000e+00 : f32
      %logistic3A_65 = vector.broadcast %logistic3A_64 : f32 to vector<512x1xf32>
      %logistic3A_66 = arith.addf %logistic3A_65, %logistic3A_63 : vector<512x1xf32>
      %logistic3A_67 = arith.divf %logistic3A_65, %logistic3A_66 : vector<512x1xf32>
      %swap3A = arith.constant 0 : index
      %swap3A_68 = arith.constant 0 : index
      %swap3A_69 = vector.load %arg15[%swap3A, %swap3A_68] : memref<512x1xf32, #tpu.memory_space<vmem>>, vector<512x1xf32>
      tpu.vector_store %arg15[%swap3A, %swap3A_68], %logistic3A_67 {strides = array<i32>} : memref<512x1xf32, #tpu.memory_space<vmem>>, vector<512x1xf32>,
    } else {
    }
    return
  }
  func.func @transform_0(%arg0: i32, %arg1: i32) -> (i32, i32) {
    %eq3A = arith.constant 0 : i32
    %eq3A_0 = arith.cmpi eq, %arg0, %eq3A : i32
    %jit3A = arith.constant 0 : i32
    %select_n3A = arith.select %eq3A_0, %arg1, %jit3A : i32
    %c0_i32 = arith.constant 0 : i32
    %c0_i32_1 = arith.constant 0 : i32
    return %select_n3A, %c0_i32 : i32, i32
  }
  func.func @transform_1(%arg0: i32, %arg1: i32) -> (i32, i32) {
    %eq3A = arith.constant 2 : i32
    %eq3A_0 = arith.cmpi eq, %arg0, %eq3A : i32
    %jit3A = arith.constant 0 : i32
    %select_n3A = arith.select %eq3A_0, %arg1, %jit3A : i32
    %c0_i32 = arith.constant 0 : i32
    %c0_i32_1 = arith.constant 0 : i32
    return %select_n3A, %c0_i32 : i32, i32
  }
  func.func @transform_2(%arg0: i32, %arg1: i32) -> (i32, i32) {
    %c0_i32 = arith.constant 0 : i32
    %c0_i32_0 = arith.constant 0 : i32
    %c0_i32_1 = arith.constant 0 : i32
    return %c0_i32, %c0_i32_0 : i32, i32
  }
  func.func @transform_3(%arg0: i32, %arg1: i32) -> (i32, i32) {
    %c0_i32 = arith.constant 0 : i32
    %c0_i32_0 = arith.constant 0 : i32
    %c0_i32_1 = arith.constant 0 : i32
    return %c0_i32, %c0_i32_0 : i32, i32
  }
  func.func @transform_4(%arg0: i32, %arg1: i32) -> (i32, i32) {
    %c0_i32 = arith.constant 0 : i32
    %c0_i32_0 = arith.constant 0 : i32
    %c0_i32_1 = arith.constant 0 : i32
    return %c0_i32, %c0_i32_0 : i32, i32
  }
  func.func @transform_5(%arg0: i32, %arg1: i32) -> (i32, i32) {
    %c0_i32 = arith.constant 0 : i32
    %c0_i32_0 = arith.constant 0 : i32
    %c0_i32_1 = arith.constant 0 : i32
    return %c0_i32, %c0_i32_0 : i32, i32
  }
  func.func @transform_6(%arg0: i32, %arg1: i32) -> (i32, i32) {
    %c0_i32 = arith.constant 0 : i32
    %c0_i32_0 = arith.constant 0 : i32
    %c0_i32_1 = arith.constant 0 : i32
    return %c0_i32, %c0_i32_0 : i32, i32
  }
  func.func @transform_7(%arg0: i32, %arg1: i32) -> (i32, i32) {
    %c0_i32 = arith.constant 0 : i32
    %c0_i32_0 = arith.constant 0 : i32
    %c0_i32_1 = arith.constant 0 : i32
    return %c0_i32, %c0_i32_0 : i32, i32
  }
  func.func @transform_8(%arg0: i32, %arg1: i32) -> (i32, i32) {
    %c0_i32 = arith.constant 0 : i32
    %c0_i32_0 = arith.constant 0 : i32
    %c0_i32_1 = arith.constant 0 : i32
    return %c0_i32, %c0_i32_0 : i32, i32
  }
  func.func @transform_9(%arg0: i32, %arg1: i32) -> (i32, i32) {
    %c0_i32 = arith.constant 0 : i32
    %c0_i32_0 = arith.constant 0 : i32
    %c0_i32_1 = arith.constant 0 : i32
    return %c0_i32, %c0_i32_0 : i32, i32
  }
  func.func @transform_10(%arg0: i32, %arg1: i32) -> (i32, i32) {
    %c0_i32 = arith.constant 0 : i32
    %c0_i32_0 = arith.constant 0 : i32
    %c0_i32_1 = arith.constant 0 : i32
    return %c0_i32, %c0_i32_0 : i32, i32
  }
  func.func @transform_11(%arg0: i32, %arg1: i32) -> i32 {
    %c0_i32 = arith.constant 0 : i32
    %c0_i32_0 = arith.constant 0 : i32
    return %c0_i32 : i32
  }
  func.func @transform_12(%arg0: i32, %arg1: i32) -> (i32, i32) {
    %c0_i32 = arith.constant 0 : i32
    %c0_i32_0 = arith.constant 0 : i32
    %c0_i32_1 = arith.constant 0 : i32
    return %c0_i32, %c0_i32_0 : i32, i32
  }
  func.func @transform_13(%arg0: i32, %arg1: i32) -> (i32, i32) {
    %c0_i32 = arith.constant 0 : i32
    %c0_i32_0 = arith.constant 0 : i32
    return %arg1, %c0_i32 : i32, i32
  }
}

</mosaic_0001>

<sc_bundles>
// kernel: kernel.4.cloned.1.call-start
scs
__scs_entry_jumppad:
0x0: {  	(pc) =	sbr.rel $0x88, $3  }
0x1: {  	(tag) =	ssettag $0x0;
	lr =	simm.s32 $0x1  }
0x2: {  	[smem:$0x3F92] =	sst lr;
	_ =	strace $0xD0000000  }
0x3: {  	_ = 	snop  }
0x4: {  	_ = 	snop  }
0x5: {  	_ = 	snop  }
0x6: {  	_ = 	snop  }
0x7: {  	_ = 	snop  }
__scs_overlays_trampoline_lowered:
0x8: {  	[smem:$0x3FA1] =	sst s0  }
0x9: {  	[smem:$0x3FA2] =	sst s1  }
0xa: {  	[smem:$0x3FA3] =	sst s2  }
0xb: {  	[smem:$0x3FA4] =	sst s3  }
0xc: {  	[smem:$0x3FA5] =	sst s4  }
0xd: {  	[smem:$0x3FA6] =	sst s5  }
0xe: {  	[smem:$0x3FA7] =	sst s6  }
0xf: {  	[smem:$0x3FA8] =	sst s7  }
0x10: {  	[smem:$0x3FA9] =	sst s8  }
0x11: {  	[smem:$0x3FAA] =	sst s9;
	s0 =	simm.s32 @!p0 $0x0  }
0x12: {  	s1 =	sld [smem:$0x3F90];
	s0 =	simm.s32 @p0 $0x1  }
0x13: {  	[smem:$0x3FAB] =	sst s0;
	s0 =	simm.s32 @!p1 $0x0  }
0x14: {  	s2 =	sld [smem:$0x3F8F];
	s0 =	simm.s32 @p1 $0x1  }
0x15: {  	[smem:$0x3FAC] =	sst s0;
	s0 =	simm.s32 @!p2 $0x0  }
0x16: {  	s3 =	sld [smem:$0x3FDB];
	s0 =	simm.s32 @p2 $0x1  }
0x17: {  	s4 =	simm.s32 $0x1BF5;
	[smem:$0x3FAE] =	sst s0  }
0x18: {  	s0 =	sld [smem:$0x3F91];
	_ =	swait.ge [sflag:s4], $0x0  }
0x19: {  	s7 =	sld [smem:$0x3F92]  }
0x1a: {  	s8 =	sadd.s32 $0xFFFFE003, lr  }
0x1b: {  	s9 =	sadd.s32 $0xFFFFFEF7, lr;
	s5 =	simm.s32 $0xFFFFFFFF;
	p2 =	slt.u32 s8, $0xFFFFF086  }
0x1c: {  	p1 =	slt.u32 s9, $0xF7A;
	s5 =	simm.s32 @!p2 $0x0  }
0x1d: {  	s5 =	simm.s32 @p1 $0x1;
	p0 =	seq.s32 s7, s2  }
0x1e: {  	s7 =	smul.u32 @!p0 $0xF7A, s2;
	p2 =	seq.s32 @!p0 s5, $0x0  }
0x1f: {  	s9 =	smul.u32 $0xF7A, s1;
	s8 =	simm.s32 @!p0 $0x1BF5;
	p2 =	por !p2, p0  }
0x20: {  	[sflag:s8] =	ssyncset.s32 @!p0 $0xFFFFF086;
	s6 =	sadd.s32 @!p0 s3, s7;
	s7 =	simm.s32 @!p0 $0x108  }
0x21: {  	s3 =	sadd.s32 s3, s9;
	s6 =	sadd.s32 @!p0 $0x88, s6;
	s7 =	simm.s32 @p2 $0x1082  }
0x22: {  	[simem:s7], [sflag:s8] =	dma.local @!p0 [hbm:s6], $0xF7A  }
0x23: {  	s9 =	sor.u32 $0xD0000000, s2;
	s6 =	simm.s32 $0x108;
	_ =	swait.ge @!p0 [sflag:s8], $0x0  }
0x24: {  	s3 =	sadd.s32 $0x88, s3;
	s6 =	simm.s32 @!p1 $0x1082;
	[sflag:s4] =	ssyncset.s32 $0xFFFFF086  }
0x25: {  	[simem:s6], [sflag:s4] =	dma.local [hbm:s3], $0xF7A  }
0x26: {  	[smem:$0x3F92] =	sst s1;
	(tag) =	ssettag s2;
	_ =	strace s9  }
0x27: {  	s1 =	sld [smem:$0x3FA2]  }
0x28: {  	s2 =	sld [smem:$0x3FA3]  }
0x29: {  	s4 =	sld [smem:$0x3FA5]  }
0x2a: {  	p0 =	seq.s32 s5, $0x0;
	s5 =	sld [smem:$0x3FA6]  }
0x2b: {  	s6 =	sld [smem:$0x3FA7]  }
0x2c: {  	s7 =	sld [smem:$0x3FA8]  }
0x2d: {  	s3 =	simm.s32 $0x108;
	s8 =	sld [smem:$0x3FA9]  }
0x2e: {  	s3 =	simm.s32 @!p0 $0x1082;
	s9 =	sld [smem:$0x3FAA]  }
0x2f: {  	lr =	sadd.s32 s0, s3;
	s0 =	sld [smem:$0x3FA1]  }
0x30: {  	s3 =	sld [smem:$0x3FA4]  }
0x31: {  	[smem:$0x3FAD] =	sst s10  }
0x32: {  	s10 =	sld [smem:$0x3FAB];
	_ =	sdelay $0x3  }
0x33: {  	p0 =	seq.s32 s10, $0x1;
	s10 =	sld [smem:$0x3FAD];
	_ =	sdelay $0x3  }
0x34: {  	[smem:$0x3FAD] =	sst s10  }
0x35: {  	s10 =	sld [smem:$0x3FAC];
	_ =	sdelay $0x3  }
0x36: {  	p1 =	seq.s32 s10, $0x1;
	s10 =	sld [smem:$0x3FAD];
	_ =	sdelay $0x3  }
0x37: {  	[smem:$0x3FAD] =	sst s10  }
0x38: {  	s10 =	sld [smem:$0x3FAE]  }
0x39: {  	_ = 	snop;
	(pc) =	sbr.ind lr, $3  }
0x3a: {  	_ = 	snop  }
0x3b: {  	_ = 	snop  }
0x3c: {  	p2 =	seq.s32 s10, $0x1;
	s10 =	sld [smem:$0x3FAD]  }
0x3d: {  	_ =	shalt  }
0x3e: {  	_ =	shalt  }
0x3f: {  	_ =	shalt  }
0x40: {  	_ =	shalt  }
0x41: {  	_ =	shalt  }
0x42: {  	_ =	shalt  }
0x43: {  	_ =	shalt  }
0x44: {  	_ =	shalt  }
0x45: {  	_ =	shalt  }
0x46: {  	_ =	shalt  }
0x47: {  	_ =	shalt  }
0x48: {  	_ =	shalt  }
0x49: {  	_ =	shalt  }
0x4a: {  	_ =	shalt  }
0x4b: {  	_ =	shalt  }
0x4c: {  	_ =	shalt  }
0x4d: {  	_ =	shalt  }
0x4e: {  	_ =	shalt  }
0x4f: {  	_ =	shalt  }
0x50: {  	_ =	shalt  }
0x51: {  	_ =	shalt  }
0x52: {  	_ =	shalt  }
0x53: {  	_ =	shalt  }
0x54: {  	_ =	shalt  }
0x55: {  	_ =	shalt  }
0x56: {  	_ =	shalt  }
0x57: {  	_ =	shalt  }
0x58: {  	_ =	shalt  }
0x59: {  	_ =	shalt  }
0x5a: {  	_ =	shalt  }
0x5b: {  	_ =	shalt  }
0x5c: {  	_ =	shalt  }
0x5d: {  	_ =	shalt  }
0x5e: {  	_ =	shalt  }
0x5f: {  	_ =	shalt  }
0x60: {  	_ =	shalt  }
0x61: {  	_ =	shalt  }
0x62: {  	_ =	shalt  }
0x63: {  	_ =	shalt  }
0x64: {  	_ =	shalt  }
0x65: {  	_ =	shalt  }
0x66: {  	_ =	shalt  }
0x67: {  	_ =	shalt  }
0x68: {  	_ =	shalt  }
0x69: {  	_ =	shalt  }
0x6a: {  	_ =	shalt  }
0x6b: {  	_ =	shalt  }
0x6c: {  	_ =	shalt  }
0x6d: {  	_ =	shalt  }
0x6e: {  	_ =	shalt  }
0x6f: {  	_ =	shalt  }
0x70: {  	_ =	shalt  }
0x71: {  	_ =	shalt  }
0x72: {  	_ =	shalt  }
0x73: {  	_ =	shalt  }
0x74: {  	_ =	shalt  }
0x75: {  	_ =	shalt  }
0x76: {  	_ =	shalt  }
0x77: {  	_ =	shalt  }
0x78: {  	_ =	shalt  }
0x79: {  	_ =	shalt  }
0x7a: {  	_ =	shalt  }
0x7b: {  	_ =	shalt  }
0x7c: {  	_ =	shalt  }
0x7d: {  	_ =	shalt  }
0x7e: {  	_ =	shalt  }
0x7f: {  	_ =	shalt  }
0x80: {  	_ =	shalt  }
0x81: {  	_ =	shalt  }
0x82: {  	_ =	shalt  }
0x83: {  	_ =	shalt  }
0x84: {  	_ =	shalt  }
0x85: {  	_ =	shalt  }
0x86: {  	_ =	shalt  }
0x87: {  	_ =	shalt  }
.Lfunc_end0:
.L_simem_size_0:
called_computation_lowered:
.L_overlay_start_0:
0x88: {  	s2 =	sld [smem:$0x3FD9]  }
0x89: {  	s3 =	sld [smem:$0x3FFE];
	_ =	sdelay $0x1  }
0x8a: {  	s1 =	srdreg.scid  }
0x8b: {  	s0 =	sand.u32 $0x1, s1  }
0x8c: {  	s17 =	sshll.u32 s0, $0xA;
	s2 =	sadd.s32 s3, s2  }
0x8d: {  	s2 =	sadd.s32 s2, s17  }
0x8e: {  	[smem:$0x3FB9] =	sst s2  }
0x8f: {  	_ = 	snop  }
0x90: {  	s2 =	sld [smem:$0x3FD0];
	(tm) =	ssettm $0x1  }
0x91: {  	s18 =	sld [smem:$0x3FFB];
	_ =	sdelay $0x3  }
0x92: {  	_ =	strace s18  }
0x93: {  	s3 =	sld [smem:$0x3FFC];
	_ =	sdelay $0x3  }
0x94: {  	_ =	strace s3  }
0x95: {  	s3 =	sld [smem:$0x3FFD];
	_ =	sdelay $0x3  }
0x96: {  	_ =	strace s3  }
0x97: {  	_ =	strace $0x8FFFFFFF  }
0x98: {  	s19 =	sld [smem:$0x3FDB];
	_ =	sdelay $0x1  }
0x99: {  	s4 =	simm.s32 $_scs_section_size  }
0x9a: {  	s5 =	simm.s32 $_size__tile_overlayer_lowered;
	s6 =	simm.s32 $_tile_overlayer_lowered  }
0x9b: {  	s22 =	simm.s32 $0x1BFF;
	s21 =	sshll.u32 s6, $0x1;
	s3 =	sadd.s32 s4, s19  }
0x9c: {  	s7 =	simm.s32 $0x0;
	s20 =	sshll.u32 s5, $0x1;
	s5 =	sadd.s32 s21, s3  }
0x9d: {  	[timem:s7], [sflag:s22] =	dma.local [hbm:s5], s20  }
0x9e: {  	_ =	swait.ge [sflag:s22], s20  }
0x9f: {  	s4 =	ssub.s32 $0x0, s20;
	[sflag:s22] =	ssyncset.done $0x0  }
0xa0: {  	[sflag:s22] =	ssyncadd.s32 s4;
	_ =	sdelay $0x1  }
0xa1: {  	s23 =	simm.s32 $0x1B8B  }
0xa2: {  	_ =	swait.ge [sflag:s23], $0x1  }
0xa3: {  	[sflag:s23] =	ssyncset.done $0x0  }
0xa4: {  	s25 =	simm.s32 $0x1B8E;
	s24 =	sld [smem:$0x3FFE];
	[sflag:s23] =	ssyncadd.s32 $0xFFFFFFFF  }
0xa5: {  	s26 =	simm.s32 $execute0_lowered;
	[smem:$0x3FD2] =	sst s25  }
0xa6: {  	s5 =	sshll.u32 s26, $0x1;
	_ =	strace $0x80000046;
	[dreg:$0x1] =	wrdreg $0xFFFFFFFF  }
0xa7: {  	s28 =	simm.s32 $_size_execute0_lowered;
	s3 =	sadd.s32 s3, s5;
	[dreg:$0x0] =	wrdreg $0x0  }
0xa8: {  	s5 =	sshll.u32 s28, $0x1;
	[dreg:$0x2] =	wrdreg s3  }
0xa9: {  	[dreg:$0x3] =	wrdreg s5  }
0xaa: {  	[dreg:$0x4] =	wrdreg $0xC0  }
0xab: {  	_ =	task [dreg:s7], $0x5FFFF  }
0xac: {  	[dreg:$0x1] =	wrdreg $0xFFFFFFFF  }
0xad: {  	[dreg:$0x0] =	wrdreg $0x60  }
0xae: {  	[dreg:$0x2] =	wrdreg s24  }
0xaf: {  	[dreg:$0x3] =	wrdreg s2  }
0xb0: {  	[dreg:$0x4] =	wrdreg $0x9  }
0xb1: {  	_ =	task.clear_ibuf [dreg:s7], $0x5FFFF;
	_ =	strace $0x90000046  }
0xb2: {  	s29 =	simm.s32 $0x9;
	_ =	strace $0x80000048  }
0xb3: {  	_ =	swait.ge [sflag:s29], $0x1  }
0xb4: {  	[sflag:s29] =	ssyncadd.s32 $0xFFFFFFFF  }
0xb5: {  	_ =	strace $0x90000048  }
0xb6: {  	_ =	sfence  }
0xb7: {  	s30 =	sld [smem:$0x0];
	_ =	sdelay $0x2  }
0xb8: {  	s31 =	sshll.u32 s1, $0xD;
	s1 =	sshrl.u32 s1, $0x2  }
0xb9: {  	s3 =	sand.u32 $0x4000, s31;
	s1 =	sadd.s32 s1, s30  }
0xba: {  	s0 =	sor.u32 s3, s0;
	s1 =	sshll.u32 s1, $0x11  }
0xbb: {  	s0 =	sor.u32 s1, s0  }
0xbc: {  	s0 =	sadd.s32 $0x8F2B, s0  }
0xbd: {  	[sflag:s0] =	ssyncadd.remote.s32 $0x1  }
0xbe: {  	_ =	sfence.sel $0xFFFF  }
0xbf: {  	[dreg:$0x0] =	wrdreg $0xFFFFFFFF;
	(pc) =	sbr.abs _section_cstart, $3  }
0xc0: {  	[dreg:$0x1] =	wrdreg $0xFFFFFFFF  }
0xc1: {  	_ =	task.clear_ibuf [dreg:s7], $0x2FFFF;
	_ =	strace $0x9FFFFFFF  }
0xc2: {  	(tm) =	ssettm $0x7FFFFFFF  }
0xc3: {  	_ =	shalt  }
tec
execute0_lowered:
.L_overlay_start_1:
0x0: {  	(tag) =	ssettag $0x1  }
0x1: {  	s0 =	srdreg.scid;
	s5 =	rddreg [dreg:$0x0]  }
0x2: {  	s12 =	stileid.u32;
	s7 =	rddreg [dreg:$0x1]  }
0x3: {  	s2 =	simm.s32 $0x0;
	s0 =	sand.u32 $0x1, s0;
	s1 =	sshll.u32 s12, $0x1  }
0x4: {  	[smem:$0x7FF] =	sst s2;
	s11 =	smul.u32 $0x6800, s12;
	s1 =	sor.u32 s0, s1  }
0x5: {  	s4 =	sadd.s32 $0xE800, s5;
	s6 =	ssub.s32 $0x2, s0;
	s3 =	smul.u32 $0x3400, s1  }
0x6: {  	s9 =	smul.u32 $0x6800, s1;
	s10 =	sshrl.u32 s6, $0x1;
	s1 =	sshll.u32 s1, $0x6  }
0x7: {  	_ =	strace $0x80000047;
	s10 =	ssub.s32 s6, s10;
	s1 =	sadd.s32 s7, s1  }
0x8: {  	s3 =	sshrl.u32 s3, $0x3;
	[dreg:$0x12] =	wrdreg s1;
	s28 =	smax.u32 s10, $0x1  }
0x9: {  	s8 =	sadd.s32 s3, s5;
	s3 =	sadd.s32 $0xF43C00, s5;
	s5 =	sadd.s32 $0x2D200, s5  }
0xa: {  	[dreg:$0x13] =	wrdreg s28;
	s6 =	sadd.s32 s5, s9;
	s8 =	sadd.s32 $0x1800, s8  }
0xb: {  	s24 =	smul.u32 $0x68000, s12;
	[dreg:$0xa] =	wrdreg s8;
	s14 =	sadd.s32 $0x100, s6  }
0xc: {  	v5 =	vimm.s32 $0x60402;
	v7 =	vimm.s32 $0x1070503;
	v9 =	vimm.s32 $0x2000604;
	s12 =	simm.s32 $0x0;
	s15 =	sadd.s32 $0x200, s6;
	[dreg:$0xb] =	wrdreg s14  }
0xd: {  	v0 =	vlaneseq.u32;
	v11 =	vimm.s32 $0x3010705;
	v13 =	vimm.s32 $0x4020006;
	s13 =	smul.u32 $0x3400, s0;
	s16 =	sadd.s32 $0x300, s6;
	[dreg:$0xc] =	wrdreg s15  }
0xe: {  	v15 =	vimm.s32 $0x5030107;
	v1 =	vand.u32 $0x3, v0;
	v0 =	vmul.u32 $0x1A, v0;
	s0 =	smul.u32 $0x34000, s0;
	s17 =	sadd.s32 $0x400, s6;
	[dreg:$0xd] =	wrdreg s16  }
0xf: {  	v5 =	vunpack.c.0.s8.s32 v5;
	v7 =	vunpack.c.0.s8.s32 v7;
	v9 =	vunpack.c.0.s8.s32 v9;
	s18 =	sadd.s32 s13, s11;
	s19 =	sadd.s32 $0x500, s6;
	[dreg:$0xe] =	wrdreg s17  }
0x10: {  	v11 =	vunpack.c.0.s8.s32 v11;
	v13 =	vunpack.c.0.s8.s32 v13;
	v15 =	vunpack.c.0.s8.s32 v15;
	s0 =	sadd.s32 s0, s24;
	s20 =	sadd.s32 $0x600, s6;
	[dreg:$0xf] =	wrdreg s19  }
0x11: {  	v1 =	vmul.u32 $0x2, v1;
	v2 =	vor.u32 $0x1, v0;
	v4 =	vadd.s32 $0x2, v0;
	s8 =	sshll.u32 s18, $0x1;
	s21 =	sadd.s32 $0x700, s6;
	[dreg:$0x10] =	wrdreg s20  }
0x12: {  	v6 =	vadd.s32 $0x3, v0;
	v8 =	vadd.s32 $0x4, v0;
	v10 =	vadd.s32 $0x5, v0;
	s7 =	simm.s32 $0x380;
	[dreg:$0x11] =	wrdreg s21;
	s22 =	sadd.s32 $0xE00, s8  }
0x13: {  	v12 =	vadd.s32 $0x6, v0;
	v14 =	vadd.s32 $0x7, v0;
	v16 =	vadd.s32 $0x8, v0;
	s11 =	simm.s32 $0x3;
	s23 =	sadd.s32 $0xD00, s8;
	[dreg:$0x8] =	wrdreg s22  }
0x14: {  	v17 =	vadd.s32 $0x9, v0;
	v18 =	vadd.s32 $0xA, v0;
	v19 =	vadd.s32 $0xB, v0;
	s10 =	simm.s32 $0x2;
	s25 =	sadd.s32 $0xC00, s8;
	[dreg:$0x7] =	wrdreg s23  }
0x15: {  	v20 =	vadd.s32 $0xC, v0;
	v21 =	vadd.s32 $0xD, v0;
	v22 =	vadd.s32 $0xE, v0;
	s9 =	simm.s32 $0x1;
	s26 =	sadd.s32 $0xB00, s8;
	[dreg:$0x6] =	wrdreg s25  }
0x16: {  	v23 =	vadd.s32 $0xF, v0;
	v24 =	vadd.s32 $0x10, v0;
	v25 =	vadd.s32 $0x11, v0;
	s18 =	simm.s32 $0x4;
	s29 =	sadd.s32 $0xA00, s8;
	[dreg:$0x5] =	wrdreg s26  }
0x17: {  	v26 =	vadd.s32 $0x12, v0;
	v27 =	vadd.s32 $0x13, v0;
	v28 =	vadd.s32 $0x14, v0;
	s30 =	sadd.s32 $0x900, s8;
	s17 =	sadd.s32 $0x4000, s0;
	[dreg:$0x4] =	wrdreg s29  }
0x18: {  	v29 =	vadd.s32 $0x15, v0;
	v30 =	vadd.s32 $0x16, v0;
	v31 =	vadd.s32 $0x17, v0;
	s31 =	sadd.s32 $0xF00, s8;
	s19 =	simm.s32 $0x80;
	[dreg:$0x3] =	wrdreg s30  }
0x19: {  	v32 =	vadd.s32 $0x18, v0;
	v33 =	vadd.s32 $0x19, v0;
	v3 =	vor.u32 $0x1, v1;
	s21 =	simm.s32 $0xB400;
	s8 =	simm.s32 $0x6C00;
	[dreg:$0x9] =	wrdreg s31  }
.LBB2_1:
0x1a: {  	s0 =	rddreg [dreg:$0xa]  }
0x1b: {  	[tilespmem:s2], [sflag:$0x4] =	stream.linear.gather [hbm4b:s0+s2], $0x3400, $0x38;
	[tilespmem:$0xEA00] =	vst v63  }
0x1c: {  	_ =	swait.ge [sflag:s18], $0x3400  }
0x1d: {  	[sflag:s18] =	ssyncset.done $0x0  }
0x1e: {  	s26 =	simm.s32 $0x3400;
	[sflag:s18] =	ssyncadd.s32 $0xFFFFCC00  }
0x1f: {  	[tilespmem:s26], [sflag:$0x1] =	stream.indirect.gather [hbm4b:s3+s19], $0x10, s2, s19, $0xb8;
	[tilespmem:$0xEA00] =	vst v63  }
0x20: {  	_ = 	snop  }
0x21: {  	[tilespmem:s21], [sflag:$0x2] =	stream.indirect.gather [hbm4b:s4+s19], $0x1, s2, s19, $0xb8;
	[tilespmem:$0xEA00] =	vst v63  }
0x22: {  	s1 =	simm.s32 $0x3C00  }
0x23: {  	[tilespmem:s1], [sflag:$0x1] =	stream.indirect.gather [hbm4b:s3+s19], $0x10, s19, s19, $0xb8;
	[tilespmem:$0xEA00] =	vst v63  }
0x24: {  	s13 =	simm.s32 $0xB480  }
0x25: {  	[tilespmem:s13], [sflag:$0x2] =	stream.indirect.gather [hbm4b:s4+s19], $0x1, s19, s19, $0xb8;
	[tilespmem:$0xEA00] =	vst v63  }
0x26: {  	s28 =	simm.s32 $0x100;
	s14 =	simm.s32 $0x4400  }
0x27: {  	[tilespmem:s14], [sflag:$0x1] =	stream.indirect.gather [hbm4b:s3+s19], $0x10, s28, s19, $0xb8;
	[tilespmem:$0xEA00] =	vst v63  }
0x28: {  	s15 =	simm.s32 $0xB500  }
0x29: {  	[tilespmem:s15], [sflag:$0x2] =	stream.indirect.gather [hbm4b:s4+s19], $0x1, s28, s19, $0xb8;
	[tilespmem:$0xEA00] =	vst v63  }
0x2a: {  	s29 =	simm.s32 $0x180;
	s15 =	simm.s32 $0x4C00  }
0x2b: {  	[tilespmem:s15], [sflag:$0x1] =	stream.indirect.gather [hbm4b:s3+s19], $0x10, s29, s19, $0xb8;
	[tilespmem:$0xEA00] =	vst v63  }
0x2c: {  	s16 =	simm.s32 $0xB580  }
0x2d: {  	[tilespmem:s16], [sflag:$0x2] =	stream.indirect.gather [hbm4b:s4+s19], $0x1, s29, s19, $0xb8;
	[tilespmem:$0xEA00] =	vst v63  }
0x2e: {  	s30 =	simm.s32 $0x200;
	s16 =	simm.s32 $0x5400  }
0x2f: {  	[tilespmem:s16], [sflag:$0x1] =	stream.indirect.gather [hbm4b:s3+s19], $0x10, s30, s19, $0xb8;
	[tilespmem:$0xEA00] =	vst v63  }
0x30: {  	s20 =	simm.s32 $0xB600  }
0x31: {  	[tilespmem:s20], [sflag:$0x2] =	stream.indirect.gather [hbm4b:s4+s19], $0x1, s30, s19, $0xb8;
	[tilespmem:$0xEA00] =	vst v63  }
0x32: {  	s31 =	simm.s32 $0x280;
	s20 =	simm.s32 $0x5C00  }
0x33: {  	[tilespmem:s20], [sflag:$0x1] =	stream.indirect.gather [hbm4b:s3+s19], $0x10, s31, s19, $0xb8;
	[tilespmem:$0xEA00] =	vst v63  }
0x34: {  	s22 =	simm.s32 $0xB680  }
0x35: {  	[tilespmem:s22], [sflag:$0x2] =	stream.indirect.gather [hbm4b:s4+s19], $0x1, s31, s19, $0xb8;
	[tilespmem:$0xEA00] =	vst v63  }
0x36: {  	s24 =	simm.s32 $0x6400;
	s22 =	simm.s32 $0x300  }
0x37: {  	[tilespmem:s24], [sflag:$0x1] =	stream.indirect.gather [hbm4b:s3+s19], $0x10, s22, s19, $0xb8;
	[tilespmem:$0xEA00] =	vst v63  }
0x38: {  	s23 =	simm.s32 $0xB700  }
0x39: {  	[tilespmem:s23], [sflag:$0x2] =	stream.indirect.gather [hbm4b:s4+s19], $0x1, s22, s19, $0xb8;
	[tilespmem:$0xEA00] =	vst v63  }
0x3a: {  	_ = 	snop  }
0x3b: {  	[tilespmem:s8], [sflag:$0x1] =	stream.indirect.gather [hbm4b:s3+s19], $0x10, s7, s19, $0xb8;
	[tilespmem:$0xEA00] =	vst v63  }
0x3c: {  	s25 =	simm.s32 $0xB780  }
0x3d: {  	[tilespmem:s25], [sflag:$0x2] =	stream.indirect.gather [hbm4b:s4+s19], $0x1, s7, s19, $0xb8;
	[tilespmem:$0xEA00] =	vst v63  }
0x3e: {  	_ =	swait.ge [sflag:s9], $0x800  }
0x3f: {  	[sflag:s9] =	ssyncset.done $0x0  }
0x40: {  	[sflag:s9] =	ssyncadd.s32 $0xFFFFF800  }
0x41: {  	_ =	swait.ge [sflag:s10], $0x80  }
0x42: {  	[sflag:s10] =	ssyncset.done $0x0  }
0x43: {  	[sflag:s10] =	ssyncadd.s32 $0xFFFFFF80  }
0x44: {  	_ =	swait.ge [sflag:s9], $0x800  }
0x45: {  	[sflag:s9] =	ssyncset.done $0x0  }
0x46: {  	[sflag:s9] =	ssyncadd.s32 $0xFFFFF800  }
0x47: {  	_ =	swait.ge [sflag:s10], $0x80  }
0x48: {  	[sflag:s10] =	ssyncset.done $0x0  }
0x49: {  	[sflag:s10] =	ssyncadd.s32 $0xFFFFFF80  }
0x4a: {  	_ =	swait.ge [sflag:s9], $0x800  }
0x4b: {  	[sflag:s9] =	ssyncset.done $0x0  }
0x4c: {  	[sflag:s9] =	ssyncadd.s32 $0xFFFFF800  }
0x4d: {  	_ =	swait.ge [sflag:s10], $0x80  }
0x4e: {  	[sflag:s10] =	ssyncset.done $0x0  }
0x4f: {  	[sflag:s10] =	ssyncadd.s32 $0xFFFFFF80  }
0x50: {  	_ =	swait.ge [sflag:s9], $0x800  }
0x51: {  	[sflag:s9] =	ssyncset.done $0x0  }
0x52: {  	[sflag:s9] =	ssyncadd.s32 $0xFFFFF800  }
0x53: {  	_ =	swait.ge [sflag:s10], $0x80  }
0x54: {  	[sflag:s10] =	ssyncset.done $0x0  }
0x55: {  	[sflag:s10] =	ssyncadd.s32 $0xFFFFFF80  }
0x56: {  	_ =	swait.ge [sflag:s9], $0x800  }
0x57: {  	[sflag:s9] =	ssyncset.done $0x0  }
0x58: {  	[sflag:s9] =	ssyncadd.s32 $0xFFFFF800  }
0x59: {  	_ =	swait.ge [sflag:s10], $0x80  }
0x5a: {  	[sflag:s10] =	ssyncset.done $0x0  }
0x5b: {  	[sflag:s10] =	ssyncadd.s32 $0xFFFFFF80  }
0x5c: {  	_ =	swait.ge [sflag:s9], $0x800  }
0x5d: {  	[sflag:s9] =	ssyncset.done $0x0  }
0x5e: {  	[sflag:s9] =	ssyncadd.s32 $0xFFFFF800  }
0x5f: {  	_ =	swait.ge [sflag:s10], $0x80  }
0x60: {  	[sflag:s10] =	ssyncset.done $0x0  }
0x61: {  	[sflag:s10] =	ssyncadd.s32 $0xFFFFFF80  }
0x62: {  	_ =	swait.ge [sflag:s9], $0x800  }
0x63: {  	[sflag:s9] =	ssyncset.done $0x0  }
0x64: {  	[sflag:s9] =	ssyncadd.s32 $0xFFFFF800  }
0x65: {  	_ =	swait.ge [sflag:s10], $0x80  }
0x66: {  	[sflag:s10] =	ssyncset.done $0x0  }
0x67: {  	[sflag:s10] =	ssyncadd.s32 $0xFFFFFF80  }
0x68: {  	_ =	swait.ge [sflag:s9], $0x800  }
0x69: {  	[sflag:s9] =	ssyncset.done $0x0  }
0x6a: {  	[sflag:s9] =	ssyncadd.s32 $0xFFFFF800  }
0x6b: {  	_ =	swait.ge [sflag:s10], $0x80  }
0x6c: {  	[sflag:s10] =	ssyncset.done $0x0  }
0x6d: {  	[sflag:s10] =	ssyncadd.s32 $0xFFFFFF80  }
0x6e: {  	[hbm4b:s6+s2] =	stream.linear.scatter [tilespmem:s26], [sflag:$0x3], $0x800, $0x38;
	[tilespmem:$0xEA00] =	vst v63  }
0x6f: {  	s26 =	rddreg [dreg:$0xb]  }
0x70: {  	[hbm4b:s26+s2] =	stream.linear.scatter [tilespmem:s1], [sflag:$0x3], $0x800, $0x38;
	[tilespmem:$0xEA00] =	vst v63  }
0x71: {  	s28 =	rddreg [dreg:$0xc]  }
0x72: {  	[hbm4b:s28+s2] =	stream.linear.scatter [tilespmem:s14], [sflag:$0x3], $0x800, $0x38;
	[tilespmem:$0xEA00] =	vst v63  }
0x73: {  	s29 =	rddreg [dreg:$0xd]  }
0x74: {  	[hbm4b:s29+s2] =	stream.linear.scatter [tilespmem:s15], [sflag:$0x3], $0x800, $0x38;
	[tilespmem:$0xEA00] =	vst v63  }
0x75: {  	s30 =	rddreg [dreg:$0xe]  }
0x76: {  	[hbm4b:s30+s2] =	stream.linear.scatter [tilespmem:s16], [sflag:$0x3], $0x800, $0x38;
	[tilespmem:$0xEA00] =	vst v63  }
0x77: {  	s31 =	rddreg [dreg:$0xf]  }
0x78: {  	[hbm4b:s31+s2] =	stream.linear.scatter [tilespmem:s20], [sflag:$0x3], $0x800, $0x38;
	[tilespmem:$0xEA00] =	vst v63  }
0x79: {  	s1 =	rddreg [dreg:$0x10];
	s14 =	simm.s32 $0x4000  }
0x7a: {  	[hbm4b:s1+s2] =	stream.linear.scatter [tilespmem:s24], [sflag:$0x3], $0x800, $0x38;
	[tilespmem:$0xEA00] =	vst v63  }
0x7b: {  	s13 =	rddreg [dreg:$0x11];
	s23 =	sand.u32 $0x4000, s14  }
0x7c: {  	[hbm4b:s13+s2] =	stream.linear.scatter [tilespmem:s8], [sflag:$0x3], $0x800, $0x38;
	[tilespmem:$0xEA00] =	vst v63  }
0x7d: {  	s15 =	simm.s32 $0x400;
	s1 =	sor.u32 $0x3400, s23  }
0x7e: {  	[tilespmem:s1], [sflag:$0x1] =	stream.indirect.gather [hbm4b:s3+s19], $0x10, s15, s19, $0xb8;
	[tilespmem:$0xEA00] =	vst v63  }
0x7f: {  	s16 =	simm.s32 $0xB800  }
0x80: {  	[tilespmem:s16], [sflag:$0x2] =	stream.indirect.gather [hbm4b:s4+s19], $0x1, s15, s19, $0xb8;
	[tilespmem:$0xEA00] =	vst v63  }
0x81: {  	s20 =	simm.s32 $0x480;
	s13 =	sor.u32 $0x3C00, s23  }
0x82: {  	[tilespmem:s13], [sflag:$0x1] =	stream.indirect.gather [hbm4b:s3+s19], $0x10, s20, s19, $0xb8;
	[tilespmem:$0xEA00] =	vst v63  }
0x83: {  	s22 =	simm.s32 $0xB880  }
0x84: {  	[tilespmem:s22], [sflag:$0x2] =	stream.indirect.gather [hbm4b:s4+s19], $0x1, s20, s19, $0xb8;
	[tilespmem:$0xEA00] =	vst v63  }
0x85: {  	s14 =	sadd.s32 $0x4400, s23;
	s24 =	simm.s32 $0x500  }
0x86: {  	[tilespmem:s14], [sflag:$0x1] =	stream.indirect.gather [hbm4b:s3+s19], $0x10, s24, s19, $0xb8;
	[tilespmem:$0xEA00] =	vst v63  }
0x87: {  	s25 =	simm.s32 $0xB900  }
0x88: {  	[tilespmem:s25], [sflag:$0x2] =	stream.indirect.gather [hbm4b:s4+s19], $0x1, s24, s19, $0xb8;
	[tilespmem:$0xEA00] =	vst v63  }
0x89: {  	s26 =	simm.s32 $0x580;
	s15 =	sadd.s32 $0x4C00, s23  }
0x8a: {  	[tilespmem:s15], [sflag:$0x1] =	stream.indirect.gather [hbm4b:s3+s19], $0x10, s26, s19, $0xb8;
	[tilespmem:$0xEA00] =	vst v63  }
0x8b: {  	s28 =	simm.s32 $0xB980  }
0x8c: {  	[tilespmem:s28], [sflag:$0x2] =	stream.indirect.gather [hbm4b:s4+s19], $0x1, s26, s19, $0xb8;
	[tilespmem:$0xEA00] =	vst v63  }
0x8d: {  	s29 =	simm.s32 $0x600;
	s16 =	sadd.s32 $0x5400, s23  }
0x8e: {  	[tilespmem:s16], [sflag:$0x1] =	stream.indirect.gather [hbm4b:s3+s19], $0x10, s29, s19, $0xb8;
	[tilespmem:$0xEA00] =	vst v63  }
0x8f: {  	s30 =	simm.s32 $0xBA00  }
0x90: {  	[tilespmem:s30], [sflag:$0x2] =	stream.indirect.gather [hbm4b:s4+s19], $0x1, s29, s19, $0xb8;
	[tilespmem:$0xEA00] =	vst v63  }
0x91: {  	s31 =	simm.s32 $0x680;
	s20 =	sadd.s32 $0x5C00, s23  }
0x92: {  	[tilespmem:s20], [sflag:$0x1] =	stream.indirect.gather [hbm4b:s3+s19], $0x10, s31, s19, $0xb8;
	[tilespmem:$0xEA00] =	vst v63  }
0x93: {  	s24 =	simm.s32 $0xBA80  }
0x94: {  	[tilespmem:s24], [sflag:$0x2] =	stream.indirect.gather [hbm4b:s4+s19], $0x1, s31, s19, $0xb8;
	[tilespmem:$0xEA00] =	vst v63  }
0x95: {  	s0 =	simm.s32 $0x700;
	s22 =	sadd.s32 $0x6400, s23  }
0x96: {  	[tilespmem:s22], [sflag:$0x1] =	stream.indirect.gather [hbm4b:s3+s19], $0x10, s0, s19, $0xb8;
	[tilespmem:$0xEA00] =	vst v63  }
0x97: {  	s25 =	simm.s32 $0xBB00  }
0x98: {  	[tilespmem:s25], [sflag:$0x2] =	stream.indirect.gather [hbm4b:s4+s19], $0x1, s0, s19, $0xb8;
	[tilespmem:$0xEA00] =	vst v63  }
0x99: {  	s23 =	sadd.s32 $0x6C00, s23;
	s26 =	simm.s32 $0x780  }
0x9a: {  	[tilespmem:s23], [sflag:$0x1] =	stream.indirect.gather [hbm4b:s3+s19], $0x10, s26, s19, $0xb8;
	[tilespmem:$0xEA00] =	vst v63  }
0x9b: {  	s28 =	simm.s32 $0xBB80  }
0x9c: {  	[tilespmem:s28], [sflag:$0x2] =	stream.indirect.gather [hbm4b:s4+s19], $0x1, s26, s19, $0xb8;
	[tilespmem:$0xEA00] =	vst v63  }
0x9d: {  	_ =	swait.ge [sflag:s9], $0x800  }
0x9e: {  	[sflag:s9] =	ssyncset.done $0x0  }
0x9f: {  	[sflag:s9] =	ssyncadd.s32 $0xFFFFF800  }
0xa0: {  	_ =	swait.ge [sflag:s10], $0x80  }
0xa1: {  	[sflag:s10] =	ssyncset.done $0x0  }
0xa2: {  	[sflag:s10] =	ssyncadd.s32 $0xFFFFFF80  }
0xa3: {  	_ =	swait.ge [sflag:s9], $0x800  }
0xa4: {  	[sflag:s9] =	ssyncset.done $0x0  }
0xa5: {  	[sflag:s9] =	ssyncadd.s32 $0xFFFFF800  }
0xa6: {  	_ =	swait.ge [sflag:s10], $0x80  }
0xa7: {  	[sflag:s10] =	ssyncset.done $0x0  }
0xa8: {  	[sflag:s10] =	ssyncadd.s32 $0xFFFFFF80  }
0xa9: {  	_ =	swait.ge [sflag:s9], $0x800  }
0xaa: {  	[sflag:s9] =	ssyncset.done $0x0  }
0xab: {  	[sflag:s9] =	ssyncadd.s32 $0xFFFFF800  }
0xac: {  	_ =	swait.ge [sflag:s10], $0x80  }
0xad: {  	[sflag:s10] =	ssyncset.done $0x0  }
0xae: {  	[sflag:s10] =	ssyncadd.s32 $0xFFFFFF80  }
0xaf: {  	_ =	swait.ge [sflag:s9], $0x800  }
0xb0: {  	[sflag:s9] =	ssyncset.done $0x0  }
0xb1: {  	[sflag:s9] =	ssyncadd.s32 $0xFFFFF800  }
0xb2: {  	_ =	swait.ge [sflag:s10], $0x80  }
0xb3: {  	[sflag:s10] =	ssyncset.done $0x0  }
0xb4: {  	[sflag:s10] =	ssyncadd.s32 $0xFFFFFF80  }
0xb5: {  	_ =	swait.ge [sflag:s9], $0x800  }
0xb6: {  	[sflag:s9] =	ssyncset.done $0x0  }
0xb7: {  	[sflag:s9] =	ssyncadd.s32 $0xFFFFF800  }
0xb8: {  	_ =	swait.ge [sflag:s10], $0x80  }
0xb9: {  	[sflag:s10] =	ssyncset.done $0x0  }
0xba: {  	[sflag:s10] =	ssyncadd.s32 $0xFFFFFF80  }
0xbb: {  	_ =	swait.ge [sflag:s9], $0x800  }
0xbc: {  	[sflag:s9] =	ssyncset.done $0x0  }
0xbd: {  	[sflag:s9] =	ssyncadd.s32 $0xFFFFF800  }
0xbe: {  	_ =	swait.ge [sflag:s10], $0x80  }
0xbf: {  	[sflag:s10] =	ssyncset.done $0x0  }
0xc0: {  	[sflag:s10] =	ssyncadd.s32 $0xFFFFFF80  }
0xc1: {  	_ =	swait.ge [sflag:s9], $0x800  }
0xc2: {  	[sflag:s9] =	ssyncset.done $0x0  }
0xc3: {  	[sflag:s9] =	ssyncadd.s32 $0xFFFFF800  }
0xc4: {  	_ =	swait.ge [sflag:s10], $0x80  }
0xc5: {  	[sflag:s10] =	ssyncset.done $0x0  }
0xc6: {  	[sflag:s10] =	ssyncadd.s32 $0xFFFFFF80  }
0xc7: {  	_ =	swait.ge [sflag:s9], $0x800  }
0xc8: {  	[sflag:s9] =	ssyncset.done $0x0  }
0xc9: {  	[sflag:s9] =	ssyncadd.s32 $0xFFFFF800  }
0xca: {  	_ =	swait.ge [sflag:s10], $0x80  }
0xcb: {  	s29 =	sshrl.u32 s17, $0x3;
	[sflag:s10] =	ssyncset.done $0x0  }
0xcc: {  	s24 =	sadd.s32 s5, s29;
	s30 =	rddreg [dreg:$0x3];
	[sflag:s10] =	ssyncadd.s32 $0xFFFFFF80  }
0xcd: {  	[hbm4b:s24+s2] =	stream.linear.scatter [tilespmem:s1], [sflag:$0x3], $0x800, $0x38;
	[tilespmem:$0xEA00] =	vst v63  }
0xce: {  	s31 =	rddreg [dreg:$0x4];
	s0 =	sadd.s32 s5, s30  }
0xcf: {  	[hbm4b:s0+s2] =	stream.linear.scatter [tilespmem:s13], [sflag:$0x3], $0x800, $0x38;
	[tilespmem:$0xEA00] =	vst v63  }
0xd0: {  	s24 =	rddreg [dreg:$0x5];
	s1 =	sadd.s32 s5, s31  }
0xd1: {  	[hbm4b:s1+s2] =	stream.linear.scatter [tilespmem:s14], [sflag:$0x3], $0x800, $0x38;
	[tilespmem:$0xEA00] =	vst v63  }
0xd2: {  	s25 =	rddreg [dreg:$0x6];
	s13 =	sadd.s32 s5, s24  }
0xd3: {  	[hbm4b:s13+s2] =	stream.linear.scatter [tilespmem:s15], [sflag:$0x3], $0x800, $0x38;
	[tilespmem:$0xEA00] =	vst v63  }
0xd4: {  	s26 =	rddreg [dreg:$0x7];
	s1 =	sadd.s32 s5, s25  }
0xd5: {  	[hbm4b:s1+s2] =	stream.linear.scatter [tilespmem:s16], [sflag:$0x3], $0x800, $0x38;
	[tilespmem:$0xEA00] =	vst v63  }
0xd6: {  	s28 =	rddreg [dreg:$0x8];
	s13 =	sadd.s32 s5, s26  }
0xd7: {  	[hbm4b:s13+s2] =	stream.linear.scatter [tilespmem:s20], [sflag:$0x3], $0x800, $0x38;
	[tilespmem:$0xEA00] =	vst v63  }
0xd8: {  	s29 =	rddreg [dreg:$0x9];
	s1 =	sadd.s32 s5, s28  }
0xd9: {  	[hbm4b:s1+s2] =	stream.linear.scatter [tilespmem:s22], [sflag:$0x3], $0x800, $0x38;
	[tilespmem:$0xEA00] =	vst v63  }
0xda: {  	s30 =	sadd.s32 s5, s29  }
0xdb: {  	[hbm4b:s30+s2] =	stream.linear.scatter [tilespmem:s23], [sflag:$0x3], $0x800, $0x38;
	[tilespmem:$0xEA00] =	vst v63  }
0xdc: {  	_ =	swait.ge [sflag:s11], $0x800  }
0xdd: {  	[sflag:s11] =	ssyncset.done $0x0  }
0xde: {  	[sflag:s11] =	ssyncadd.s32 $0xFFFFF800  }
0xdf: {  	_ =	swait.ge [sflag:s11], $0x800  }
0xe0: {  	[sflag:s11] =	ssyncset.done $0x0  }
0xe1: {  	[sflag:s11] =	ssyncadd.s32 $0xFFFFF800  }
0xe2: {  	_ =	swait.ge [sflag:s11], $0x800  }
0xe3: {  	[sflag:s11] =	ssyncset.done $0x0  }
0xe4: {  	[sflag:s11] =	ssyncadd.s32 $0xFFFFF800  }
0xe5: {  	_ =	swait.ge [sflag:s11], $0x800  }
0xe6: {  	[sflag:s11] =	ssyncset.done $0x0  }
0xe7: {  	[sflag:s11] =	ssyncadd.s32 $0xFFFFF800  }
0xe8: {  	_ =	swait.ge [sflag:s11], $0x800  }
0xe9: {  	[sflag:s11] =	ssyncset.done $0x0  }
0xea: {  	[sflag:s11] =	ssyncadd.s32 $0xFFFFF800  }
0xeb: {  	_ =	swait.ge [sflag:s11], $0x800  }
0xec: {  	[sflag:s11] =	ssyncset.done $0x0  }
0xed: {  	[sflag:s11] =	ssyncadd.s32 $0xFFFFF800  }
0xee: {  	_ =	swait.ge [sflag:s11], $0x800  }
0xef: {  	s31 =	simm.s32 $0x8000;
	[sflag:s11] =	ssyncset.done $0x0  }
0xf0: {  	s14 =	sadd.s32 $0x4000, s17;
	s15 =	simm.s32 $0x2000;
	[sflag:s11] =	ssyncadd.s32 $0xFFFFF800  }
0xf1: {  	s26 =	simm.s32 $0x400;
	s16 =	simm.s32 $0x20000;
	_ =	swait.ge [sflag:s11], $0x800  }
0xf2: {  	s13 =	sadd.s32 $0x800, s5;
	s23 =	sand.u32 $0x4000, s31;
	[sflag:s11] =	ssyncset.done $0x0  }
.LBB2_2:
0xf3: {  	s22 =	sor.u32 $0x3400, s23;
	s1 =	sadd.s32 $0x400, s26;
	[sflag:s11] =	ssyncadd.s32 $0xFFFFF800  }
0xf4: {  	[tilespmem:s22], [sflag:$0x1] =	stream.indirect.gather [hbm4b:s3+s19], $0x10, s1, s19, $0xb8;
	[tilespmem:$0xEA00] =	vst v63  }
0xf5: {  	s24 =	sadd.s32 $0xB800, s26  }
0xf6: {  	[tilespmem:s24], [sflag:$0x2] =	stream.indirect.gather [hbm4b:s4+s19], $0x1, s1, s19, $0xb8;
	[tilespmem:$0xEA00] =	vst v63  }
0xf7: {  	s29 =	sadd.s32 $0x480, s26;
	s24 =	sor.u32 $0x3C00, s23  }
0xf8: {  	[tilespmem:s24], [sflag:$0x1] =	stream.indirect.gather [hbm4b:s3+s19], $0x10, s29, s19, $0xb8;
	[tilespmem:$0xEA00] =	vst v63  }
0xf9: {  	s25 =	sadd.s32 $0xB880, s26  }
0xfa: {  	[tilespmem:s25], [sflag:$0x2] =	stream.indirect.gather [hbm4b:s4+s19], $0x1, s29, s19, $0xb8;
	[tilespmem:$0xEA00] =	vst v63  }
0xfb: {  	s30 =	sadd.s32 $0x500, s26;
	s25 =	sadd.s32 $0x4400, s23  }
0xfc: {  	[tilespmem:s25], [sflag:$0x1] =	stream.indirect.gather [hbm4b:s3+s19], $0x10, s30, s19, $0xb8;
	[tilespmem:$0xEA00] =	vst v63  }
0xfd: {  	s28 =	sadd.s32 $0xB900, s26  }
0xfe: {  	[tilespmem:s28], [sflag:$0x2] =	stream.indirect.gather [hbm4b:s4+s19], $0x1, s30, s19, $0xb8;
	[tilespmem:$0xEA00] =	vst v63  }
0xff: {  	s31 =	sadd.s32 $0x580, s26;
	s28 =	sadd.s32 $0x4C00, s23  }
0x100: {  	[tilespmem:s28], [sflag:$0x1] =	stream.indirect.gather [hbm4b:s3+s19], $0x10, s31, s19, $0xb8;
	[tilespmem:$0xEA00] =	vst v63  }
0x101: {  	s29 =	sadd.s32 $0xB980, s26  }
0x102: {  	[tilespmem:s29], [sflag:$0x2] =	stream.indirect.gather [hbm4b:s4+s19], $0x1, s31, s19, $0xb8;
	[tilespmem:$0xEA00] =	vst v63  }
0x103: {  	s0 =	sadd.s32 $0x600, s26;
	s29 =	sadd.s32 $0x5400, s23  }
0x104: {  	[tilespmem:s29], [sflag:$0x1] =	stream.indirect.gather [hbm4b:s3+s19], $0x10, s0, s19, $0xb8;
	[tilespmem:$0xEA00] =	vst v63  }
0x105: {  	s31 =	sadd.s32 $0xBA00, s26  }
0x106: {  	[tilespmem:s31], [sflag:$0x2] =	stream.indirect.gather [hbm4b:s4+s19], $0x1, s0, s19, $0xb8;
	[tilespmem:$0xEA00] =	vst v63  }
0x107: {  	s30 =	sadd.s32 $0x680, s26;
	s31 =	sadd.s32 $0x5C00, s23  }
0x108: {  	[tilespmem:s31], [sflag:$0x1] =	stream.indirect.gather [hbm4b:s3+s19], $0x10, s30, s19, $0xb8;
	[tilespmem:$0xEA00] =	vst v63  }
0x109: {  	s0 =	sadd.s32 $0xBA80, s26  }
0x10a: {  	[tilespmem:s0], [sflag:$0x2] =	stream.indirect.gather [hbm4b:s4+s19], $0x1, s30, s19, $0xb8;
	[tilespmem:$0xEA00] =	vst v63  }
0x10b: {  	s1 =	sadd.s32 $0x6400, s23;
	s0 =	sadd.s32 $0x700, s26  }
0x10c: {  	[tilespmem:s1], [sflag:$0x1] =	stream.indirect.gather [hbm4b:s3+s19], $0x10, s0, s19, $0xb8;
	[tilespmem:$0xEA00] =	vst v63  }
0x10d: {  	s30 =	sadd.s32 $0xBB00, s26  }
0x10e: {  	[tilespmem:s30], [sflag:$0x2] =	stream.indirect.gather [hbm4b:s4+s19], $0x1, s0, s19, $0xb8;
	[tilespmem:$0xEA00] =	vst v63  }
0x10f: {  	s23 =	sadd.s32 $0x6C00, s23;
	s0 =	sadd.s32 $0x780, s26  }
0x110: {  	[tilespmem:s23], [sflag:$0x1] =	stream.indirect.gather [hbm4b:s3+s19], $0x10, s0, s19, $0xb8;
	[tilespmem:$0xEA00] =	vst v63  }
0x111: {  	s30 =	sadd.s32 $0xBB80, s26  }
0x112: {  	[tilespmem:s30], [sflag:$0x2] =	stream.indirect.gather [hbm4b:s4+s19], $0x1, s0, s19, $0xb8;
	[tilespmem:$0xEA00] =	vst v63  }
0x113: {  	_ =	swait.ge [sflag:s9], $0x800  }
0x114: {  	[sflag:s9] =	ssyncset.done $0x0  }
0x115: {  	[sflag:s9] =	ssyncadd.s32 $0xFFFFF800  }
0x116: {  	_ =	swait.ge [sflag:s10], $0x80  }
0x117: {  	[sflag:s10] =	ssyncset.done $0x0  }
0x118: {  	[sflag:s10] =	ssyncadd.s32 $0xFFFFFF80  }
0x119: {  	_ =	swait.ge [sflag:s9], $0x800  }
0x11a: {  	[sflag:s9] =	ssyncset.done $0x0  }
0x11b: {  	[sflag:s9] =	ssyncadd.s32 $0xFFFFF800  }
0x11c: {  	_ =	swait.ge [sflag:s10], $0x80  }
0x11d: {  	[sflag:s10] =	ssyncset.done $0x0  }
0x11e: {  	[sflag:s10] =	ssyncadd.s32 $0xFFFFFF80  }
0x11f: {  	_ =	swait.ge [sflag:s9], $0x800  }
0x120: {  	[sflag:s9] =	ssyncset.done $0x0  }
0x121: {  	[sflag:s9] =	ssyncadd.s32 $0xFFFFF800  }
0x122: {  	_ =	swait.ge [sflag:s10], $0x80  }
0x123: {  	[sflag:s10] =	ssyncset.done $0x0  }
0x124: {  	[sflag:s10] =	ssyncadd.s32 $0xFFFFFF80  }
0x125: {  	_ =	swait.ge [sflag:s9], $0x800  }
0x126: {  	[sflag:s9] =	ssyncset.done $0x0  }
0x127: {  	[sflag:s9] =	ssyncadd.s32 $0xFFFFF800  }
0x128: {  	_ =	swait.ge [sflag:s10], $0x80  }
0x129: {  	[sflag:s10] =	ssyncset.done $0x0  }
0x12a: {  	[sflag:s10] =	ssyncadd.s32 $0xFFFFFF80  }
0x12b: {  	_ =	swait.ge [sflag:s9], $0x800  }
0x12c: {  	[sflag:s9] =	ssyncset.done $0x0  }
0x12d: {  	[sflag:s9] =	ssyncadd.s32 $0xFFFFF800  }
0x12e: {  	_ =	swait.ge [sflag:s10], $0x80  }
0x12f: {  	[sflag:s10] =	ssyncset.done $0x0  }
0x130: {  	[sflag:s10] =	ssyncadd.s32 $0xFFFFFF80  }
0x131: {  	_ =	swait.ge [sflag:s9], $0x800  }
0x132: {  	[sflag:s9] =	ssyncset.done $0x0  }
0x133: {  	[sflag:s9] =	ssyncadd.s32 $0xFFFFF800  }
0x134: {  	_ =	swait.ge [sflag:s10], $0x80  }
0x135: {  	[sflag:s10] =	ssyncset.done $0x0  }
0x136: {  	[sflag:s10] =	ssyncadd.s32 $0xFFFFFF80  }
0x137: {  	_ =	swait.ge [sflag:s9], $0x800  }
0x138: {  	[sflag:s9] =	ssyncset.done $0x0  }
0x139: {  	[sflag:s9] =	ssyncadd.s32 $0xFFFFF800  }
0x13a: {  	_ =	swait.ge [sflag:s10], $0x80  }
0x13b: {  	[sflag:s10] =	ssyncset.done $0x0  }
0x13c: {  	[sflag:s10] =	ssyncadd.s32 $0xFFFFFF80  }
0x13d: {  	_ =	swait.ge [sflag:s9], $0x800  }
0x13e: {  	[sflag:s9] =	ssyncset.done $0x0  }
0x13f: {  	[sflag:s9] =	ssyncadd.s32 $0xFFFFF800  }
0x140: {  	_ =	swait.ge [sflag:s10], $0x80  }
0x141: {  	s30 =	sshrl.u32 s14, $0x3;
	[sflag:s10] =	ssyncset.done $0x0  }
0x142: {  	s0 =	sadd.s32 s5, s30;
	s26 =	rddreg [dreg:$0x3];
	[sflag:s10] =	ssyncadd.s32 $0xFFFFFF80  }
0x143: {  	[hbm4b:s0+s2] =	stream.linear.scatter [tilespmem:s22], [sflag:$0x3], $0x800, $0x38;
	[tilespmem:$0xEA00] =	vst v63  }
0x144: {  	s30 =	rddreg [dreg:$0x4];
	s22 =	sadd.s32 s13, s26  }
0x145: {  	[hbm4b:s22+s2] =	stream.linear.scatter [tilespmem:s24], [sflag:$0x3], $0x800, $0x38;
	[tilespmem:$0xEA00] =	vst v63  }
0x146: {  	s30 =	sadd.s32 s13, s30;
	s26 =	rddreg [dreg:$0x5]  }
0x147: {  	[hbm4b:s30+s2] =	stream.linear.scatter [tilespmem:s25], [sflag:$0x3], $0x800, $0x38;
	[tilespmem:$0xEA00] =	vst v63  }
0x148: {  	s26 =	sadd.s32 s13, s26;
	s24 =	rddreg [dreg:$0x6]  }
0x149: {  	[hbm4b:s26+s2] =	stream.linear.scatter [tilespmem:s28], [sflag:$0x3], $0x800, $0x38;
	[tilespmem:$0xEA00] =	vst v63  }
0x14a: {  	s24 =	sadd.s32 s13, s24;
	s30 =	rddreg [dreg:$0x7]  }
0x14b: {  	[hbm4b:s24+s2] =	stream.linear.scatter [tilespmem:s29], [sflag:$0x3], $0x800, $0x38;
	[tilespmem:$0xEA00] =	vst v63  }
0x14c: {  	s25 =	rddreg [dreg:$0x8];
	s26 =	sadd.s32 s13, s30  }
0x14d: {  	[hbm4b:s26+s2] =	stream.linear.scatter [tilespmem:s31], [sflag:$0x3], $0x800, $0x38;
	[tilespmem:$0xEA00] =	vst v63  }
0x14e: {  	s28 =	rddreg [dreg:$0x9];
	s29 =	sadd.s32 s13, s25  }
0x14f: {  	[hbm4b:s29+s2] =	stream.linear.scatter [tilespmem:s1], [sflag:$0x3], $0x800, $0x38;
	[tilespmem:$0xEA00] =	vst v63  }
0x150: {  	s30 =	sadd.s32 s13, s28  }
0x151: {  	[hbm4b:s30+s2] =	stream.linear.scatter [tilespmem:s23], [sflag:$0x3], $0x800, $0x38;
	[tilespmem:$0xEA00] =	vst v63  }
0x152: {  	_ =	swait.ge [sflag:s11], $0x800  }
0x153: {  	[sflag:s11] =	ssyncset.done $0x0  }
0x154: {  	[sflag:s11] =	ssyncadd.s32 $0xFFFFF800  }
0x155: {  	_ =	swait.ge [sflag:s11], $0x800  }
0x156: {  	[sflag:s11] =	ssyncset.done $0x0  }
0x157: {  	[sflag:s11] =	ssyncadd.s32 $0xFFFFF800  }
0x158: {  	_ =	swait.ge [sflag:s11], $0x800  }
0x159: {  	[sflag:s11] =	ssyncset.done $0x0  }
0x15a: {  	[sflag:s11] =	ssyncadd.s32 $0xFFFFF800  }
0x15b: {  	_ =	swait.ge [sflag:s11], $0x800  }
0x15c: {  	[sflag:s11] =	ssyncset.done $0x0  }
0x15d: {  	[sflag:s11] =	ssyncadd.s32 $0xFFFFF800  }
0x15e: {  	_ =	swait.ge [sflag:s11], $0x800  }
0x15f: {  	[sflag:s11] =	ssyncset.done $0x0  }
0x160: {  	[sflag:s11] =	ssyncadd.s32 $0xFFFFF800  }
0x161: {  	_ =	swait.ge [sflag:s11], $0x800  }
0x162: {  	[sflag:s11] =	ssyncset.done $0x0  }
0x163: {  	p0 =	sne.s32 s15, $0xB000;
	[sflag:s11] =	ssyncadd.s32 $0xFFFFF800  }
.Ltmp0:
0x164: {  	_ =	swait.ge [sflag:s11], $0x800;
	(pc) =	sbr.rel @p0 .LBB2_2-.Ltmp0, $4  }
0x165: {  	s20 =	smov.u32 s15;
	s15 =	sadd.s32 $0x1000, s15;
	[sflag:s11] =	ssyncset.done $0x0  }
0x166: {  	s16 =	sadd.s32 $0x10000, s16;
	s14 =	sadd.s32 $0x4000, s14;
	[sflag:s11] =	ssyncadd.s32 $0xFFFFF800  }
0x167: {  	s13 =	sadd.s32 $0x800, s13;
	s31 =	sshrl.u32 s16, $0x2;
	_ =	swait.ge [sflag:s11], $0x800  }
0x168: {  	s26 =	sshra.s32 s20, $0x2;
	s23 =	sand.u32 $0x4000, s31;
	[sflag:s11] =	ssyncset.done $0x0  }
0x169: {  	s1 =	sor.u32 $0x3400, s23;
	s0 =	sadd.s32 $0x400, s26;
	[sflag:s11] =	ssyncadd.s32 $0xFFFFF800  }
0x16a: {  	[tilespmem:s1], [sflag:$0x1] =	stream.indirect.gather [hbm4b:s3+s19], $0x10, s0, s19, $0xb8;
	[tilespmem:$0xEA00] =	vst v63  }
0x16b: {  	s15 =	sadd.s32 $0xB800, s26  }
0x16c: {  	[tilespmem:s15], [sflag:$0x2] =	stream.indirect.gather [hbm4b:s4+s19], $0x1, s0, s19, $0xb8;
	[tilespmem:$0xEA00] =	vst v63  }
0x16d: {  	s22 =	sadd.s32 $0x480, s26;
	s15 =	sor.u32 $0x3C00, s23  }
0x16e: {  	[tilespmem:s15], [sflag:$0x1] =	stream.indirect.gather [hbm4b:s3+s19], $0x10, s22, s19, $0xb8;
	[tilespmem:$0xEA00] =	vst v63  }
0x16f: {  	s16 =	sadd.s32 $0xB880, s26  }
0x170: {  	[tilespmem:s16], [sflag:$0x2] =	stream.indirect.gather [hbm4b:s4+s19], $0x1, s22, s19, $0xb8;
	[tilespmem:$0xEA00] =	vst v63  }
0x171: {  	s24 =	sadd.s32 $0x500, s26;
	s16 =	sadd.s32 $0x4400, s23  }
0x172: {  	[tilespmem:s16], [sflag:$0x1] =	stream.indirect.gather [hbm4b:s3+s19], $0x10, s24, s19, $0xb8;
	[tilespmem:$0xEA00] =	vst v63  }
0x173: {  	s20 =	sadd.s32 $0xB900, s26  }
0x174: {  	[tilespmem:s20], [sflag:$0x2] =	stream.indirect.gather [hbm4b:s4+s19], $0x1, s24, s19, $0xb8;
	[tilespmem:$0xEA00] =	vst v63  }
0x175: {  	s25 =	sadd.s32 $0x580, s26;
	s20 =	sadd.s32 $0x4C00, s23  }
0x176: {  	[tilespmem:s20], [sflag:$0x1] =	stream.indirect.gather [hbm4b:s3+s19], $0x10, s25, s19, $0xb8;
	[tilespmem:$0xEA00] =	vst v63  }
0x177: {  	s22 =	sadd.s32 $0xB980, s26  }
0x178: {  	[tilespmem:s22], [sflag:$0x2] =	stream.indirect.gather [hbm4b:s4+s19], $0x1, s25, s19, $0xb8;
	[tilespmem:$0xEA00] =	vst v63  }
0x179: {  	s28 =	sadd.s32 $0x600, s26;
	s22 =	sadd.s32 $0x5400, s23  }
0x17a: {  	[tilespmem:s22], [sflag:$0x1] =	stream.indirect.gather [hbm4b:s3+s19], $0x10, s28, s19, $0xb8;
	[tilespmem:$0xEA00] =	vst v63  }
0x17b: {  	s24 =	sadd.s32 $0xBA00, s26  }
0x17c: {  	[tilespmem:s24], [sflag:$0x2] =	stream.indirect.gather [hbm4b:s4+s19], $0x1, s28, s19, $0xb8;
	[tilespmem:$0xEA00] =	vst v63  }
0x17d: {  	s29 =	sadd.s32 $0x680, s26;
	s24 =	sadd.s32 $0x5C00, s23  }
0x17e: {  	[tilespmem:s24], [sflag:$0x1] =	stream.indirect.gather [hbm4b:s3+s19], $0x10, s29, s19, $0xb8;
	[tilespmem:$0xEA00] =	vst v63  }
0x17f: {  	s25 =	sadd.s32 $0xBA80, s26  }
0x180: {  	[tilespmem:s25], [sflag:$0x2] =	stream.indirect.gather [hbm4b:s4+s19], $0x1, s29, s19, $0xb8;
	[tilespmem:$0xEA00] =	vst v63  }
0x181: {  	s30 =	sadd.s32 $0x700, s26;
	s25 =	sadd.s32 $0x6400, s23  }
0x182: {  	[tilespmem:s25], [sflag:$0x1] =	stream.indirect.gather [hbm4b:s3+s19], $0x10, s30, s19, $0xb8;
	[tilespmem:$0xEA00] =	vst v63  }
0x183: {  	s28 =	sadd.s32 $0xBB00, s26  }
0x184: {  	[tilespmem:s28], [sflag:$0x2] =	stream.indirect.gather [hbm4b:s4+s19], $0x1, s30, s19, $0xb8;
	[tilespmem:$0xEA00] =	vst v63  }
0x185: {  	s31 =	sadd.s32 $0x780, s26;
	s23 =	sadd.s32 $0x6C00, s23  }
0x186: {  	[tilespmem:s23], [sflag:$0x1] =	stream.indirect.gather [hbm4b:s3+s19], $0x10, s31, s19, $0xb8;
	[tilespmem:$0xEA00] =	vst v63  }
0x187: {  	s28 =	sadd.s32 $0xBB80, s26  }
0x188: {  	[tilespmem:s28], [sflag:$0x2] =	stream.indirect.gather [hbm4b:s4+s19], $0x1, s31, s19, $0xb8;
	[tilespmem:$0xEA00] =	vst v63  }
0x189: {  	_ =	swait.ge [sflag:s9], $0x800  }
0x18a: {  	[sflag:s9] =	ssyncset.done $0x0  }
0x18b: {  	[sflag:s9] =	ssyncadd.s32 $0xFFFFF800  }
0x18c: {  	_ =	swait.ge [sflag:s10], $0x80  }
0x18d: {  	[sflag:s10] =	ssyncset.done $0x0  }
0x18e: {  	[sflag:s10] =	ssyncadd.s32 $0xFFFFFF80  }
0x18f: {  	_ =	swait.ge [sflag:s9], $0x800  }
0x190: {  	[sflag:s9] =	ssyncset.done $0x0  }
0x191: {  	[sflag:s9] =	ssyncadd.s32 $0xFFFFF800  }
0x192: {  	_ =	swait.ge [sflag:s10], $0x80  }
0x193: {  	[sflag:s10] =	ssyncset.done $0x0  }
0x194: {  	[sflag:s10] =	ssyncadd.s32 $0xFFFFFF80  }
0x195: {  	_ =	swait.ge [sflag:s9], $0x800  }
0x196: {  	[sflag:s9] =	ssyncset.done $0x0  }
0x197: {  	[sflag:s9] =	ssyncadd.s32 $0xFFFFF800  }
0x198: {  	_ =	swait.ge [sflag:s10], $0x80  }
0x199: {  	[sflag:s10] =	ssyncset.done $0x0  }
0x19a: {  	[sflag:s10] =	ssyncadd.s32 $0xFFFFFF80  }
0x19b: {  	_ =	swait.ge [sflag:s9], $0x800  }
0x19c: {  	[sflag:s9] =	ssyncset.done $0x0  }
0x19d: {  	[sflag:s9] =	ssyncadd.s32 $0xFFFFF800  }
0x19e: {  	_ =	swait.ge [sflag:s10], $0x80  }
0x19f: {  	[sflag:s10] =	ssyncset.done $0x0  }
0x1a0: {  	[sflag:s10] =	ssyncadd.s32 $0xFFFFFF80  }
0x1a1: {  	_ =	swait.ge [sflag:s9], $0x800  }
0x1a2: {  	[sflag:s9] =	ssyncset.done $0x0  }
0x1a3: {  	[sflag:s9] =	ssyncadd.s32 $0xFFFFF800  }
0x1a4: {  	_ =	swait.ge [sflag:s10], $0x80  }
0x1a5: {  	[sflag:s10] =	ssyncset.done $0x0  }
0x1a6: {  	[sflag:s10] =	ssyncadd.s32 $0xFFFFFF80  }
0x1a7: {  	_ =	swait.ge [sflag:s9], $0x800  }
0x1a8: {  	[sflag:s9] =	ssyncset.done $0x0  }
0x1a9: {  	[sflag:s9] =	ssyncadd.s32 $0xFFFFF800  }
0x1aa: {  	_ =	swait.ge [sflag:s10], $0x80  }
0x1ab: {  	[sflag:s10] =	ssyncset.done $0x0  }
0x1ac: {  	[sflag:s10] =	ssyncadd.s32 $0xFFFFFF80  }
0x1ad: {  	_ =	swait.ge [sflag:s9], $0x800  }
0x1ae: {  	[sflag:s9] =	ssyncset.done $0x0  }
0x1af: {  	[sflag:s9] =	ssyncadd.s32 $0xFFFFF800  }
0x1b0: {  	_ =	swait.ge [sflag:s10], $0x80  }
0x1b1: {  	[sflag:s10] =	ssyncset.done $0x0  }
0x1b2: {  	[sflag:s10] =	ssyncadd.s32 $0xFFFFFF80  }
0x1b3: {  	_ =	swait.ge [sflag:s9], $0x800  }
0x1b4: {  	[sflag:s9] =	ssyncset.done $0x0  }
0x1b5: {  	[sflag:s9] =	ssyncadd.s32 $0xFFFFF800  }
0x1b6: {  	_ =	swait.ge [sflag:s10], $0x80  }
0x1b7: {  	s29 =	sshrl.u32 s14, $0x3;
	[sflag:s10] =	ssyncset.done $0x0  }
0x1b8: {  	s0 =	sadd.s32 s5, s29;
	s30 =	rddreg [dreg:$0x3];
	[sflag:s10] =	ssyncadd.s32 $0xFFFFFF80  }
0x1b9: {  	[hbm4b:s0+s2] =	stream.linear.scatter [tilespmem:s1], [sflag:$0x3], $0x800, $0x38;
	[tilespmem:$0xEA00] =	vst v63  }
0x1ba: {  	s31 =	rddreg [dreg:$0x4];
	s1 =	sadd.s32 s13, s30  }
0x1bb: {  	[hbm4b:s1+s2] =	stream.linear.scatter [tilespmem:s15], [sflag:$0x3], $0x800, $0x38;
	[tilespmem:$0xEA00] =	vst v63  }
0x1bc: {  	s14 =	rddreg [dreg:$0x5];
	s28 =	sadd.s32 s13, s31  }
0x1bd: {  	[hbm4b:s28+s2] =	stream.linear.scatter [tilespmem:s16], [sflag:$0x3], $0x800, $0x38;
	[tilespmem:$0xEA00] =	vst v63  }
0x1be: {  	s29 =	rddreg [dreg:$0x6];
	s30 =	sadd.s32 s13, s14  }
0x1bf: {  	[hbm4b:s30+s2] =	stream.linear.scatter [tilespmem:s20], [sflag:$0x3], $0x800, $0x38;
	[tilespmem:$0xEA00] =	vst v63  }
0x1c0: {  	s31 =	rddreg [dreg:$0x7];
	s15 =	sadd.s32 s13, s29  }
0x1c1: {  	[hbm4b:s15+s2] =	stream.linear.scatter [tilespmem:s22], [sflag:$0x3], $0x800, $0x38;
	[tilespmem:$0xEA00] =	vst v63  }
0x1c2: {  	s16 =	rddreg [dreg:$0x8];
	s20 =	sadd.s32 s13, s31  }
0x1c3: {  	[hbm4b:s20+s2] =	stream.linear.scatter [tilespmem:s24], [sflag:$0x3], $0x800, $0x38;
	[tilespmem:$0xEA00] =	vst v63  }
0x1c4: {  	s26 =	sadd.s32 s13, s16;
	s22 =	rddreg [dreg:$0x9]  }
0x1c5: {  	[hbm4b:s26+s2] =	stream.linear.scatter [tilespmem:s25], [sflag:$0x3], $0x800, $0x38;
	[tilespmem:$0xEA00] =	vst v63  }
0x1c6: {  	s28 =	sadd.s32 s13, s22  }
0x1c7: {  	[hbm4b:s28+s2] =	stream.linear.scatter [tilespmem:s23], [sflag:$0x3], $0x800, $0x38;
	[tilespmem:$0xEA00] =	vst v63  }
0x1c8: {  	_ =	swait.ge [sflag:s11], $0x800  }
0x1c9: {  	[sflag:s11] =	ssyncset.done $0x0  }
0x1ca: {  	[sflag:s11] =	ssyncadd.s32 $0xFFFFF800  }
0x1cb: {  	_ =	swait.ge [sflag:s11], $0x800  }
0x1cc: {  	[sflag:s11] =	ssyncset.done $0x0  }
0x1cd: {  	[sflag:s11] =	ssyncadd.s32 $0xFFFFF800  }
0x1ce: {  	_ =	swait.ge [sflag:s11], $0x800  }
0x1cf: {  	[sflag:s11] =	ssyncset.done $0x0  }
0x1d0: {  	[sflag:s11] =	ssyncadd.s32 $0xFFFFF800  }
0x1d1: {  	_ =	swait.ge [sflag:s11], $0x800  }
0x1d2: {  	[sflag:s11] =	ssyncset.done $0x0  }
0x1d3: {  	[sflag:s11] =	ssyncadd.s32 $0xFFFFF800  }
0x1d4: {  	_ =	swait.ge [sflag:s11], $0x800  }
0x1d5: {  	[sflag:s11] =	ssyncset.done $0x0  }
0x1d6: {  	[sflag:s11] =	ssyncadd.s32 $0xFFFFF800  }
0x1d7: {  	_ =	swait.ge [sflag:s11], $0x800  }
0x1d8: {  	[sflag:s11] =	ssyncset.done $0x0  }
0x1d9: {  	[sflag:s11] =	ssyncadd.s32 $0xFFFFF800  }
0x1da: {  	_ =	swait.ge [sflag:s11], $0x800  }
0x1db: {  	[sflag:s11] =	ssyncset.done $0x0  }
0x1dc: {  	[sflag:s11] =	ssyncadd.s32 $0xFFFFF800  }
0x1dd: {  	_ =	swait.ge [sflag:s11], $0x800  }
0x1de: {  	[sflag:s11] =	ssyncset.done $0x0  }
0x1df: {  	[sflag:s11] =	ssyncadd.s32 $0xFFFFF800  }
0x1e0: {  	_ =	swait.ge [sflag:s11], $0x800  }
0x1e1: {  	[sflag:s11] =	ssyncset.done $0x0  }
0x1e2: {  	[sflag:s11] =	ssyncadd.s32 $0xFFFFF800  }
0x1e3: {  	_ =	swait.ge [sflag:s11], $0x800  }
0x1e4: {  	[sflag:s11] =	ssyncset.done $0x0  }
0x1e5: {  	[sflag:s11] =	ssyncadd.s32 $0xFFFFF800  }
0x1e6: {  	_ =	swait.ge [sflag:s11], $0x800  }
0x1e7: {  	[sflag:s11] =	ssyncset.done $0x0  }
0x1e8: {  	[sflag:s11] =	ssyncadd.s32 $0xFFFFF800  }
0x1e9: {  	_ =	swait.ge [sflag:s11], $0x800  }
0x1ea: {  	[sflag:s11] =	ssyncset.done $0x0  }
0x1eb: {  	s29 =	simm.s32 $0x0;
	[sflag:s11] =	ssyncadd.s32 $0xFFFFF800  }
0x1ec: {  	v34 =	vmov s29;
	_ =	swait.ge [sflag:s11], $0x800  }
0x1ed: {  	v34 =	vmul.u32 $0x1A, v34;
	[sflag:s11] =	ssyncset.done $0x0  }
0x1ee: {  	[sflag:s11] =	ssyncadd.s32 $0xFFFFF800  }
0x1ef: {  	v34 =	vbroadcast v34, $0x0;
	_ =	swait.ge [sflag:s11], $0x800  }
0x1f0: {  	[sflag:s11] =	ssyncset.done $0x0  }
0x1f1: {  	v35 =	vadd.s32 v0, v34;
	[sflag:s11] =	ssyncadd.s32 $0xFFFFF800  }
0x1f2: {  	v35 =	vand.u32 $0xFFFFFFF8, v35;
	_ =	swait.ge [sflag:s11], $0x800  }
0x1f3: {  	v36 =	vadd.s32 v2, v34;
	v35 =	vor.u32 v1, v35;
	[sflag:s11] =	ssyncset.done $0x0  }
0x1f4: {  	v36 =	vand.u32 $0xFFFFFFF8, v36;
	[sflag:s11] =	ssyncadd.s32 $0xFFFFF800  }
0x1f5: {  	v37 =	vadd.s32 v4, v34;
	v36 =	vor.u32 v3, v36;
	_ =	swait.ge [sflag:s11], $0x800  }
0x1f6: {  	v37 =	vand.u32 $0xFFFFFFF8, v37;
	[sflag:s11] =	ssyncset.done $0x0  }
0x1f7: {  	v38 =	vadd.s32 v6, v34;
	v37 =	vor.u32 v5, v37;
	[sflag:s11] =	ssyncadd.s32 $0xFFFFF800  }
0x1f8: {  	v38 =	vand.u32 $0xFFFFFFF8, v38;
	v35 =	vld.idx.msk [tilespmem:v35+s21+$0x0], $0xffff  }
0x1f9: {  	v39 =	vadd.s32 v8, v34;
	v38 =	vor.u32 v7, v38  }
0x1fa: {  	v39 =	vand.u32 $0xFFFFFFF8, v39;
	v36 =	vld.idx.msk [tilespmem:v36+s21+$0x0], $0xffff  }
0x1fb: {  	v40 =	vadd.s32 v10, v34;
	v39 =	vor.u32 v9, v39  }
0x1fc: {  	v40 =	vand.u32 $0xFFFFFFF8, v40;
	v37 =	vld.idx.msk [tilespmem:v37+s21+$0x0], $0xffff  }
0x1fd: {  	v41 =	vadd.s32 v12, v34;
	v40 =	vor.u32 v11, v40;
	v35 =	vadd.f32 $0.0e+00, v35  }
0x1fe: {  	v41 =	vand.u32 $0xFFFFFFF8, v41;
	v38 =	vld.idx.msk [tilespmem:v38+s21+$0x0], $0xffff  }
0x1ff: {  	v42 =	vadd.s32 v14, v34;
	v41 =	vor.u32 v13, v41;
	v35 =	vadd.f32 v36, v35  }
0x200: {  	v47 =	vand.u32 $0xFFFFFFF8, v42;
	v46 =	vld.idx.msk [tilespmem:v39+s21+$0x0], $0xffff  }
0x201: {  	v48 =	vadd.s32 v16, v34;
	v39 =	vor.u32 v15, v47;
	v35 =	vadd.f32 v37, v35  }
0x202: {  	v50 =	vand.u32 $0xFFFFFFF8, v48;
	v49 =	vld.idx.msk [tilespmem:v40+s21+$0x0], $0xffff  }
0x203: {  	v51 =	vadd.s32 v17, v34;
	v40 =	vor.u32 v1, v50;
	v35 =	vadd.f32 v38, v35  }
0x204: {  	v53 =	vand.u32 $0xFFFFFFF8, v51;
	v52 =	vld.idx.msk [tilespmem:v41+s21+$0x0], $0xffff  }
0x205: {  	v54 =	vadd.s32 v18, v34;
	v41 =	vor.u32 v3, v53;
	v35 =	vadd.f32 v46, v35  }
0x206: {  	v56 =	vand.u32 $0xFFFFFFF8, v54;
	v55 =	vld.idx.msk [tilespmem:v39+s21+$0x0], $0xffff  }
0x207: {  	v57 =	vadd.s32 v19, v34;
	v39 =	vor.u32 v5, v56;
	v35 =	vadd.f32 v49, v35  }
0x208: {  	v59 =	vand.u32 $0xFFFFFFF8, v57;
	v58 =	vld.idx.msk [tilespmem:v40+s21+$0x0], $0xffff  }
0x209: {  	v60 =	vadd.s32 v20, v34;
	v40 =	vor.u32 v7, v59;
	v35 =	vadd.f32 v52, v35  }
0x20a: {  	v62 =	vand.u32 $0xFFFFFFF8, v60;
	v61 =	vld.idx.msk [tilespmem:v41+s21+$0x0], $0xffff  }
0x20b: {  	v63 =	vadd.s32 v21, v34;
	v41 =	vor.u32 v9, v62;
	v35 =	vadd.f32 v55, v35  }
0x20c: {  	v45 =	vld.idx.msk [tilespmem:v39+s21+$0x0], $0xffff;
	v46 =	vand.u32 $0xFFFFFFF8, v63  }
0x20d: {  	v47 =	vadd.s32 v22, v34;
	v39 =	vor.u32 v11, v46;
	v35 =	vadd.f32 v58, v35  }
0x20e: {  	v48 =	vld.idx.msk [tilespmem:v40+s21+$0x0], $0xffff;
	v49 =	vand.u32 $0xFFFFFFF8, v47  }
0x20f: {  	v50 =	vadd.s32 v23, v34;
	v40 =	vor.u32 v13, v49;
	v35 =	vadd.f32 v61, v35  }
0x210: {  	v51 =	vld.idx.msk [tilespmem:v41+s21+$0x0], $0xffff;
	v52 =	vand.u32 $0xFFFFFFF8, v50  }
0x211: {  	v53 =	vadd.s32 v24, v34;
	v41 =	vor.u32 v15, v52;
	v35 =	vadd.f32 v45, v35  }
0x212: {  	v54 =	vld.idx.msk [tilespmem:v39+s21+$0x0], $0xffff;
	v55 =	vand.u32 $0xFFFFFFF8, v53  }
0x213: {  	v56 =	vadd.s32 v25, v34;
	v39 =	vor.u32 v1, v55;
	v35 =	vadd.f32 v48, v35  }
0x214: {  	v57 =	vld.idx.msk [tilespmem:v40+s21+$0x0], $0xffff;
	v58 =	vand.u32 $0xFFFFFFF8, v56  }
0x215: {  	v59 =	vadd.s32 v26, v34;
	v40 =	vor.u32 v3, v58;
	v35 =	vadd.f32 v51, v35  }
0x216: {  	v60 =	vld.idx.msk [tilespmem:v41+s21+$0x0], $0xffff;
	v61 =	vand.u32 $0xFFFFFFF8, v59  }
0x217: {  	v62 =	vadd.s32 v27, v34;
	v41 =	vor.u32 v5, v61;
	v35 =	vadd.f32 v54, v35  }
0x218: {  	v44 =	vand.u32 $0xFFFFFFF8, v62;
	v63 =	vld.idx.msk [tilespmem:v39+s21+$0x0], $0xffff  }
0x219: {  	v39 =	vor.u32 v7, v44;
	v45 =	vadd.s32 v28, v34;
	v35 =	vadd.f32 v57, v35  }
0x21a: {  	v47 =	vand.u32 $0xFFFFFFF8, v45;
	v46 =	vld.idx.msk [tilespmem:v40+s21+$0x0], $0xffff  }
0x21b: {  	v40 =	vor.u32 v9, v47;
	v48 =	vadd.s32 v29, v34;
	v35 =	vadd.f32 v60, v35  }
0x21c: {  	v50 =	vand.u32 $0xFFFFFFF8, v48;
	v49 =	vld.idx.msk [tilespmem:v41+s21+$0x0], $0xffff  }
0x21d: {  	v41 =	vor.u32 v11, v50;
	v51 =	vadd.s32 v30, v34;
	v35 =	vadd.f32 v63, v35  }
0x21e: {  	v52 =	vld.idx.msk [tilespmem:v39+s21+$0x0], $0xffff;
	v53 =	vand.u32 $0xFFFFFFF8, v51  }
0x21f: {  	v39 =	vor.u32 v13, v53;
	v54 =	vadd.s32 v31, v34;
	v35 =	vadd.f32 v46, v35  }
0x220: {  	v55 =	vld.idx.msk [tilespmem:v40+s21+$0x0], $0xffff;
	v56 =	vand.u32 $0xFFFFFFF8, v54  }
0x221: {  	v40 =	vor.u32 v15, v56;
	v57 =	vadd.s32 v32, v34;
	v35 =	vadd.f32 v49, v35  }
0x222: {  	v58 =	vld.idx.msk [tilespmem:v41+s21+$0x0], $0xffff;
	v59 =	vand.u32 $0xFFFFFFF8, v57  }
0x223: {  	v34 =	vadd.s32 v33, v34;
	v41 =	vor.u32 v1, v59;
	v35 =	vadd.f32 v52, v35  }
0x224: {  	v34 =	vand.u32 $0xFFFFFFF8, v34;
	v60 =	vld.idx.msk [tilespmem:v39+s21+$0x0], $0xffff  }
0x225: {  	s30 =	simm.s32 $0x10;
	v34 =	vor.u32 v3, v34;
	v35 =	vadd.f32 v55, v35  }
0x226: {  	v62 =	vmov s30;
	v61 =	vld.idx.msk [tilespmem:v40+s21+$0x0], $0xffff  }
0x227: {  	v39 =	vmul.u32 $0x1A, v62;
	v35 =	vadd.f32 v58, v35  }
0x228: {  	v63 =	vld.idx.msk [tilespmem:v41+s21+$0x0], $0xffff  }
0x229: {  	v39 =	vbroadcast v39, $0x0;
	v35 =	vadd.f32 v60, v35  }
0x22a: {  	v34 =	vld.idx.msk [tilespmem:v34+s21+$0x0], $0xffff  }
0x22b: {  	v42 =	vadd.s32 v0, v39;
	v35 =	vadd.f32 v61, v35  }
0x22c: {  	v36 =	vand.u32 $0xFFFFFFF8, v42  }
0x22d: {  	v43 =	vadd.s32 v2, v39;
	v36 =	vor.u32 v1, v36;
	v35 =	vadd.f32 v63, v35  }
0x22e: {  	v37 =	vand.u32 $0xFFFFFFF8, v43  }
0x22f: {  	v44 =	vadd.s32 v4, v39;
	v37 =	vor.u32 v3, v37;
	v34 =	vadd.f32 v34, v35  }
0x230: {  	s13 =	simm.s32 $0xE800;
	v45 =	vand.u32 $0xFFFFFFF8, v44  }
0x231: {  	v46 =	vadd.s32 v6, v39;
	v35 =	vor.u32 v5, v45;
	[tilespmem:s13+$0x0] =	vst v34  }
0x232: {  	v47 =	vand.u32 $0xFFFFFFF8, v46;
	v34 =	vld.idx.msk [tilespmem:v36+s21+$0x0], $0xffff  }
0x233: {  	v48 =	vadd.s32 v8, v39;
	v36 =	vor.u32 v7, v47  }
0x234: {  	v38 =	vand.u32 $0xFFFFFFF8, v48;
	v37 =	vld.idx.msk [tilespmem:v37+s21+$0x0], $0xffff  }
0x235: {  	v49 =	vadd.s32 v10, v39;
	v38 =	vor.u32 v9, v38  }
0x236: {  	v40 =	vand.u32 $0xFFFFFFF8, v49;
	v35 =	vld.idx.msk [tilespmem:v35+s21+$0x0], $0xffff  }
0x237: {  	v50 =	vadd.s32 v12, v39;
	v40 =	vor.u32 v11, v40;
	v34 =	vadd.f32 $0.0e+00, v34  }
0x238: {  	v41 =	vand.u32 $0xFFFFFFF8, v50;
	v36 =	vld.idx.msk [tilespmem:v36+s21+$0x0], $0xffff  }
0x239: {  	v51 =	vadd.s32 v14, v39;
	v41 =	vor.u32 v13, v41;
	v34 =	vadd.f32 v37, v34  }
0x23a: {  	v53 =	vand.u32 $0xFFFFFFF8, v51;
	v52 =	vld.idx.msk [tilespmem:v38+s21+$0x0], $0xffff  }
0x23b: {  	v54 =	vadd.s32 v16, v39;
	v38 =	vor.u32 v15, v53;
	v34 =	vadd.f32 v35, v34  }
0x23c: {  	v56 =	vand.u32 $0xFFFFFFF8, v54;
	v55 =	vld.idx.msk [tilespmem:v40+s21+$0x0], $0xffff  }
0x23d: {  	v57 =	vadd.s32 v17, v39;
	v40 =	vor.u32 v1, v56;
	v34 =	vadd.f32 v36, v34  }
0x23e: {  	v59 =	vand.u32 $0xFFFFFFF8, v57;
	v58 =	vld.idx.msk [tilespmem:v41+s21+$0x0], $0xffff  }
0x23f: {  	v60 =	vadd.s32 v18, v39;
	v41 =	vor.u32 v3, v59;
	v34 =	vadd.f32 v52, v34  }
0x240: {  	v62 =	vand.u32 $0xFFFFFFF8, v60;
	v61 =	vld.idx.msk [tilespmem:v38+s21+$0x0], $0xffff  }
0x241: {  	v63 =	vadd.s32 v19, v39;
	v38 =	vor.u32 v5, v62;
	v34 =	vadd.f32 v55, v34  }
0x242: {  	v46 =	vand.u32 $0xFFFFFFF8, v63;
	v45 =	vld.idx.msk [tilespmem:v40+s21+$0x0], $0xffff  }
0x243: {  	v47 =	vadd.s32 v20, v39;
	v40 =	vor.u32 v7, v46;
	v34 =	vadd.f32 v58, v34  }
0x244: {  	v49 =	vand.u32 $0xFFFFFFF8, v47;
	v48 =	vld.idx.msk [tilespmem:v41+s21+$0x0], $0xffff  }
0x245: {  	v50 =	vadd.s32 v21, v39;
	v41 =	vor.u32 v9, v49;
	v34 =	vadd.f32 v61, v34  }
0x246: {  	v51 =	vld.idx.msk [tilespmem:v38+s21+$0x0], $0xffff;
	v52 =	vand.u32 $0xFFFFFFF8, v50  }
0x247: {  	v53 =	vadd.s32 v22, v39;
	v38 =	vor.u32 v11, v52;
	v34 =	vadd.f32 v45, v34  }
0x248: {  	v54 =	vld.idx.msk [tilespmem:v40+s21+$0x0], $0xffff;
	v55 =	vand.u32 $0xFFFFFFF8, v53  }
0x249: {  	v56 =	vadd.s32 v23, v39;
	v40 =	vor.u32 v13, v55;
	v34 =	vadd.f32 v48, v34  }
0x24a: {  	v57 =	vld.idx.msk [tilespmem:v41+s21+$0x0], $0xffff;
	v58 =	vand.u32 $0xFFFFFFF8, v56  }
0x24b: {  	v59 =	vadd.s32 v24, v39;
	v41 =	vor.u32 v15, v58;
	v34 =	vadd.f32 v51, v34  }
0x24c: {  	v60 =	vld.idx.msk [tilespmem:v38+s21+$0x0], $0xffff;
	v61 =	vand.u32 $0xFFFFFFF8, v59  }
0x24d: {  	v62 =	vadd.s32 v25, v39;
	v38 =	vor.u32 v1, v61;
	v34 =	vadd.f32 v54, v34  }
0x24e: {  	v63 =	vld.idx.msk [tilespmem:v40+s21+$0x0], $0xffff;
	v45 =	vand.u32 $0xFFFFFFF8, v62  }
0x24f: {  	v46 =	vadd.s32 v26, v39;
	v40 =	vor.u32 v3, v45;
	v34 =	vadd.f32 v57, v34  }
0x250: {  	v47 =	vld.idx.msk [tilespmem:v41+s21+$0x0], $0xffff;
	v48 =	vand.u32 $0xFFFFFFF8, v46  }
0x251: {  	v49 =	vadd.s32 v27, v39;
	v41 =	vor.u32 v5, v48;
	v34 =	vadd.f32 v60, v34  }
0x252: {  	v50 =	vld.idx.msk [tilespmem:v38+s21+$0x0], $0xffff;
	v51 =	vand.u32 $0xFFFFFFF8, v49  }
0x253: {  	v52 =	vadd.s32 v28, v39;
	v38 =	vor.u32 v7, v51;
	v34 =	vadd.f32 v63, v34  }
0x254: {  	v53 =	vld.idx.msk [tilespmem:v40+s21+$0x0], $0xffff;
	v54 =	vand.u32 $0xFFFFFFF8, v52  }
0x255: {  	v55 =	vadd.s32 v29, v39;
	v40 =	vor.u32 v9, v54;
	v34 =	vadd.f32 v47, v34  }
0x256: {  	v36 =	vand.u32 $0xFFFFFFF8, v55;
	v41 =	vld.idx.msk [tilespmem:v41+s21+$0x0], $0xffff  }
0x257: {  	v56 =	vadd.s32 v30, v39;
	v36 =	vor.u32 v11, v36;
	v34 =	vadd.f32 v50, v34  }
0x258: {  	v58 =	vand.u32 $0xFFFFFFF8, v56;
	v57 =	vld.idx.msk [tilespmem:v38+s21+$0x0], $0xffff  }
0x259: {  	v59 =	vadd.s32 v31, v39;
	v38 =	vor.u32 v13, v58;
	v34 =	vadd.f32 v53, v34  }
0x25a: {  	v61 =	vadd.s32 v32, v39;
	v60 =	vand.u32 $0xFFFFFFF8, v59;
	v40 =	vld.idx.msk [tilespmem:v40+s21+$0x0], $0xffff  }
0x25b: {  	v62 =	vand.u32 $0xFFFFFFF8, v61;
	v42 =	vor.u32 v15, v60;
	v34 =	vadd.f32 v41, v34  }
0x25c: {  	v39 =	vadd.s32 v33, v39;
	v37 =	vor.u32 v1, v62;
	v35 =	vld.idx.msk [tilespmem:v36+s21+$0x0], $0xffff  }
0x25d: {  	v63 =	vand.u32 $0xFFFFFFF8, v39;
	v34 =	vadd.f32 v57, v34  }
0x25e: {  	v39 =	vor.u32 v3, v63;
	v36 =	vld.idx.msk [tilespmem:v38+s21+$0x0], $0xffff  }
0x25f: {  	s31 =	simm.s32 $0x20;
	v34 =	vadd.f32 v40, v34  }
0x260: {  	s14 =	simm.s32 $0x30;
	v38 =	vld.idx.msk [tilespmem:v42+s21+$0x0], $0xffff;
	v40 =	vmov s31  }
.LBB2_4:
0x261: {  	p0 =	sne.s32 s14, $0x1F0;
	v40 =	vmul.u32 $0x1A, v40;
	v35 =	vadd.f32 v35, v34;
	v37 =	vld.idx.msk [tilespmem:v37+s21+$0x0], $0xffff;
	_ =	sdelay $0x1  }
0x262: {  	v34 =	vbroadcast v40, $0x0;
	v35 =	vadd.f32 v36, v35;
	v36 =	vld.idx.msk [tilespmem:v39+s21+$0x0], $0xffff;
	_ =	sdelay $0x1  }
0x263: {  	v39 =	vadd.s32 v0, v34;
	v35 =	vadd.f32 v38, v35  }
0x264: {  	v38 =	vand.u32 $0xFFFFFFF8, v39  }
0x265: {  	v39 =	vadd.s32 v2, v34;
	v38 =	vor.u32 v1, v38;
	v35 =	vadd.f32 v37, v35  }
0x266: {  	v37 =	vand.u32 $0xFFFFFFF8, v39  }
0x267: {  	v39 =	vadd.s32 v4, v34;
	v37 =	vor.u32 v3, v37;
	v35 =	vadd.f32 v36, v35  }
0x268: {  	s13 =	sadd.s32 $0x10, s13;
	v36 =	vand.u32 $0xFFFFFFF8, v39  }
0x269: {  	v39 =	vadd.s32 v6, v34;
	v36 =	vor.u32 v5, v36;
	[tilespmem:s13+$0x0] =	vst v35  }
0x26a: {  	v35 =	vld.idx.msk [tilespmem:v38+s21+$0x0], $0xffff;
	v38 =	vand.u32 $0xFFFFFFF8, v39  }
0x26b: {  	v39 =	vadd.s32 v8, v34;
	v38 =	vor.u32 v7, v38  }
0x26c: {  	v39 =	vand.u32 $0xFFFFFFF8, v39;
	v37 =	vld.idx.msk [tilespmem:v37+s21+$0x0], $0xffff  }
0x26d: {  	v40 =	vadd.s32 v10, v34;
	v39 =	vor.u32 v9, v39  }
0x26e: {  	v40 =	vand.u32 $0xFFFFFFF8, v40;
	v36 =	vld.idx.msk [tilespmem:v36+s21+$0x0], $0xffff  }
0x26f: {  	v41 =	vadd.s32 v12, v34;
	v40 =	vor.u32 v11, v40  }
0x270: {  	v41 =	vand.u32 $0xFFFFFFF8, v41;
	v35 =	vadd.f32 $0.0e+00, v35;
	v38 =	vld.idx.msk [tilespmem:v38+s21+$0x0], $0xffff  }
0x271: {  	v42 =	vadd.s32 v14, v34;
	v41 =	vor.u32 v13, v41  }
0x272: {  	v35 =	vadd.f32 v37, v35;
	v37 =	vld.idx.msk [tilespmem:v39+s21+$0x0], $0xffff;
	v39 =	vand.u32 $0xFFFFFFF8, v42  }
0x273: {  	v42 =	vadd.s32 v16, v34;
	v39 =	vor.u32 v15, v39  }
0x274: {  	v35 =	vadd.f32 v36, v35;
	v36 =	vld.idx.msk [tilespmem:v40+s21+$0x0], $0xffff;
	v40 =	vand.u32 $0xFFFFFFF8, v42  }
0x275: {  	v42 =	vadd.s32 v17, v34;
	v40 =	vor.u32 v1, v40  }
0x276: {  	v35 =	vadd.f32 v38, v35;
	v38 =	vld.idx.msk [tilespmem:v41+s21+$0x0], $0xffff;
	v41 =	vand.u32 $0xFFFFFFF8, v42  }
0x277: {  	v42 =	vadd.s32 v18, v34;
	v41 =	vor.u32 v3, v41  }
0x278: {  	v35 =	vadd.f32 v37, v35;
	v37 =	vld.idx.msk [tilespmem:v39+s21+$0x0], $0xffff;
	v39 =	vand.u32 $0xFFFFFFF8, v42  }
0x279: {  	v42 =	vadd.s32 v19, v34;
	v39 =	vor.u32 v5, v39  }
0x27a: {  	v35 =	vadd.f32 v36, v35;
	v36 =	vld.idx.msk [tilespmem:v40+s21+$0x0], $0xffff;
	v40 =	vand.u32 $0xFFFFFFF8, v42  }
0x27b: {  	v42 =	vadd.s32 v20, v34;
	v40 =	vor.u32 v7, v40  }
0x27c: {  	v35 =	vadd.f32 v38, v35;
	v38 =	vld.idx.msk [tilespmem:v41+s21+$0x0], $0xffff;
	v41 =	vand.u32 $0xFFFFFFF8, v42  }
0x27d: {  	v42 =	vadd.s32 v21, v34;
	v41 =	vor.u32 v9, v41  }
0x27e: {  	v35 =	vadd.f32 v37, v35;
	v37 =	vld.idx.msk [tilespmem:v39+s21+$0x0], $0xffff;
	v39 =	vand.u32 $0xFFFFFFF8, v42  }
0x27f: {  	v42 =	vadd.s32 v22, v34;
	v39 =	vor.u32 v11, v39  }
0x280: {  	v35 =	vadd.f32 v36, v35;
	v36 =	vld.idx.msk [tilespmem:v40+s21+$0x0], $0xffff;
	v40 =	vand.u32 $0xFFFFFFF8, v42  }
0x281: {  	v42 =	vadd.s32 v23, v34;
	v40 =	vor.u32 v13, v40  }
0x282: {  	v35 =	vadd.f32 v38, v35;
	v38 =	vld.idx.msk [tilespmem:v41+s21+$0x0], $0xffff;
	v41 =	vand.u32 $0xFFFFFFF8, v42  }
0x283: {  	v42 =	vadd.s32 v24, v34;
	v41 =	vor.u32 v15, v41  }
0x284: {  	v35 =	vadd.f32 v37, v35;
	v37 =	vld.idx.msk [tilespmem:v39+s21+$0x0], $0xffff;
	v39 =	vand.u32 $0xFFFFFFF8, v42  }
0x285: {  	v42 =	vadd.s32 v25, v34;
	v39 =	vor.u32 v1, v39  }
0x286: {  	v35 =	vadd.f32 v36, v35;
	v36 =	vld.idx.msk [tilespmem:v40+s21+$0x0], $0xffff;
	v40 =	vand.u32 $0xFFFFFFF8, v42  }
0x287: {  	v42 =	vadd.s32 v26, v34;
	v40 =	vor.u32 v3, v40  }
0x288: {  	v35 =	vadd.f32 v38, v35;
	v38 =	vld.idx.msk [tilespmem:v41+s21+$0x0], $0xffff;
	v41 =	vand.u32 $0xFFFFFFF8, v42  }
0x289: {  	v42 =	vadd.s32 v27, v34;
	v41 =	vor.u32 v5, v41  }
0x28a: {  	v35 =	vadd.f32 v37, v35;
	v37 =	vld.idx.msk [tilespmem:v39+s21+$0x0], $0xffff;
	v39 =	vand.u32 $0xFFFFFFF8, v42  }
0x28b: {  	v42 =	vadd.s32 v28, v34;
	v39 =	vor.u32 v7, v39  }
0x28c: {  	v35 =	vadd.f32 v36, v35;
	v36 =	vld.idx.msk [tilespmem:v40+s21+$0x0], $0xffff;
	v40 =	vand.u32 $0xFFFFFFF8, v42  }
0x28d: {  	v42 =	vadd.s32 v29, v34;
	v40 =	vor.u32 v9, v40  }
0x28e: {  	v35 =	vadd.f32 v38, v35;
	v38 =	vld.idx.msk [tilespmem:v41+s21+$0x0], $0xffff;
	v41 =	vand.u32 $0xFFFFFFF8, v42  }
0x28f: {  	v42 =	vadd.s32 v30, v34;
	v41 =	vor.u32 v11, v41  }
0x290: {  	v35 =	vadd.f32 v37, v35;
	v37 =	vand.u32 $0xFFFFFFF8, v42;
	v39 =	vld.idx.msk [tilespmem:v39+s21+$0x0], $0xffff  }
0x291: {  	v42 =	vor.u32 v13, v37;
	v37 =	vadd.s32 v31, v34  }
0x292: {  	v35 =	vadd.f32 v36, v35;
	v36 =	vand.u32 $0xFFFFFFF8, v37;
	v40 =	vld.idx.msk [tilespmem:v40+s21+$0x0], $0xffff  }
0x293: {  	v43 =	vor.u32 v15, v36;
	v36 =	vadd.s32 v32, v34  }
0x294: {  	v38 =	vadd.f32 v38, v35;
	v36 =	vand.u32 $0xFFFFFFF8, v36;
	v35 =	vld.idx.msk [tilespmem:v41+s21+$0x0], $0xffff  }
.Ltmp1:
0x295: {  	v34 =	vadd.s32 v33, v34;
	v37 =	vor.u32 v1, v36;
	(pc) =	sbr.rel @p0 .LBB2_4-.Ltmp1, $4  }
0x296: {  	v34 =	vand.u32 $0xFFFFFFF8, v34;
	v38 =	vadd.f32 v39, v38;
	v36 =	vld.idx.msk [tilespmem:v42+s21+$0x0], $0xffff  }
0x297: {  	v39 =	vor.u32 v3, v34  }
0x298: {  	v34 =	vadd.f32 v40, v38;
	v38 =	vld.idx.msk [tilespmem:v43+s21+$0x0], $0xffff  }
0x299: {  	v40 =	vmov s14;
	s14 =	sadd.s32 $0x10, s14  }
0x29a: {  	_ =	sdelay $0x2  }
0x29b: {  	v40 =	vmul.u32 $0x1A, v40;
	v34 =	vadd.f32 v35, v34  }
0x29c: {  	v57 =	vld.idx.msk [tilespmem:v37+s21+$0x0], $0xffff  }
0x29d: {  	v37 =	vbroadcast v40, $0x0;
	v34 =	vadd.f32 v36, v34  }
0x29e: {  	v58 =	vld.idx.msk [tilespmem:v39+s21+$0x0], $0xffff  }
0x29f: {  	v59 =	vadd.s32 v0, v37;
	v34 =	vadd.f32 v38, v34  }
0x2a0: {  	v60 =	vand.u32 $0xFFFFFFF8, v59  }
0x2a1: {  	v61 =	vadd.s32 v2, v37;
	v38 =	vor.u32 v1, v60;
	v34 =	vadd.f32 v57, v34  }
0x2a2: {  	v62 =	vand.u32 $0xFFFFFFF8, v61  }
0x2a3: {  	v63 =	vadd.s32 v4, v37;
	v35 =	vor.u32 v3, v62;
	v34 =	vadd.f32 v58, v34  }
0x2a4: {  	s1 =	sadd.s32 $0x10, s13;
	v42 =	vand.u32 $0xFFFFFFF8, v63  }
0x2a5: {  	v43 =	vadd.s32 v6, v37;
	v36 =	vor.u32 v5, v42;
	[tilespmem:s1+$0x0] =	vst v34  }
0x2a6: {  	v44 =	vand.u32 $0xFFFFFFF8, v43;
	v34 =	vld.idx.msk [tilespmem:v38+s21+$0x0], $0xffff  }
0x2a7: {  	v45 =	vadd.s32 v8, v37;
	v38 =	vor.u32 v7, v44  }
0x2a8: {  	v39 =	vand.u32 $0xFFFFFFF8, v45;
	v35 =	vld.idx.msk [tilespmem:v35+s21+$0x0], $0xffff  }
0x2a9: {  	v40 =	vadd.s32 v10, v37;
	v39 =	vor.u32 v9, v39  }
0x2aa: {  	v40 =	vand.u32 $0xFFFFFFF8, v40;
	v36 =	vld.idx.msk [tilespmem:v36+s21+$0x0], $0xffff  }
0x2ab: {  	v41 =	vadd.s32 v12, v37;
	v40 =	vor.u32 v11, v40;
	v34 =	vadd.f32 $0.0e+00, v34  }
0x2ac: {  	v41 =	vand.u32 $0xFFFFFFF8, v41;
	v38 =	vld.idx.msk [tilespmem:v38+s21+$0x0], $0xffff  }
0x2ad: {  	v41 =	vor.u32 v13, v41;
	v42 =	vadd.s32 v14, v37;
	v34 =	vadd.f32 v35, v34  }
0x2ae: {  	v47 =	vand.u32 $0xFFFFFFF8, v42;
	v46 =	vld.idx.msk [tilespmem:v39+s21+$0x0], $0xffff  }
0x2af: {  	v48 =	vadd.s32 v16, v37;
	v39 =	vor.u32 v15, v47;
	v34 =	vadd.f32 v36, v34  }
0x2b0: {  	v50 =	vand.u32 $0xFFFFFFF8, v48;
	v49 =	vld.idx.msk [tilespmem:v40+s21+$0x0], $0xffff  }
0x2b1: {  	v51 =	vadd.s32 v17, v37;
	v40 =	vor.u32 v1, v50;
	v34 =	vadd.f32 v38, v34  }
0x2b2: {  	v53 =	vand.u32 $0xFFFFFFF8, v51;
	v52 =	vld.idx.msk [tilespmem:v41+s21+$0x0], $0xffff  }
0x2b3: {  	v54 =	vadd.s32 v18, v37;
	v41 =	vor.u32 v3, v53;
	v34 =	vadd.f32 v46, v34  }
0x2b4: {  	v56 =	vand.u32 $0xFFFFFFF8, v54;
	v55 =	vld.idx.msk [tilespmem:v39+s21+$0x0], $0xffff  }
0x2b5: {  	v57 =	vadd.s32 v19, v37;
	v39 =	vor.u32 v5, v56;
	v34 =	vadd.f32 v49, v34  }
0x2b6: {  	v59 =	vand.u32 $0xFFFFFFF8, v57;
	v58 =	vld.idx.msk [tilespmem:v40+s21+$0x0], $0xffff  }
0x2b7: {  	v60 =	vadd.s32 v20, v37;
	v40 =	vor.u32 v7, v59;
	v34 =	vadd.f32 v52, v34  }
0x2b8: {  	v62 =	vand.u32 $0xFFFFFFF8, v60;
	v61 =	vld.idx.msk [tilespmem:v41+s21+$0x0], $0xffff  }
0x2b9: {  	v63 =	vadd.s32 v21, v37;
	v41 =	vor.u32 v9, v62;
	v34 =	vadd.f32 v55, v34  }
0x2ba: {  	v45 =	vld.idx.msk [tilespmem:v39+s21+$0x0], $0xffff;
	v46 =	vand.u32 $0xFFFFFFF8, v63  }
0x2bb: {  	v47 =	vadd.s32 v22, v37;
	v39 =	vor.u32 v11, v46;
	v34 =	vadd.f32 v58, v34  }
0x2bc: {  	v48 =	vld.idx.msk [tilespmem:v40+s21+$0x0], $0xffff;
	v49 =	vand.u32 $0xFFFFFFF8, v47  }
0x2bd: {  	v50 =	vadd.s32 v23, v37;
	v40 =	vor.u32 v13, v49;
	v34 =	vadd.f32 v61, v34  }
0x2be: {  	v51 =	vld.idx.msk [tilespmem:v41+s21+$0x0], $0xffff;
	v52 =	vand.u32 $0xFFFFFFF8, v50  }
0x2bf: {  	v53 =	vadd.s32 v24, v37;
	v41 =	vor.u32 v15, v52;
	v34 =	vadd.f32 v45, v34  }
0x2c0: {  	v54 =	vld.idx.msk [tilespmem:v39+s21+$0x0], $0xffff;
	v55 =	vand.u32 $0xFFFFFFF8, v53  }
0x2c1: {  	v56 =	vadd.s32 v25, v37;
	v39 =	vor.u32 v1, v55;
	v34 =	vadd.f32 v48, v34  }
0x2c2: {  	v57 =	vld.idx.msk [tilespmem:v40+s21+$0x0], $0xffff;
	v58 =	vand.u32 $0xFFFFFFF8, v56  }
0x2c3: {  	v59 =	vadd.s32 v26, v37;
	v40 =	vor.u32 v3, v58;
	v34 =	vadd.f32 v51, v34  }
0x2c4: {  	v60 =	vld.idx.msk [tilespmem:v41+s21+$0x0], $0xffff;
	v61 =	vand.u32 $0xFFFFFFF8, v59  }
0x2c5: {  	v62 =	vadd.s32 v27, v37;
	v41 =	vor.u32 v5, v61;
	v34 =	vadd.f32 v54, v34  }
0x2c6: {  	v44 =	vand.u32 $0xFFFFFFF8, v62;
	v63 =	vld.idx.msk [tilespmem:v39+s21+$0x0], $0xffff  }
0x2c7: {  	v39 =	vor.u32 v7, v44;
	v45 =	vadd.s32 v28, v37;
	v34 =	vadd.f32 v57, v34  }
0x2c8: {  	v47 =	vand.u32 $0xFFFFFFF8, v45;
	v46 =	vld.idx.msk [tilespmem:v40+s21+$0x0], $0xffff  }
0x2c9: {  	v40 =	vor.u32 v9, v47;
	v48 =	vadd.s32 v29, v37;
	v34 =	vadd.f32 v60, v34  }
0x2ca: {  	v50 =	vand.u32 $0xFFFFFFF8, v48;
	v49 =	vld.idx.msk [tilespmem:v41+s21+$0x0], $0xffff  }
0x2cb: {  	v41 =	vor.u32 v11, v50;
	v51 =	vadd.s32 v30, v37;
	v34 =	vadd.f32 v63, v34  }
0x2cc: {  	v52 =	vld.idx.msk [tilespmem:v39+s21+$0x0], $0xffff;
	v53 =	vand.u32 $0xFFFFFFF8, v51  }
0x2cd: {  	v39 =	vor.u32 v13, v53;
	v54 =	vadd.s32 v31, v37;
	v34 =	vadd.f32 v46, v34  }
0x2ce: {  	v55 =	vld.idx.msk [tilespmem:v40+s21+$0x0], $0xffff;
	v56 =	vand.u32 $0xFFFFFFF8, v54  }
0x2cf: {  	v40 =	vor.u32 v15, v56;
	v57 =	vadd.s32 v32, v37;
	v34 =	vadd.f32 v49, v34  }
0x2d0: {  	v58 =	vld.idx.msk [tilespmem:v41+s21+$0x0], $0xffff;
	v59 =	vand.u32 $0xFFFFFFF8, v57  }
0x2d1: {  	v37 =	vadd.s32 v33, v37;
	v41 =	vor.u32 v1, v59;
	v34 =	vadd.f32 v52, v34  }
0x2d2: {  	v37 =	vand.u32 $0xFFFFFFF8, v37;
	v60 =	vld.idx.msk [tilespmem:v39+s21+$0x0], $0xffff  }
0x2d3: {  	v37 =	vor.u32 v3, v37;
	v34 =	vadd.f32 v55, v34  }
0x2d4: {  	v61 =	vld.idx.msk [tilespmem:v40+s21+$0x0], $0xffff  }
0x2d5: {  	v34 =	vadd.f32 v58, v34  }
0x2d6: {  	v62 =	vld.idx.msk [tilespmem:v41+s21+$0x0], $0xffff  }
0x2d7: {  	v34 =	vadd.f32 v60, v34  }
0x2d8: {  	v63 =	vld.idx.msk [tilespmem:v37+s21+$0x0], $0xffff  }
0x2d9: {  	v34 =	vadd.f32 v61, v34;
	_ =	sdelay $0x1  }
0x2da: {  	v34 =	vadd.f32 v62, v34;
	_ =	sdelay $0x1  }
0x2db: {  	v34 =	vadd.f32 v63, v34  }
0x2dc: {  	s0 =	sadd.s32 $0x10, s1  }
0x2dd: {  	s29 =	rddreg [dreg:$0x12];
	s30 =	simm.s32 $0xE800;
	[tilespmem:s0+$0x0] =	vst v34  }
0x2de: {  	[hbm4b:s29+s2] =	stream.linear.scatter [tilespmem:s30], [sflag:$0x4], $0x200, $0x38;
	[tilespmem:$0xEA00] =	vst v63  }
0x2df: {  	_ =	swait.ge [sflag:s18], $0x200  }
0x2e0: {  	s12 =	sadd.s32 $0x1, s12;
	s31 =	rddreg [dreg:$0x13]  }
0x2e1: {  	p0 =	sne.s32 s12, s31  }
.Ltmp2:
0x2e2: {  	_ = 	snop;
	(pc) =	sbr.rel @p0 .LBB2_1-.Ltmp2, $3  }
0x2e3: {  	_ =	sdelay $0x1  }
0x2e4: {  	[sflag:s18] =	ssyncset.done $0x0  }
0x2e5: {  	[sflag:s18] =	ssyncadd.s32 $0xFFFFFE00  }
0x2e6: {  	_ =	sfence.sel $0x180000  }
0x2e7: {  	[bflag:$0x0] =	sbarrier.arrive $0xFFFF  }
0x2e8: {  	_ =	strace $0x90000047  }
0x2e9: {  	s0 =	stileid.u32;
	[bflag:$0x2] =	sbarrier.arrive $0xFFFF  }
0x2ea: {  	p0 =	sne.s32 s0, $0x0;
	s0 =	rddreg [dreg:$0x2]  }
0x2eb: {  	s0 =	sadd.s32 @!p0 $0x100000, s0  }
0x2ec: {  	[sflag:s0] =	ssyncadd.tile.s32 @!p0 $0x1;
	_ =	shalt  }
.Lfunc_end2:
_tile_overlayer_lowered:
.L_overlay_start_2:
0x2ed: {  	(tag) =	ssettag $0x2  }
0x2ee: {  	s0 =	rddreg [dreg:$0x0];
	s2 =	stileid.u32  }
0x2ef: {  	s1 =	rddreg [dreg:$0x1];
	p0 =	sne.s32 s2, $0x0  }
0x2f0: {  	s3 =	rddreg [dreg:$0x2];
	[bflag:$0x3] =	sbarrier.arrive $0xFFFF;
	s2 =	simm.s32 @!p0 $0x1C04  }
0x2f1: {  	[timem:s3], [sflag:s2] =	dma.local @!p0 [hbm:s0], s1  }
0x2f2: {  	s0 =	simm.s32 @!p0 $0x4  }
0x2f3: {  	_ =	swait.ge @!p0 [sflag:s0], s1  }
0x2f4: {  	s1 =	ssub.s32 @!p0 $0x0, s1;
	[sflag:s0] =	ssyncset.done @!p0 $0x0  }
0x2f5: {  	[sflag:s0] =	ssyncadd.s32 @!p0 s1  }
0x2f6: {  	[bflag:$0x3] =	sbarrier.arrive $0xFFFF  }
0x2f7: {  	_ =	shalt  }

</sc_bundles>
